<compile_context>
chip_gen: v7x
topology: tpu7x:2x2x1
jax: 0.10.2.dev20260603
libtpu: 0.0.44.dev20260713+nightly
codegen_flags: <defaults>
</compile_context>

<pallas_src>
import functools

import jax
import jax.numpy as jnp
from jax import lax
from jax.experimental import pallas as pl
from jax.experimental.pallas import tpu as pltpu
from jax.experimental.pallas import tpu_sc as plsc

_LAMBDA_1 = 1.0
_LAMBDA_2 = 1.0

_N = 1_000_000
_NC = 2
_NS = 16
_NW = _NC * _NS
_L = 16

_C = 8192
_SPB = 128
_NCHUNKS = _N // _C
_TMAX = -(-_NCHUNKS // _NW)
_REM = _N - _NCHUNKS * _C
_TAIL_BASE = _NCHUNKS * _C
_TAIL_A = (_REM // _SPB) * _SPB
_TAIL_B_BASE = _N - _SPB
_TAIL_LEN = _TAIL_A + _SPB
_TAIL_SKIP = range(_TAIL_A // _L, (_TAIL_A + (_SPB - (_REM - _TAIL_A))) // _L)


def _pair_loss_vec(ti, tj, pi, pj):
    eq = ti == tj
    s = jnp.where(eq, jnp.float32(-1.0), jnp.float32(1.0))
    margin = jnp.abs(ti - tj)
    lt = jnp.maximum(margin - s * jnp.abs(pi - pj), jnp.float32(0.0))
    term = lt * lt
    return jnp.where(eq, jnp.float32(_LAMBDA_1) * term,
                     jnp.float32(_LAMBDA_2) * term)


def _body(yt_hbm, yp_hbm, dst_hbm, out_hbm,
          idx_v0, idx_v1, lin_t0, lin_t1, lin_p0, lin_p1,
          gat_t0, gat_t1, gat_p0, gat_p1, acc,
          sem_lin0, sem_lin1, sem_gat0, sem_gat1):
    sid = lax.axis_index("s")
    wid = lax.axis_index("c") * _NS + sid
    acc[...] = jnp.zeros((_L,), jnp.float32)

    idx_v = (idx_v0, idx_v1)
    lin_t = (lin_t0, lin_t1)
    lin_p = (lin_p0, lin_p1)
    gat_t = (gat_t0, gat_t1)
    gat_p = (gat_p0, gat_p1)
    sem_lin = (sem_lin0, sem_lin1)
    sem_gat = (sem_gat0, sem_gat1)

    n_extra = _NCHUNKS % _NW
    n_mine = jnp.where(wid < n_extra, _NCHUNKS // _NW + 1, _NCHUNKS // _NW)

    def issue(t):
        s = t % 2

        @pl.when(t < n_mine)
        def _():
            base = pl.multiple_of((wid + t * _NW) * _C, _C)
            pltpu.sync_copy(dst_hbm.at[pl.ds(base, _C)], idx_v[s])
            pltpu.async_copy(yt_hbm.at[pl.ds(base, _C)], lin_t[s],
                             sem_lin[s])
            pltpu.async_copy(yp_hbm.at[pl.ds(base, _C)], lin_p[s],
                             sem_lin[s])

            def fire(j, carry):
                sl = pl.ds(j * _SPB, _SPB)
                pltpu.async_copy(yt_hbm.at[idx_v[s].at[sl]],
                                 gat_t[s].at[sl], sem_gat[s])
                pltpu.async_copy(yp_hbm.at[idx_v[s].at[sl]],
                                 gat_p[s].at[sl], sem_gat[s])
                return carry

            lax.fori_loop(0, _C // _SPB, fire, 0)

    def consume(t):
        s = t % 2

        @pl.when(t < n_mine)
        def _():
            pltpu.make_async_copy(yt_hbm.at[pl.ds(0, _C)], lin_t[s],
                                  sem_lin[s]).wait()
            pltpu.make_async_copy(yp_hbm.at[pl.ds(0, _C)], lin_p[s],
                                  sem_lin[s]).wait()
            pltpu.make_async_copy(yt_hbm.at[pl.ds(0, _C)], gat_t[s],
                                  sem_gat[s]).wait()
            pltpu.make_async_copy(yp_hbm.at[pl.ds(0, _C)], gat_p[s],
                                  sem_gat[s]).wait()

            def step(k, part):
                sl = pl.ds(k * _L, _L)
                return part + _pair_loss_vec(lin_t[s][sl], gat_t[s][sl],
                                             lin_p[s][sl], gat_p[s][sl])

            part = lax.fori_loop(0, _C // _L, step,
                                 jnp.zeros((_L,), jnp.float32))
            acc[...] = acc[...] + part

    issue(0)
    for t in range(_TMAX):
        if t + 1 < _TMAX:
            issue(t + 1)
        consume(t)

    @pl.when(wid == _NW - 1)
    def _tail():
        cps = []
        if _TAIL_A:
            pltpu.sync_copy(dst_hbm.at[pl.ds(_TAIL_BASE, _TAIL_A)],
                            idx_v0.at[pl.ds(0, _TAIL_A)])
            cps += [
                pltpu.async_copy(yt_hbm.at[pl.ds(_TAIL_BASE, _TAIL_A)],
                                 lin_t0.at[pl.ds(0, _TAIL_A)], sem_lin0),
                pltpu.async_copy(yp_hbm.at[pl.ds(_TAIL_BASE, _TAIL_A)],
                                 lin_p0.at[pl.ds(0, _TAIL_A)], sem_lin0),
            ]
        pltpu.sync_copy(dst_hbm.at[pl.ds(_TAIL_B_BASE, _SPB)],
                        idx_v0.at[pl.ds(_TAIL_A, _SPB)])
        cps += [
            pltpu.async_copy(yt_hbm.at[pl.ds(_TAIL_B_BASE, _SPB)],
                             lin_t0.at[pl.ds(_TAIL_A, _SPB)], sem_lin0),
            pltpu.async_copy(yp_hbm.at[pl.ds(_TAIL_B_BASE, _SPB)],
                             lin_p0.at[pl.ds(_TAIL_A, _SPB)], sem_lin0),
        ]
        gathers = []
        for j in range(_TAIL_LEN // _SPB):
            sl = pl.ds(j * _SPB, _SPB)
            gathers.append(
                pltpu.async_copy(yt_hbm.at[idx_v0.at[sl]],
                                 gat_t0.at[sl], sem_gat0))
            gathers.append(
                pltpu.async_copy(yp_hbm.at[idx_v0.at[sl]],
                                 gat_p0.at[sl], sem_gat0))
        for c in cps:
            c.wait()
        for g in gathers:
            g.wait()
        part = jnp.zeros((_L,), jnp.float32)
        for k in range(_TAIL_LEN // _L):
            if k in _TAIL_SKIP:
                continue
            sl = pl.ds(k * _L, _L)
            part = part + _pair_loss_vec(lin_t0[sl], gat_t0[sl],
                                         lin_p0[sl], gat_p0[sl])
        acc[...] = acc[...] + part

    pltpu.sync_copy(acc, out_hbm.at[wid])


@jax.jit
def _pair_loss_sum(y_true, y_pred, dst):
    mesh = plsc.VectorSubcoreMesh(core_axis_name="c", subcore_axis_name="s")
    fn = functools.partial(
        pl.kernel,
        mesh=mesh,
        out_type=jax.ShapeDtypeStruct((_NW, _L), jnp.float32),
        scratch_types=[
            pltpu.VMEM((_C,), jnp.int32),
            pltpu.VMEM((_C,), jnp.int32),
            pltpu.VMEM((_C,), jnp.float32),
            pltpu.VMEM((_C,), jnp.float32),
            pltpu.VMEM((_C,), jnp.float32),
            pltpu.VMEM((_C,), jnp.float32),
            pltpu.VMEM((_C,), jnp.float32),
            pltpu.VMEM((_C,), jnp.float32),
            pltpu.VMEM((_C,), jnp.float32),
            pltpu.VMEM((_C,), jnp.float32),
            pltpu.VMEM((_L,), jnp.float32),
            pltpu.SemaphoreType.DMA,
            pltpu.SemaphoreType.DMA,
            pltpu.SemaphoreType.DMA,
            pltpu.SemaphoreType.DMA,
        ],
    )(_body)
    return fn(y_true, y_pred, dst)


def kernel(y_true, y_pred, src, dst, chr):
    del src, chr
    partials = _pair_loss_sum(y_true, y_pred, dst.astype(jnp.int32))
    return jnp.sum(partials) / jnp.float32(_N)

# --- scband reference (transcript-rebuilt; emitter-appended) ---
"""Pipeline reference for scband-global-pair-loss-consise-81947976007855 (READ-ONLY COPY).

The authoritative reference and input builder live on the scoring server;
editing this copy changes nothing except your own understanding.
"""

import jax, jax.numpy as jnp
import numpy as np

LAMBDA_1 = 1.0
LAMBDA_2 = 1.0
N = 1000000

def setup_inputs(seed: int = 0) -> dict:
    key = jax.random.key(seed)
    k1, k2, k3, k4 = jax.random.split(key, 4)
    y_true = jax.random.normal(k1, (N,), dtype=jnp.float32)
    y_pred = jax.random.normal(k2, (N,), dtype=jnp.float32)
    src = jnp.arange(N, dtype=jnp.int64) if jax.config.jax_enable_x64 else jnp.arange(N, dtype=jnp.int32)
    dst = jax.random.randint(k3, (N,), 0, N, dtype=jnp.int32)
    chr_ = jax.random.randint(k4, (N,), 0, 23, dtype=jnp.int32)
    return {"y_true": y_true, "y_pred": y_pred, "src": src, "dst": dst, "chr": chr_}

def reference(y_true, y_pred, src, dst, chr):
    # single_chr_forward: src = identity indices, dst = a random shuffle of nodes.
    # The torch module builds these internally with random.shuffle; here the
    # shuffle is materialized deterministically in setup_inputs as `dst`.
    y_true_i = jnp.take(y_true, src, axis=0)
    y_true_j = jnp.take(y_true, dst, axis=0)
    y_pred_i = jnp.take(y_pred, src, axis=0)
    y_pred_j = jnp.take(y_pred, dst, axis=0)
    s = jnp.where(y_true_i == y_true_j, jnp.float32(-1.0), jnp.float32(1.0))
    margin = jnp.abs(y_true_i - y_true_j)
    loss_term = jnp.maximum(jnp.zeros_like(margin), margin - s * jnp.abs(y_pred_i - y_pred_j)) ** 2
    weighted_loss = jnp.where(s == -1.0, LAMBDA_1 * loss_term, LAMBDA_2 * loss_term)
    return weighted_loss.mean()

if __name__ == "__main__":
    import jax
    _d = setup_inputs()
    print(jax.jit(kernel)(*tuple(_d.values())))

</pallas_src>

<mosaic_0001>
#map = affine_map<(d0, d1) -> (0)>
#map1 = affine_map<(d0, d1) -> (0, 0)>
module attributes {stable_mosaic.version = 14 : i64} {
  func.func @_body(%arg0: i32, %arg1: i32, %arg2: memref<1000000xf32, #tpu.memory_space<hbm>>, %arg3: memref<1000000xf32, #tpu.memory_space<hbm>>, %arg4: memref<1000000xi32, #tpu.memory_space<hbm>>, %arg5: memref<32x16xf32, #tpu.memory_space<hbm>>, %arg6: memref<8192xi32, #tpu.memory_space<vmem>>, %arg7: memref<8192xi32, #tpu.memory_space<vmem>>, %arg8: memref<8192xf32, #tpu.memory_space<vmem>>, %arg9: memref<8192xf32, #tpu.memory_space<vmem>>, %arg10: memref<8192xf32, #tpu.memory_space<vmem>>, %arg11: memref<8192xf32, #tpu.memory_space<vmem>>, %arg12: memref<8192xf32, #tpu.memory_space<vmem>>, %arg13: memref<8192xf32, #tpu.memory_space<vmem>>, %arg14: memref<8192xf32, #tpu.memory_space<vmem>>, %arg15: memref<8192xf32, #tpu.memory_space<vmem>>, %arg16: memref<16xf32, #tpu.memory_space<vmem>>, %arg17: memref<!tpu.dma_semaphore, #tpu.memory_space<semaphore_mem>>, %arg18: memref<!tpu.dma_semaphore, #tpu.memory_space<semaphore_mem>>, %arg19: memref<!tpu.dma_semaphore, #tpu.memory_space<semaphore_mem>>, %arg20: memref<!tpu.dma_semaphore, #tpu.memory_space<semaphore_mem>>) attributes {dimension_semantics = [#tpu.dimension_semantics<core_parallel>, #tpu.dimension_semantics<subcore_parallel>], iteration_bounds = array<i64: 2, 16>, scalar_prefetch = 0 : i64, scratch_operands = 15 : i64, tpu.core_type = #tpu.core_type<sc_vector_subcore>, window_params = [{transform_indices = #map}, {transform_indices = #map}, {transform_indices = #map}, {transform_indices = #map1}]} {
    %mul3A = arith.constant 16 : i32
    %mul3A_0 = arith.muli %arg0, %mul3A : i32
    %add3A = arith.addi %mul3A_0, %arg1 : i32
    %broadcast_in_dim3A = arith.constant 0.000000e+00 : f32
    %broadcast_in_dim3A_1 = vector.broadcast %broadcast_in_dim3A : f32 to vector<16xf32>
    %swap3A = arith.constant 0 : index
    %swap3A_2 = tpu.vector_load %arg16[%swap3A] {strides = array<i32>} : memref<16xf32, #tpu.memory_space<vmem>>, vector<16xf32>,
    %swap3A_3 = vector.shape_cast %swap3A_2 : vector<16xf32> to vector<16xf32>
    %swap3A_4 = vector.shape_cast %broadcast_in_dim3A_1 : vector<16xf32> to vector<16xf32>
    tpu.vector_store %arg16[%swap3A], %swap3A_4 {strides = array<i32>} : memref<16xf32, #tpu.memory_space<vmem>>, vector<16xf32>,
    %lt3A = arith.constant 26 : i32
    %lt3A_5 = arith.cmpi slt, %add3A, %lt3A : i32
    %jit3A = arith.constant 4 : i32
    %jit3A_6 = arith.constant 3 : i32
    %select_n3A = arith.select %lt3A_5, %jit3A, %jit3A_6 : i32
    %gt3A = arith.constant 0 : i32
    %gt3A_7 = arith.cmpi sgt, %select_n3A, %gt3A : i32
    %convert_element_type3A = arith.extui %gt3A_7 : i1 to i32
    %cond3A = arith.constant 0 : i32
    %cond3A_8 = arith.cmpi ne, %convert_element_type3A, %cond3A : i32
    scf.if %cond3A_8 {
      %add3A_48 = arith.constant 0 : i32
      %add3A_49 = arith.addi %add3A, %add3A_48 : i32
      %mul3A_50 = arith.constant 8192 : i32
      %mul3A_51 = arith.muli %add3A_49, %mul3A_50 : i32
      %multiple_of3A = tpu.assume_multiple %mul3A_51, 8192 : i32
      "tpu.region"() ({
        %run_scoped3A = tpu.sem_alloc : memref<!tpu.dma_semaphore, #tpu.memory_space<semaphore_mem>>
        %dma_start3A_60 = tpu.memref_slice %arg4[%multiple_of3A] : memref<1000000xi32, #tpu.memory_space<hbm>> -> memref<8192xi32, #tpu.memory_space<hbm>>
        %dma_start3A_61 = tpu.memref_slice %arg4[%multiple_of3A] : memref<1000000xi32, #tpu.memory_space<hbm>> -> memref<8192xi32, #tpu.memory_space<hbm>>
        tpu.enqueue_dma source(%dma_start3A_61 : memref<8192xi32, #tpu.memory_space<hbm>>) target(%arg6 : memref<8192xi32, #tpu.memory_space<vmem>>) target_semaphore(%run_scoped3A : memref<!tpu.dma_semaphore, #tpu.memory_space<semaphore_mem>>)
        %dma_wait3A = tpu.memref_slice %arg4[%multiple_of3A] : memref<1000000xi32, #tpu.memory_space<hbm>> -> memref<8192xi32, #tpu.memory_space<hbm>>
        %dma_wait3A_62 = tpu.memref_slice %arg4[%multiple_of3A] : memref<1000000xi32, #tpu.memory_space<hbm>> -> memref<8192xi32, #tpu.memory_space<hbm>>
        tpu.wait_dma2 semaphore(%run_scoped3A : memref<!tpu.dma_semaphore, #tpu.memory_space<semaphore_mem>>) src(%dma_wait3A_62 : memref<8192xi32, #tpu.memory_space<hbm>>) dst(%arg6 : memref<8192xi32, #tpu.memory_space<vmem>>)
        tpu.yield
      }) : () -> ()
      %dma_start3A = tpu.memref_slice %arg2[%multiple_of3A] : memref<1000000xf32, #tpu.memory_space<hbm>> -> memref<8192xf32, #tpu.memory_space<hbm>>
      %dma_start3A_52 = tpu.memref_slice %arg2[%multiple_of3A] : memref<1000000xf32, #tpu.memory_space<hbm>> -> memref<8192xf32, #tpu.memory_space<hbm>>
      tpu.enqueue_dma source(%dma_start3A_52 : memref<8192xf32, #tpu.memory_space<hbm>>) target(%arg8 : memref<8192xf32, #tpu.memory_space<vmem>>) target_semaphore(%arg17 : memref<!tpu.dma_semaphore, #tpu.memory_space<semaphore_mem>>)
      %dma_start3A_53 = tpu.memref_slice %arg3[%multiple_of3A] : memref<1000000xf32, #tpu.memory_space<hbm>> -> memref<8192xf32, #tpu.memory_space<hbm>>
      %dma_start3A_54 = tpu.memref_slice %arg3[%multiple_of3A] : memref<1000000xf32, #tpu.memory_space<hbm>> -> memref<8192xf32, #tpu.memory_space<hbm>>
      tpu.enqueue_dma source(%dma_start3A_54 : memref<8192xf32, #tpu.memory_space<hbm>>) target(%arg10 : memref<8192xf32, #tpu.memory_space<vmem>>) target_semaphore(%arg17 : memref<!tpu.dma_semaphore, #tpu.memory_space<semaphore_mem>>)
      %scan3A = arith.constant 0 : i32
      %scan3A_55 = arith.constant 0 : i32
      %scan3A_56 = arith.constant 64 : i32
      %scan3A_57 = arith.addi %scan3A_55, %scan3A_56 : i32
      %scan3A_58 = arith.constant 1 : i32
      scf.for %scan3A_60 = %scan3A_55 to %scan3A_57 step %scan3A_58  : i32 {
        %mul3A_61 = arith.constant 128 : i32
        %mul3A_62 = arith.muli %scan3A_60, %mul3A_61 : i32
        %dma_start3A_63 = tpu.memref_slice %arg12[%mul3A_62] : memref<8192xf32, #tpu.memory_space<vmem>> -> memref<128xf32, #tpu.memory_space<vmem>>
        %dma_start3A_64 = tpu.memref_slice %arg6[%mul3A_62] : memref<8192xi32, #tpu.memory_space<vmem>> -> memref<128xi32, #tpu.memory_space<vmem>>
        %dma_start3A_65 = arith.constant 0 : i32
        %dma_start3A_66 = tpu.memref_slice %arg2[%dma_start3A_65] : memref<1000000xf32, #tpu.memory_space<hbm>> -> memref<1000000xf32, #tpu.memory_space<hbm>>
        tpu.enqueue_indirect_dma source(%dma_start3A_66 : memref<1000000xf32, #tpu.memory_space<hbm>>) target(%dma_start3A_63 : memref<128xf32, #tpu.memory_space<vmem>>) offsets(%dma_start3A_64 : memref<128xi32, #tpu.memory_space<vmem>>) semaphore(%arg19 : memref<!tpu.dma_semaphore, #tpu.memory_space<semaphore_mem>>)
        %dma_start3A_67 = tpu.memref_slice %arg14[%mul3A_62] : memref<8192xf32, #tpu.memory_space<vmem>> -> memref<128xf32, #tpu.memory_space<vmem>>
        %dma_start3A_68 = tpu.memref_slice %arg6[%mul3A_62] : memref<8192xi32, #tpu.memory_space<vmem>> -> memref<128xi32, #tpu.memory_space<vmem>>
        %dma_start3A_69 = arith.constant 0 : i32
        %dma_start3A_70 = tpu.memref_slice %arg3[%dma_start3A_69] : memref<1000000xf32, #tpu.memory_space<hbm>> -> memref<1000000xf32, #tpu.memory_space<hbm>>
        tpu.enqueue_indirect_dma source(%dma_start3A_70 : memref<1000000xf32, #tpu.memory_space<hbm>>) target(%dma_start3A_67 : memref<128xf32, #tpu.memory_space<vmem>>) offsets(%dma_start3A_68 : memref<128xi32, #tpu.memory_space<vmem>>) semaphore(%arg19 : memref<!tpu.dma_semaphore, #tpu.memory_space<semaphore_mem>>)
      }
      %scan3A_59 = arith.constant 64 : i32
    } else {
    }
    %gt3A_9 = arith.constant 1 : i32
    %gt3A_10 = arith.cmpi sgt, %select_n3A, %gt3A_9 : i32
    %convert_element_type3A_11 = arith.extui %gt3A_10 : i1 to i32
    %cond3A_12 = arith.constant 0 : i32
    %cond3A_13 = arith.cmpi ne, %convert_element_type3A_11, %cond3A_12 : i32
    scf.if %cond3A_13 {
      %add3A_48 = arith.constant 32 : i32
      %add3A_49 = arith.addi %add3A, %add3A_48 : i32
      %mul3A_50 = arith.constant 8192 : i32
      %mul3A_51 = arith.muli %add3A_49, %mul3A_50 : i32
      %multiple_of3A = tpu.assume_multiple %mul3A_51, 8192 : i32
      "tpu.region"() ({
        %run_scoped3A = tpu.sem_alloc : memref<!tpu.dma_semaphore, #tpu.memory_space<semaphore_mem>>
        %dma_start3A_60 = tpu.memref_slice %arg4[%multiple_of3A] : memref<1000000xi32, #tpu.memory_space<hbm>> -> memref<8192xi32, #tpu.memory_space<hbm>>
        %dma_start3A_61 = tpu.memref_slice %arg4[%multiple_of3A] : memref<1000000xi32, #tpu.memory_space<hbm>> -> memref<8192xi32, #tpu.memory_space<hbm>>
        tpu.enqueue_dma source(%dma_start3A_61 : memref<8192xi32, #tpu.memory_space<hbm>>) target(%arg7 : memref<8192xi32, #tpu.memory_space<vmem>>) target_semaphore(%run_scoped3A : memref<!tpu.dma_semaphore, #tpu.memory_space<semaphore_mem>>)
        %dma_wait3A = tpu.memref_slice %arg4[%multiple_of3A] : memref<1000000xi32, #tpu.memory_space<hbm>> -> memref<8192xi32, #tpu.memory_space<hbm>>
        %dma_wait3A_62 = tpu.memref_slice %arg4[%multiple_of3A] : memref<1000000xi32, #tpu.memory_space<hbm>> -> memref<8192xi32, #tpu.memory_space<hbm>>
        tpu.wait_dma2 semaphore(%run_scoped3A : memref<!tpu.dma_semaphore, #tpu.memory_space<semaphore_mem>>) src(%dma_wait3A_62 : memref<8192xi32, #tpu.memory_space<hbm>>) dst(%arg7 : memref<8192xi32, #tpu.memory_space<vmem>>)
        tpu.yield
      }) : () -> ()
      %dma_start3A = tpu.memref_slice %arg2[%multiple_of3A] : memref<1000000xf32, #tpu.memory_space<hbm>> -> memref<8192xf32, #tpu.memory_space<hbm>>
      %dma_start3A_52 = tpu.memref_slice %arg2[%multiple_of3A] : memref<1000000xf32, #tpu.memory_space<hbm>> -> memref<8192xf32, #tpu.memory_space<hbm>>
      tpu.enqueue_dma source(%dma_start3A_52 : memref<8192xf32, #tpu.memory_space<hbm>>) target(%arg9 : memref<8192xf32, #tpu.memory_space<vmem>>) target_semaphore(%arg18 : memref<!tpu.dma_semaphore, #tpu.memory_space<semaphore_mem>>)
      %dma_start3A_53 = tpu.memref_slice %arg3[%multiple_of3A] : memref<1000000xf32, #tpu.memory_space<hbm>> -> memref<8192xf32, #tpu.memory_space<hbm>>
      %dma_start3A_54 = tpu.memref_slice %arg3[%multiple_of3A] : memref<1000000xf32, #tpu.memory_space<hbm>> -> memref<8192xf32, #tpu.memory_space<hbm>>
      tpu.enqueue_dma source(%dma_start3A_54 : memref<8192xf32, #tpu.memory_space<hbm>>) target(%arg11 : memref<8192xf32, #tpu.memory_space<vmem>>) target_semaphore(%arg18 : memref<!tpu.dma_semaphore, #tpu.memory_space<semaphore_mem>>)
      %scan3A = arith.constant 0 : i32
      %scan3A_55 = arith.constant 0 : i32
      %scan3A_56 = arith.constant 64 : i32
      %scan3A_57 = arith.addi %scan3A_55, %scan3A_56 : i32
      %scan3A_58 = arith.constant 1 : i32
      scf.for %scan3A_60 = %scan3A_55 to %scan3A_57 step %scan3A_58  : i32 {
        %mul3A_61 = arith.constant 128 : i32
        %mul3A_62 = arith.muli %scan3A_60, %mul3A_61 : i32
        %dma_start3A_63 = tpu.memref_slice %arg13[%mul3A_62] : memref<8192xf32, #tpu.memory_space<vmem>> -> memref<128xf32, #tpu.memory_space<vmem>>
        %dma_start3A_64 = tpu.memref_slice %arg7[%mul3A_62] : memref<8192xi32, #tpu.memory_space<vmem>> -> memref<128xi32, #tpu.memory_space<vmem>>
        %dma_start3A_65 = arith.constant 0 : i32
        %dma_start3A_66 = tpu.memref_slice %arg2[%dma_start3A_65] : memref<1000000xf32, #tpu.memory_space<hbm>> -> memref<1000000xf32, #tpu.memory_space<hbm>>
        tpu.enqueue_indirect_dma source(%dma_start3A_66 : memref<1000000xf32, #tpu.memory_space<hbm>>) target(%dma_start3A_63 : memref<128xf32, #tpu.memory_space<vmem>>) offsets(%dma_start3A_64 : memref<128xi32, #tpu.memory_space<vmem>>) semaphore(%arg20 : memref<!tpu.dma_semaphore, #tpu.memory_space<semaphore_mem>>)
        %dma_start3A_67 = tpu.memref_slice %arg15[%mul3A_62] : memref<8192xf32, #tpu.memory_space<vmem>> -> memref<128xf32, #tpu.memory_space<vmem>>
        %dma_start3A_68 = tpu.memref_slice %arg7[%mul3A_62] : memref<8192xi32, #tpu.memory_space<vmem>> -> memref<128xi32, #tpu.memory_space<vmem>>
        %dma_start3A_69 = arith.constant 0 : i32
        %dma_start3A_70 = tpu.memref_slice %arg3[%dma_start3A_69] : memref<1000000xf32, #tpu.memory_space<hbm>> -> memref<1000000xf32, #tpu.memory_space<hbm>>
        tpu.enqueue_indirect_dma source(%dma_start3A_70 : memref<1000000xf32, #tpu.memory_space<hbm>>) target(%dma_start3A_67 : memref<128xf32, #tpu.memory_space<vmem>>) offsets(%dma_start3A_68 : memref<128xi32, #tpu.memory_space<vmem>>) semaphore(%arg20 : memref<!tpu.dma_semaphore, #tpu.memory_space<semaphore_mem>>)
      }
      %scan3A_59 = arith.constant 64 : i32
    } else {
    }
    %gt3A_14 = arith.constant 0 : i32
    %gt3A_15 = arith.cmpi sgt, %select_n3A, %gt3A_14 : i32
    %convert_element_type3A_16 = arith.extui %gt3A_15 : i1 to i32
    %cond3A_17 = arith.constant 0 : i32
    %cond3A_18 = arith.cmpi ne, %convert_element_type3A_16, %cond3A_17 : i32
    scf.if %cond3A_18 {
      %dma_wait3A = arith.constant 0 : i32
      %dma_wait3A_48 = tpu.memref_slice %arg2[%dma_wait3A] : memref<1000000xf32, #tpu.memory_space<hbm>> -> memref<8192xf32, #tpu.memory_space<hbm>>
      %dma_wait3A_49 = arith.constant 0 : i32
      %dma_wait3A_50 = tpu.memref_slice %arg2[%dma_wait3A_49] : memref<1000000xf32, #tpu.memory_space<hbm>> -> memref<8192xf32, #tpu.memory_space<hbm>>
      tpu.wait_dma2 semaphore(%arg17 : memref<!tpu.dma_semaphore, #tpu.memory_space<semaphore_mem>>) src(%dma_wait3A_50 : memref<8192xf32, #tpu.memory_space<hbm>>) dst(%arg8 : memref<8192xf32, #tpu.memory_space<vmem>>)
      %dma_wait3A_51 = arith.constant 0 : i32
      %dma_wait3A_52 = tpu.memref_slice %arg3[%dma_wait3A_51] : memref<1000000xf32, #tpu.memory_space<hbm>> -> memref<8192xf32, #tpu.memory_space<hbm>>
      %dma_wait3A_53 = arith.constant 0 : i32
      %dma_wait3A_54 = tpu.memref_slice %arg3[%dma_wait3A_53] : memref<1000000xf32, #tpu.memory_space<hbm>> -> memref<8192xf32, #tpu.memory_space<hbm>>
      tpu.wait_dma2 semaphore(%arg17 : memref<!tpu.dma_semaphore, #tpu.memory_space<semaphore_mem>>) src(%dma_wait3A_54 : memref<8192xf32, #tpu.memory_space<hbm>>) dst(%arg10 : memref<8192xf32, #tpu.memory_space<vmem>>)
      %dma_wait3A_55 = arith.constant 0 : i32
      %dma_wait3A_56 = tpu.memref_slice %arg2[%dma_wait3A_55] : memref<1000000xf32, #tpu.memory_space<hbm>> -> memref<8192xf32, #tpu.memory_space<hbm>>
      %dma_wait3A_57 = arith.constant 0 : i32
      %dma_wait3A_58 = tpu.memref_slice %arg2[%dma_wait3A_57] : memref<1000000xf32, #tpu.memory_space<hbm>> -> memref<8192xf32, #tpu.memory_space<hbm>>
      tpu.wait_dma2 semaphore(%arg19 : memref<!tpu.dma_semaphore, #tpu.memory_space<semaphore_mem>>) src(%dma_wait3A_58 : memref<8192xf32, #tpu.memory_space<hbm>>) dst(%arg12 : memref<8192xf32, #tpu.memory_space<vmem>>)
      %dma_wait3A_59 = arith.constant 0 : i32
      %dma_wait3A_60 = tpu.memref_slice %arg3[%dma_wait3A_59] : memref<1000000xf32, #tpu.memory_space<hbm>> -> memref<8192xf32, #tpu.memory_space<hbm>>
      %dma_wait3A_61 = arith.constant 0 : i32
      %dma_wait3A_62 = tpu.memref_slice %arg3[%dma_wait3A_61] : memref<1000000xf32, #tpu.memory_space<hbm>> -> memref<8192xf32, #tpu.memory_space<hbm>>
      tpu.wait_dma2 semaphore(%arg19 : memref<!tpu.dma_semaphore, #tpu.memory_space<semaphore_mem>>) src(%dma_wait3A_62 : memref<8192xf32, #tpu.memory_space<hbm>>) dst(%arg14 : memref<8192xf32, #tpu.memory_space<vmem>>)
      %broadcast_in_dim3A_63 = arith.constant 0.000000e+00 : f32
      %broadcast_in_dim3A_64 = vector.broadcast %broadcast_in_dim3A_63 : f32 to vector<16xf32>
      %scan3A = arith.constant 0 : i32
      %scan3A_65 = arith.constant 512 : i32
      %scan3A_66 = arith.addi %scan3A, %scan3A_65 : i32
      %scan3A_67 = arith.constant 1 : i32
      %scan3A_68 = scf.for %scan3A_77 = %scan3A to %scan3A_66 step %scan3A_67 iter_args(%scan3A_78 = %broadcast_in_dim3A_64) -> (vector<16xf32>)  : i32 {
        %mul3A_79 = arith.constant 16 : i32
        %mul3A_80 = arith.muli %scan3A_77, %mul3A_79 : i32
        %get3A_81 = arith.index_cast %mul3A_80 : i32 to index
        %get3A_82 = tpu.vector_load %arg8[%get3A_81] {strides = array<i32>} : memref<8192xf32, #tpu.memory_space<vmem>>, vector<16xf32>,
        %get3A_83 = vector.shape_cast %get3A_82 : vector<16xf32> to vector<16xf32>
        %get3A_84 = arith.index_cast %mul3A_80 : i32 to index
        %get3A_85 = tpu.vector_load %arg12[%get3A_84] {strides = array<i32>} : memref<8192xf32, #tpu.memory_space<vmem>>, vector<16xf32>,
        %get3A_86 = vector.shape_cast %get3A_85 : vector<16xf32> to vector<16xf32>
        %get3A_87 = arith.index_cast %mul3A_80 : i32 to index
        %get3A_88 = tpu.vector_load %arg10[%get3A_87] {strides = array<i32>} : memref<8192xf32, #tpu.memory_space<vmem>>, vector<16xf32>,
        %get3A_89 = vector.shape_cast %get3A_88 : vector<16xf32> to vector<16xf32>
        %get3A_90 = arith.index_cast %mul3A_80 : i32 to index
        %get3A_91 = tpu.vector_load %arg14[%get3A_90] {strides = array<i32>} : memref<8192xf32, #tpu.memory_space<vmem>>, vector<16xf32>,
        %get3A_92 = vector.shape_cast %get3A_91 : vector<16xf32> to vector<16xf32>
        %eq3A_93 = arith.cmpf oeq, %get3A_83, %get3A_86 : vector<16xf32>
        %jit3A_94 = arith.constant -1.000000e+00 : f32
        %jit3A_95 = arith.constant 1.000000e+00 : f32
        %broadcast_in_dim3A_96 = vector.broadcast %jit3A_94 : f32 to vector<16xf32>
        %broadcast_in_dim3A_97 = vector.broadcast %jit3A_95 : f32 to vector<16xf32>
        %select_n3A_98 = arith.select %eq3A_93, %broadcast_in_dim3A_96, %broadcast_in_dim3A_97 : vector<16xi1>, vector<16xf32>
        %sub3A = arith.subf %get3A_83, %get3A_86 : vector<16xf32>
        %abs3A = math.absf %sub3A : vector<16xf32>
        %sub3A_99 = arith.subf %get3A_89, %get3A_92 : vector<16xf32>
        %abs3A_100 = math.absf %sub3A_99 : vector<16xf32>
        %mul3A_101 = arith.mulf %select_n3A_98, %abs3A_100 : vector<16xf32>
        %sub3A_102 = arith.subf %abs3A, %mul3A_101 : vector<16xf32>
        %max3A = arith.constant 0.000000e+00 : f32
        %max3A_103 = vector.broadcast %max3A : f32 to vector<16xf32>
        %max3A_104 = arith.maximumf %sub3A_102, %max3A_103 : vector<16xf32>
        %mul3A_105 = arith.mulf %max3A_104, %max3A_104 : vector<16xf32>
        %mul3A_106 = arith.constant 1.000000e+00 : f32
        %mul3A_107 = vector.broadcast %mul3A_106 : f32 to vector<16xf32>
        %mul3A_108 = arith.mulf %mul3A_107, %mul3A_105 : vector<16xf32>
        %mul3A_109 = arith.constant 1.000000e+00 : f32
        %mul3A_110 = vector.broadcast %mul3A_109 : f32 to vector<16xf32>
        %mul3A_111 = arith.mulf %mul3A_110, %mul3A_105 : vector<16xf32>
        %select_n3A_112 = arith.select %eq3A_93, %mul3A_108, %mul3A_111 : vector<16xi1>, vector<16xf32>
        %add3A_113 = arith.addf %scan3A_78, %select_n3A_112 : vector<16xf32>
        scf.yield %add3A_113 : vector<16xf32>
      }
      %scan3A_69 = arith.constant 512 : i32
      %get3A = arith.constant 0 : index
      %get3A_70 = tpu.vector_load %arg16[%get3A] {strides = array<i32>} : memref<16xf32, #tpu.memory_space<vmem>>, vector<16xf32>,
      %get3A_71 = vector.shape_cast %get3A_70 : vector<16xf32> to vector<16xf32>
      %add3A_72 = arith.addf %get3A_71, %scan3A_68 : vector<16xf32>
      %swap3A_73 = arith.constant 0 : index
      %swap3A_74 = tpu.vector_load %arg16[%swap3A_73] {strides = array<i32>} : memref<16xf32, #tpu.memory_space<vmem>>, vector<16xf32>,
      %swap3A_75 = vector.shape_cast %swap3A_74 : vector<16xf32> to vector<16xf32>
      %swap3A_76 = vector.shape_cast %add3A_72 : vector<16xf32> to vector<16xf32>
      tpu.vector_store %arg16[%swap3A_73], %swap3A_76 {strides = array<i32>} : memref<16xf32, #tpu.memory_space<vmem>>, vector<16xf32>,
    } else {
    }
    %gt3A_19 = arith.constant 2 : i32
    %gt3A_20 = arith.cmpi sgt, %select_n3A, %gt3A_19 : i32
    %convert_element_type3A_21 = arith.extui %gt3A_20 : i1 to i32
    %cond3A_22 = arith.constant 0 : i32
    %cond3A_23 = arith.cmpi ne, %convert_element_type3A_21, %cond3A_22 : i32
    scf.if %cond3A_23 {
      %add3A_48 = arith.constant 64 : i32
      %add3A_49 = arith.addi %add3A, %add3A_48 : i32
      %mul3A_50 = arith.constant 8192 : i32
      %mul3A_51 = arith.muli %add3A_49, %mul3A_50 : i32
      %multiple_of3A = tpu.assume_multiple %mul3A_51, 8192 : i32
      "tpu.region"() ({
        %run_scoped3A = tpu.sem_alloc : memref<!tpu.dma_semaphore, #tpu.memory_space<semaphore_mem>>
        %dma_start3A_60 = tpu.memref_slice %arg4[%multiple_of3A] : memref<1000000xi32, #tpu.memory_space<hbm>> -> memref<8192xi32, #tpu.memory_space<hbm>>
        %dma_start3A_61 = tpu.memref_slice %arg4[%multiple_of3A] : memref<1000000xi32, #tpu.memory_space<hbm>> -> memref<8192xi32, #tpu.memory_space<hbm>>
        tpu.enqueue_dma source(%dma_start3A_61 : memref<8192xi32, #tpu.memory_space<hbm>>) target(%arg6 : memref<8192xi32, #tpu.memory_space<vmem>>) target_semaphore(%run_scoped3A : memref<!tpu.dma_semaphore, #tpu.memory_space<semaphore_mem>>)
        %dma_wait3A = tpu.memref_slice %arg4[%multiple_of3A] : memref<1000000xi32, #tpu.memory_space<hbm>> -> memref<8192xi32, #tpu.memory_space<hbm>>
        %dma_wait3A_62 = tpu.memref_slice %arg4[%multiple_of3A] : memref<1000000xi32, #tpu.memory_space<hbm>> -> memref<8192xi32, #tpu.memory_space<hbm>>
        tpu.wait_dma2 semaphore(%run_scoped3A : memref<!tpu.dma_semaphore, #tpu.memory_space<semaphore_mem>>) src(%dma_wait3A_62 : memref<8192xi32, #tpu.memory_space<hbm>>) dst(%arg6 : memref<8192xi32, #tpu.memory_space<vmem>>)
        tpu.yield
      }) : () -> ()
      %dma_start3A = tpu.memref_slice %arg2[%multiple_of3A] : memref<1000000xf32, #tpu.memory_space<hbm>> -> memref<8192xf32, #tpu.memory_space<hbm>>
      %dma_start3A_52 = tpu.memref_slice %arg2[%multiple_of3A] : memref<1000000xf32, #tpu.memory_space<hbm>> -> memref<8192xf32, #tpu.memory_space<hbm>>
      tpu.enqueue_dma source(%dma_start3A_52 : memref<8192xf32, #tpu.memory_space<hbm>>) target(%arg8 : memref<8192xf32, #tpu.memory_space<vmem>>) target_semaphore(%arg17 : memref<!tpu.dma_semaphore, #tpu.memory_space<semaphore_mem>>)
      %dma_start3A_53 = tpu.memref_slice %arg3[%multiple_of3A] : memref<1000000xf32, #tpu.memory_space<hbm>> -> memref<8192xf32, #tpu.memory_space<hbm>>
      %dma_start3A_54 = tpu.memref_slice %arg3[%multiple_of3A] : memref<1000000xf32, #tpu.memory_space<hbm>> -> memref<8192xf32, #tpu.memory_space<hbm>>
      tpu.enqueue_dma source(%dma_start3A_54 : memref<8192xf32, #tpu.memory_space<hbm>>) target(%arg10 : memref<8192xf32, #tpu.memory_space<vmem>>) target_semaphore(%arg17 : memref<!tpu.dma_semaphore, #tpu.memory_space<semaphore_mem>>)
      %scan3A = arith.constant 0 : i32
      %scan3A_55 = arith.constant 0 : i32
      %scan3A_56 = arith.constant 64 : i32
      %scan3A_57 = arith.addi %scan3A_55, %scan3A_56 : i32
      %scan3A_58 = arith.constant 1 : i32
      scf.for %scan3A_60 = %scan3A_55 to %scan3A_57 step %scan3A_58  : i32 {
        %mul3A_61 = arith.constant 128 : i32
        %mul3A_62 = arith.muli %scan3A_60, %mul3A_61 : i32
        %dma_start3A_63 = tpu.memref_slice %arg12[%mul3A_62] : memref<8192xf32, #tpu.memory_space<vmem>> -> memref<128xf32, #tpu.memory_space<vmem>>
        %dma_start3A_64 = tpu.memref_slice %arg6[%mul3A_62] : memref<8192xi32, #tpu.memory_space<vmem>> -> memref<128xi32, #tpu.memory_space<vmem>>
        %dma_start3A_65 = arith.constant 0 : i32
        %dma_start3A_66 = tpu.memref_slice %arg2[%dma_start3A_65] : memref<1000000xf32, #tpu.memory_space<hbm>> -> memref<1000000xf32, #tpu.memory_space<hbm>>
        tpu.enqueue_indirect_dma source(%dma_start3A_66 : memref<1000000xf32, #tpu.memory_space<hbm>>) target(%dma_start3A_63 : memref<128xf32, #tpu.memory_space<vmem>>) offsets(%dma_start3A_64 : memref<128xi32, #tpu.memory_space<vmem>>) semaphore(%arg19 : memref<!tpu.dma_semaphore, #tpu.memory_space<semaphore_mem>>)
        %dma_start3A_67 = tpu.memref_slice %arg14[%mul3A_62] : memref<8192xf32, #tpu.memory_space<vmem>> -> memref<128xf32, #tpu.memory_space<vmem>>
        %dma_start3A_68 = tpu.memref_slice %arg6[%mul3A_62] : memref<8192xi32, #tpu.memory_space<vmem>> -> memref<128xi32, #tpu.memory_space<vmem>>
        %dma_start3A_69 = arith.constant 0 : i32
        %dma_start3A_70 = tpu.memref_slice %arg3[%dma_start3A_69] : memref<1000000xf32, #tpu.memory_space<hbm>> -> memref<1000000xf32, #tpu.memory_space<hbm>>
        tpu.enqueue_indirect_dma source(%dma_start3A_70 : memref<1000000xf32, #tpu.memory_space<hbm>>) target(%dma_start3A_67 : memref<128xf32, #tpu.memory_space<vmem>>) offsets(%dma_start3A_68 : memref<128xi32, #tpu.memory_space<vmem>>) semaphore(%arg19 : memref<!tpu.dma_semaphore, #tpu.memory_space<semaphore_mem>>)
      }
      %scan3A_59 = arith.constant 64 : i32
    } else {
    }
    %gt3A_24 = arith.constant 1 : i32
    %gt3A_25 = arith.cmpi sgt, %select_n3A, %gt3A_24 : i32
    %convert_element_type3A_26 = arith.extui %gt3A_25 : i1 to i32
    %cond3A_27 = arith.constant 0 : i32
    %cond3A_28 = arith.cmpi ne, %convert_element_type3A_26, %cond3A_27 : i32
    scf.if %cond3A_28 {
      %dma_wait3A = arith.constant 0 : i32
      %dma_wait3A_48 = tpu.memref_slice %arg2[%dma_wait3A] : memref<1000000xf32, #tpu.memory_space<hbm>> -> memref<8192xf32, #tpu.memory_space<hbm>>
      %dma_wait3A_49 = arith.constant 0 : i32
      %dma_wait3A_50 = tpu.memref_slice %arg2[%dma_wait3A_49] : memref<1000000xf32, #tpu.memory_space<hbm>> -> memref<8192xf32, #tpu.memory_space<hbm>>
      tpu.wait_dma2 semaphore(%arg18 : memref<!tpu.dma_semaphore, #tpu.memory_space<semaphore_mem>>) src(%dma_wait3A_50 : memref<8192xf32, #tpu.memory_space<hbm>>) dst(%arg9 : memref<8192xf32, #tpu.memory_space<vmem>>)
      %dma_wait3A_51 = arith.constant 0 : i32
      %dma_wait3A_52 = tpu.memref_slice %arg3[%dma_wait3A_51] : memref<1000000xf32, #tpu.memory_space<hbm>> -> memref<8192xf32, #tpu.memory_space<hbm>>
      %dma_wait3A_53 = arith.constant 0 : i32
      %dma_wait3A_54 = tpu.memref_slice %arg3[%dma_wait3A_53] : memref<1000000xf32, #tpu.memory_space<hbm>> -> memref<8192xf32, #tpu.memory_space<hbm>>
      tpu.wait_dma2 semaphore(%arg18 : memref<!tpu.dma_semaphore, #tpu.memory_space<semaphore_mem>>) src(%dma_wait3A_54 : memref<8192xf32, #tpu.memory_space<hbm>>) dst(%arg11 : memref<8192xf32, #tpu.memory_space<vmem>>)
      %dma_wait3A_55 = arith.constant 0 : i32
      %dma_wait3A_56 = tpu.memref_slice %arg2[%dma_wait3A_55] : memref<1000000xf32, #tpu.memory_space<hbm>> -> memref<8192xf32, #tpu.memory_space<hbm>>
      %dma_wait3A_57 = arith.constant 0 : i32
      %dma_wait3A_58 = tpu.memref_slice %arg2[%dma_wait3A_57] : memref<1000000xf32, #tpu.memory_space<hbm>> -> memref<8192xf32, #tpu.memory_space<hbm>>
      tpu.wait_dma2 semaphore(%arg20 : memref<!tpu.dma_semaphore, #tpu.memory_space<semaphore_mem>>) src(%dma_wait3A_58 : memref<8192xf32, #tpu.memory_space<hbm>>) dst(%arg13 : memref<8192xf32, #tpu.memory_space<vmem>>)
      %dma_wait3A_59 = arith.constant 0 : i32
      %dma_wait3A_60 = tpu.memref_slice %arg3[%dma_wait3A_59] : memref<1000000xf32, #tpu.memory_space<hbm>> -> memref<8192xf32, #tpu.memory_space<hbm>>
      %dma_wait3A_61 = arith.constant 0 : i32
      %dma_wait3A_62 = tpu.memref_slice %arg3[%dma_wait3A_61] : memref<1000000xf32, #tpu.memory_space<hbm>> -> memref<8192xf32, #tpu.memory_space<hbm>>
      tpu.wait_dma2 semaphore(%arg20 : memref<!tpu.dma_semaphore, #tpu.memory_space<semaphore_mem>>) src(%dma_wait3A_62 : memref<8192xf32, #tpu.memory_space<hbm>>) dst(%arg15 : memref<8192xf32, #tpu.memory_space<vmem>>)
      %broadcast_in_dim3A_63 = arith.constant 0.000000e+00 : f32
      %broadcast_in_dim3A_64 = vector.broadcast %broadcast_in_dim3A_63 : f32 to vector<16xf32>
      %scan3A = arith.constant 0 : i32
      %scan3A_65 = arith.constant 512 : i32
      %scan3A_66 = arith.addi %scan3A, %scan3A_65 : i32
      %scan3A_67 = arith.constant 1 : i32
      %scan3A_68 = scf.for %scan3A_77 = %scan3A to %scan3A_66 step %scan3A_67 iter_args(%scan3A_78 = %broadcast_in_dim3A_64) -> (vector<16xf32>)  : i32 {
        %mul3A_79 = arith.constant 16 : i32
        %mul3A_80 = arith.muli %scan3A_77, %mul3A_79 : i32
        %get3A_81 = arith.index_cast %mul3A_80 : i32 to index
        %get3A_82 = tpu.vector_load %arg9[%get3A_81] {strides = array<i32>} : memref<8192xf32, #tpu.memory_space<vmem>>, vector<16xf32>,
        %get3A_83 = vector.shape_cast %get3A_82 : vector<16xf32> to vector<16xf32>
        %get3A_84 = arith.index_cast %mul3A_80 : i32 to index
        %get3A_85 = tpu.vector_load %arg13[%get3A_84] {strides = array<i32>} : memref<8192xf32, #tpu.memory_space<vmem>>, vector<16xf32>,
        %get3A_86 = vector.shape_cast %get3A_85 : vector<16xf32> to vector<16xf32>
        %get3A_87 = arith.index_cast %mul3A_80 : i32 to index
        %get3A_88 = tpu.vector_load %arg11[%get3A_87] {strides = array<i32>} : memref<8192xf32, #tpu.memory_space<vmem>>, vector<16xf32>,
        %get3A_89 = vector.shape_cast %get3A_88 : vector<16xf32> to vector<16xf32>
        %get3A_90 = arith.index_cast %mul3A_80 : i32 to index
        %get3A_91 = tpu.vector_load %arg15[%get3A_90] {strides = array<i32>} : memref<8192xf32, #tpu.memory_space<vmem>>, vector<16xf32>,
        %get3A_92 = vector.shape_cast %get3A_91 : vector<16xf32> to vector<16xf32>
        %eq3A_93 = arith.cmpf oeq, %get3A_83, %get3A_86 : vector<16xf32>
        %jit3A_94 = arith.constant -1.000000e+00 : f32
        %jit3A_95 = arith.constant 1.000000e+00 : f32
        %broadcast_in_dim3A_96 = vector.broadcast %jit3A_94 : f32 to vector<16xf32>
        %broadcast_in_dim3A_97 = vector.broadcast %jit3A_95 : f32 to vector<16xf32>
        %select_n3A_98 = arith.select %eq3A_93, %broadcast_in_dim3A_96, %broadcast_in_dim3A_97 : vector<16xi1>, vector<16xf32>
        %sub3A = arith.subf %get3A_83, %get3A_86 : vector<16xf32>
        %abs3A = math.absf %sub3A : vector<16xf32>
        %sub3A_99 = arith.subf %get3A_89, %get3A_92 : vector<16xf32>
        %abs3A_100 = math.absf %sub3A_99 : vector<16xf32>
        %mul3A_101 = arith.mulf %select_n3A_98, %abs3A_100 : vector<16xf32>
        %sub3A_102 = arith.subf %abs3A, %mul3A_101 : vector<16xf32>
        %max3A = arith.constant 0.000000e+00 : f32
        %max3A_103 = vector.broadcast %max3A : f32 to vector<16xf32>
        %max3A_104 = arith.maximumf %sub3A_102, %max3A_103 : vector<16xf32>
        %mul3A_105 = arith.mulf %max3A_104, %max3A_104 : vector<16xf32>
        %mul3A_106 = arith.constant 1.000000e+00 : f32
        %mul3A_107 = vector.broadcast %mul3A_106 : f32 to vector<16xf32>
        %mul3A_108 = arith.mulf %mul3A_107, %mul3A_105 : vector<16xf32>
        %mul3A_109 = arith.constant 1.000000e+00 : f32
        %mul3A_110 = vector.broadcast %mul3A_109 : f32 to vector<16xf32>
        %mul3A_111 = arith.mulf %mul3A_110, %mul3A_105 : vector<16xf32>
        %select_n3A_112 = arith.select %eq3A_93, %mul3A_108, %mul3A_111 : vector<16xi1>, vector<16xf32>
        %add3A_113 = arith.addf %scan3A_78, %select_n3A_112 : vector<16xf32>
        scf.yield %add3A_113 : vector<16xf32>
      }
      %scan3A_69 = arith.constant 512 : i32
      %get3A = arith.constant 0 : index
      %get3A_70 = tpu.vector_load %arg16[%get3A] {strides = array<i32>} : memref<16xf32, #tpu.memory_space<vmem>>, vector<16xf32>,
      %get3A_71 = vector.shape_cast %get3A_70 : vector<16xf32> to vector<16xf32>
      %add3A_72 = arith.addf %get3A_71, %scan3A_68 : vector<16xf32>
      %swap3A_73 = arith.constant 0 : index
      %swap3A_74 = tpu.vector_load %arg16[%swap3A_73] {strides = array<i32>} : memref<16xf32, #tpu.memory_space<vmem>>, vector<16xf32>,
      %swap3A_75 = vector.shape_cast %swap3A_74 : vector<16xf32> to vector<16xf32>
      %swap3A_76 = vector.shape_cast %add3A_72 : vector<16xf32> to vector<16xf32>
      tpu.vector_store %arg16[%swap3A_73], %swap3A_76 {strides = array<i32>} : memref<16xf32, #tpu.memory_space<vmem>>, vector<16xf32>,
    } else {
    }
    %gt3A_29 = arith.constant 3 : i32
    %gt3A_30 = arith.cmpi sgt, %select_n3A, %gt3A_29 : i32
    %convert_element_type3A_31 = arith.extui %gt3A_30 : i1 to i32
    %cond3A_32 = arith.constant 0 : i32
    %cond3A_33 = arith.cmpi ne, %convert_element_type3A_31, %cond3A_32 : i32
    scf.if %cond3A_33 {
      %add3A_48 = arith.constant 96 : i32
      %add3A_49 = arith.addi %add3A, %add3A_48 : i32
      %mul3A_50 = arith.constant 8192 : i32
      %mul3A_51 = arith.muli %add3A_49, %mul3A_50 : i32
      %multiple_of3A = tpu.assume_multiple %mul3A_51, 8192 : i32
      "tpu.region"() ({
        %run_scoped3A = tpu.sem_alloc : memref<!tpu.dma_semaphore, #tpu.memory_space<semaphore_mem>>
        %dma_start3A_60 = tpu.memref_slice %arg4[%multiple_of3A] : memref<1000000xi32, #tpu.memory_space<hbm>> -> memref<8192xi32, #tpu.memory_space<hbm>>
        %dma_start3A_61 = tpu.memref_slice %arg4[%multiple_of3A] : memref<1000000xi32, #tpu.memory_space<hbm>> -> memref<8192xi32, #tpu.memory_space<hbm>>
        tpu.enqueue_dma source(%dma_start3A_61 : memref<8192xi32, #tpu.memory_space<hbm>>) target(%arg7 : memref<8192xi32, #tpu.memory_space<vmem>>) target_semaphore(%run_scoped3A : memref<!tpu.dma_semaphore, #tpu.memory_space<semaphore_mem>>)
        %dma_wait3A = tpu.memref_slice %arg4[%multiple_of3A] : memref<1000000xi32, #tpu.memory_space<hbm>> -> memref<8192xi32, #tpu.memory_space<hbm>>
        %dma_wait3A_62 = tpu.memref_slice %arg4[%multiple_of3A] : memref<1000000xi32, #tpu.memory_space<hbm>> -> memref<8192xi32, #tpu.memory_space<hbm>>
        tpu.wait_dma2 semaphore(%run_scoped3A : memref<!tpu.dma_semaphore, #tpu.memory_space<semaphore_mem>>) src(%dma_wait3A_62 : memref<8192xi32, #tpu.memory_space<hbm>>) dst(%arg7 : memref<8192xi32, #tpu.memory_space<vmem>>)
        tpu.yield
      }) : () -> ()
      %dma_start3A = tpu.memref_slice %arg2[%multiple_of3A] : memref<1000000xf32, #tpu.memory_space<hbm>> -> memref<8192xf32, #tpu.memory_space<hbm>>
      %dma_start3A_52 = tpu.memref_slice %arg2[%multiple_of3A] : memref<1000000xf32, #tpu.memory_space<hbm>> -> memref<8192xf32, #tpu.memory_space<hbm>>
      tpu.enqueue_dma source(%dma_start3A_52 : memref<8192xf32, #tpu.memory_space<hbm>>) target(%arg9 : memref<8192xf32, #tpu.memory_space<vmem>>) target_semaphore(%arg18 : memref<!tpu.dma_semaphore, #tpu.memory_space<semaphore_mem>>)
      %dma_start3A_53 = tpu.memref_slice %arg3[%multiple_of3A] : memref<1000000xf32, #tpu.memory_space<hbm>> -> memref<8192xf32, #tpu.memory_space<hbm>>
      %dma_start3A_54 = tpu.memref_slice %arg3[%multiple_of3A] : memref<1000000xf32, #tpu.memory_space<hbm>> -> memref<8192xf32, #tpu.memory_space<hbm>>
      tpu.enqueue_dma source(%dma_start3A_54 : memref<8192xf32, #tpu.memory_space<hbm>>) target(%arg11 : memref<8192xf32, #tpu.memory_space<vmem>>) target_semaphore(%arg18 : memref<!tpu.dma_semaphore, #tpu.memory_space<semaphore_mem>>)
      %scan3A = arith.constant 0 : i32
      %scan3A_55 = arith.constant 0 : i32
      %scan3A_56 = arith.constant 64 : i32
      %scan3A_57 = arith.addi %scan3A_55, %scan3A_56 : i32
      %scan3A_58 = arith.constant 1 : i32
      scf.for %scan3A_60 = %scan3A_55 to %scan3A_57 step %scan3A_58  : i32 {
        %mul3A_61 = arith.constant 128 : i32
        %mul3A_62 = arith.muli %scan3A_60, %mul3A_61 : i32
        %dma_start3A_63 = tpu.memref_slice %arg13[%mul3A_62] : memref<8192xf32, #tpu.memory_space<vmem>> -> memref<128xf32, #tpu.memory_space<vmem>>
        %dma_start3A_64 = tpu.memref_slice %arg7[%mul3A_62] : memref<8192xi32, #tpu.memory_space<vmem>> -> memref<128xi32, #tpu.memory_space<vmem>>
        %dma_start3A_65 = arith.constant 0 : i32
        %dma_start3A_66 = tpu.memref_slice %arg2[%dma_start3A_65] : memref<1000000xf32, #tpu.memory_space<hbm>> -> memref<1000000xf32, #tpu.memory_space<hbm>>
        tpu.enqueue_indirect_dma source(%dma_start3A_66 : memref<1000000xf32, #tpu.memory_space<hbm>>) target(%dma_start3A_63 : memref<128xf32, #tpu.memory_space<vmem>>) offsets(%dma_start3A_64 : memref<128xi32, #tpu.memory_space<vmem>>) semaphore(%arg20 : memref<!tpu.dma_semaphore, #tpu.memory_space<semaphore_mem>>)
        %dma_start3A_67 = tpu.memref_slice %arg15[%mul3A_62] : memref<8192xf32, #tpu.memory_space<vmem>> -> memref<128xf32, #tpu.memory_space<vmem>>
        %dma_start3A_68 = tpu.memref_slice %arg7[%mul3A_62] : memref<8192xi32, #tpu.memory_space<vmem>> -> memref<128xi32, #tpu.memory_space<vmem>>
        %dma_start3A_69 = arith.constant 0 : i32
        %dma_start3A_70 = tpu.memref_slice %arg3[%dma_start3A_69] : memref<1000000xf32, #tpu.memory_space<hbm>> -> memref<1000000xf32, #tpu.memory_space<hbm>>
        tpu.enqueue_indirect_dma source(%dma_start3A_70 : memref<1000000xf32, #tpu.memory_space<hbm>>) target(%dma_start3A_67 : memref<128xf32, #tpu.memory_space<vmem>>) offsets(%dma_start3A_68 : memref<128xi32, #tpu.memory_space<vmem>>) semaphore(%arg20 : memref<!tpu.dma_semaphore, #tpu.memory_space<semaphore_mem>>)
      }
      %scan3A_59 = arith.constant 64 : i32
    } else {
    }
    %gt3A_34 = arith.constant 2 : i32
    %gt3A_35 = arith.cmpi sgt, %select_n3A, %gt3A_34 : i32
    %convert_element_type3A_36 = arith.extui %gt3A_35 : i1 to i32
    %cond3A_37 = arith.constant 0 : i32
    %cond3A_38 = arith.cmpi ne, %convert_element_type3A_36, %cond3A_37 : i32
    scf.if %cond3A_38 {
      %dma_wait3A = arith.constant 0 : i32
      %dma_wait3A_48 = tpu.memref_slice %arg2[%dma_wait3A] : memref<1000000xf32, #tpu.memory_space<hbm>> -> memref<8192xf32, #tpu.memory_space<hbm>>
      %dma_wait3A_49 = arith.constant 0 : i32
      %dma_wait3A_50 = tpu.memref_slice %arg2[%dma_wait3A_49] : memref<1000000xf32, #tpu.memory_space<hbm>> -> memref<8192xf32, #tpu.memory_space<hbm>>
      tpu.wait_dma2 semaphore(%arg17 : memref<!tpu.dma_semaphore, #tpu.memory_space<semaphore_mem>>) src(%dma_wait3A_50 : memref<8192xf32, #tpu.memory_space<hbm>>) dst(%arg8 : memref<8192xf32, #tpu.memory_space<vmem>>)
      %dma_wait3A_51 = arith.constant 0 : i32
      %dma_wait3A_52 = tpu.memref_slice %arg3[%dma_wait3A_51] : memref<1000000xf32, #tpu.memory_space<hbm>> -> memref<8192xf32, #tpu.memory_space<hbm>>
      %dma_wait3A_53 = arith.constant 0 : i32
      %dma_wait3A_54 = tpu.memref_slice %arg3[%dma_wait3A_53] : memref<1000000xf32, #tpu.memory_space<hbm>> -> memref<8192xf32, #tpu.memory_space<hbm>>
      tpu.wait_dma2 semaphore(%arg17 : memref<!tpu.dma_semaphore, #tpu.memory_space<semaphore_mem>>) src(%dma_wait3A_54 : memref<8192xf32, #tpu.memory_space<hbm>>) dst(%arg10 : memref<8192xf32, #tpu.memory_space<vmem>>)
      %dma_wait3A_55 = arith.constant 0 : i32
      %dma_wait3A_56 = tpu.memref_slice %arg2[%dma_wait3A_55] : memref<1000000xf32, #tpu.memory_space<hbm>> -> memref<8192xf32, #tpu.memory_space<hbm>>
      %dma_wait3A_57 = arith.constant 0 : i32
      %dma_wait3A_58 = tpu.memref_slice %arg2[%dma_wait3A_57] : memref<1000000xf32, #tpu.memory_space<hbm>> -> memref<8192xf32, #tpu.memory_space<hbm>>
      tpu.wait_dma2 semaphore(%arg19 : memref<!tpu.dma_semaphore, #tpu.memory_space<semaphore_mem>>) src(%dma_wait3A_58 : memref<8192xf32, #tpu.memory_space<hbm>>) dst(%arg12 : memref<8192xf32, #tpu.memory_space<vmem>>)
      %dma_wait3A_59 = arith.constant 0 : i32
      %dma_wait3A_60 = tpu.memref_slice %arg3[%dma_wait3A_59] : memref<1000000xf32, #tpu.memory_space<hbm>> -> memref<8192xf32, #tpu.memory_space<hbm>>
      %dma_wait3A_61 = arith.constant 0 : i32
      %dma_wait3A_62 = tpu.memref_slice %arg3[%dma_wait3A_61] : memref<1000000xf32, #tpu.memory_space<hbm>> -> memref<8192xf32, #tpu.memory_space<hbm>>
      tpu.wait_dma2 semaphore(%arg19 : memref<!tpu.dma_semaphore, #tpu.memory_space<semaphore_mem>>) src(%dma_wait3A_62 : memref<8192xf32, #tpu.memory_space<hbm>>) dst(%arg14 : memref<8192xf32, #tpu.memory_space<vmem>>)
      %broadcast_in_dim3A_63 = arith.constant 0.000000e+00 : f32
      %broadcast_in_dim3A_64 = vector.broadcast %broadcast_in_dim3A_63 : f32 to vector<16xf32>
      %scan3A = arith.constant 0 : i32
      %scan3A_65 = arith.constant 512 : i32
      %scan3A_66 = arith.addi %scan3A, %scan3A_65 : i32
      %scan3A_67 = arith.constant 1 : i32
      %scan3A_68 = scf.for %scan3A_77 = %scan3A to %scan3A_66 step %scan3A_67 iter_args(%scan3A_78 = %broadcast_in_dim3A_64) -> (vector<16xf32>)  : i32 {
        %mul3A_79 = arith.constant 16 : i32
        %mul3A_80 = arith.muli %scan3A_77, %mul3A_79 : i32
        %get3A_81 = arith.index_cast %mul3A_80 : i32 to index
        %get3A_82 = tpu.vector_load %arg8[%get3A_81] {strides = array<i32>} : memref<8192xf32, #tpu.memory_space<vmem>>, vector<16xf32>,
        %get3A_83 = vector.shape_cast %get3A_82 : vector<16xf32> to vector<16xf32>
        %get3A_84 = arith.index_cast %mul3A_80 : i32 to index
        %get3A_85 = tpu.vector_load %arg12[%get3A_84] {strides = array<i32>} : memref<8192xf32, #tpu.memory_space<vmem>>, vector<16xf32>,
        %get3A_86 = vector.shape_cast %get3A_85 : vector<16xf32> to vector<16xf32>
        %get3A_87 = arith.index_cast %mul3A_80 : i32 to index
        %get3A_88 = tpu.vector_load %arg10[%get3A_87] {strides = array<i32>} : memref<8192xf32, #tpu.memory_space<vmem>>, vector<16xf32>,
        %get3A_89 = vector.shape_cast %get3A_88 : vector<16xf32> to vector<16xf32>
        %get3A_90 = arith.index_cast %mul3A_80 : i32 to index
        %get3A_91 = tpu.vector_load %arg14[%get3A_90] {strides = array<i32>} : memref<8192xf32, #tpu.memory_space<vmem>>, vector<16xf32>,
        %get3A_92 = vector.shape_cast %get3A_91 : vector<16xf32> to vector<16xf32>
        %eq3A_93 = arith.cmpf oeq, %get3A_83, %get3A_86 : vector<16xf32>
        %jit3A_94 = arith.constant -1.000000e+00 : f32
        %jit3A_95 = arith.constant 1.000000e+00 : f32
        %broadcast_in_dim3A_96 = vector.broadcast %jit3A_94 : f32 to vector<16xf32>
        %broadcast_in_dim3A_97 = vector.broadcast %jit3A_95 : f32 to vector<16xf32>
        %select_n3A_98 = arith.select %eq3A_93, %broadcast_in_dim3A_96, %broadcast_in_dim3A_97 : vector<16xi1>, vector<16xf32>
        %sub3A = arith.subf %get3A_83, %get3A_86 : vector<16xf32>
        %abs3A = math.absf %sub3A : vector<16xf32>
        %sub3A_99 = arith.subf %get3A_89, %get3A_92 : vector<16xf32>
        %abs3A_100 = math.absf %sub3A_99 : vector<16xf32>
        %mul3A_101 = arith.mulf %select_n3A_98, %abs3A_100 : vector<16xf32>
        %sub3A_102 = arith.subf %abs3A, %mul3A_101 : vector<16xf32>
        %max3A = arith.constant 0.000000e+00 : f32
        %max3A_103 = vector.broadcast %max3A : f32 to vector<16xf32>
        %max3A_104 = arith.maximumf %sub3A_102, %max3A_103 : vector<16xf32>
        %mul3A_105 = arith.mulf %max3A_104, %max3A_104 : vector<16xf32>
        %mul3A_106 = arith.constant 1.000000e+00 : f32
        %mul3A_107 = vector.broadcast %mul3A_106 : f32 to vector<16xf32>
        %mul3A_108 = arith.mulf %mul3A_107, %mul3A_105 : vector<16xf32>
        %mul3A_109 = arith.constant 1.000000e+00 : f32
        %mul3A_110 = vector.broadcast %mul3A_109 : f32 to vector<16xf32>
        %mul3A_111 = arith.mulf %mul3A_110, %mul3A_105 : vector<16xf32>
        %select_n3A_112 = arith.select %eq3A_93, %mul3A_108, %mul3A_111 : vector<16xi1>, vector<16xf32>
        %add3A_113 = arith.addf %scan3A_78, %select_n3A_112 : vector<16xf32>
        scf.yield %add3A_113 : vector<16xf32>
      }
      %scan3A_69 = arith.constant 512 : i32
      %get3A = arith.constant 0 : index
      %get3A_70 = tpu.vector_load %arg16[%get3A] {strides = array<i32>} : memref<16xf32, #tpu.memory_space<vmem>>, vector<16xf32>,
      %get3A_71 = vector.shape_cast %get3A_70 : vector<16xf32> to vector<16xf32>
      %add3A_72 = arith.addf %get3A_71, %scan3A_68 : vector<16xf32>
      %swap3A_73 = arith.constant 0 : index
      %swap3A_74 = tpu.vector_load %arg16[%swap3A_73] {strides = array<i32>} : memref<16xf32, #tpu.memory_space<vmem>>, vector<16xf32>,
      %swap3A_75 = vector.shape_cast %swap3A_74 : vector<16xf32> to vector<16xf32>
      %swap3A_76 = vector.shape_cast %add3A_72 : vector<16xf32> to vector<16xf32>
      tpu.vector_store %arg16[%swap3A_73], %swap3A_76 {strides = array<i32>} : memref<16xf32, #tpu.memory_space<vmem>>, vector<16xf32>,
    } else {
    }
    %gt3A_39 = arith.constant 3 : i32
    %gt3A_40 = arith.cmpi sgt, %select_n3A, %gt3A_39 : i32
    %convert_element_type3A_41 = arith.extui %gt3A_40 : i1 to i32
    %cond3A_42 = arith.constant 0 : i32
    %cond3A_43 = arith.cmpi ne, %convert_element_type3A_41, %cond3A_42 : i32
    scf.if %cond3A_43 {
      %dma_wait3A = arith.constant 0 : i32
      %dma_wait3A_48 = tpu.memref_slice %arg2[%dma_wait3A] : memref<1000000xf32, #tpu.memory_space<hbm>> -> memref<8192xf32, #tpu.memory_space<hbm>>
      %dma_wait3A_49 = arith.constant 0 : i32
      %dma_wait3A_50 = tpu.memref_slice %arg2[%dma_wait3A_49] : memref<1000000xf32, #tpu.memory_space<hbm>> -> memref<8192xf32, #tpu.memory_space<hbm>>
      tpu.wait_dma2 semaphore(%arg18 : memref<!tpu.dma_semaphore, #tpu.memory_space<semaphore_mem>>) src(%dma_wait3A_50 : memref<8192xf32, #tpu.memory_space<hbm>>) dst(%arg9 : memref<8192xf32, #tpu.memory_space<vmem>>)
      %dma_wait3A_51 = arith.constant 0 : i32
      %dma_wait3A_52 = tpu.memref_slice %arg3[%dma_wait3A_51] : memref<1000000xf32, #tpu.memory_space<hbm>> -> memref<8192xf32, #tpu.memory_space<hbm>>
      %dma_wait3A_53 = arith.constant 0 : i32
      %dma_wait3A_54 = tpu.memref_slice %arg3[%dma_wait3A_53] : memref<1000000xf32, #tpu.memory_space<hbm>> -> memref<8192xf32, #tpu.memory_space<hbm>>
      tpu.wait_dma2 semaphore(%arg18 : memref<!tpu.dma_semaphore, #tpu.memory_space<semaphore_mem>>) src(%dma_wait3A_54 : memref<8192xf32, #tpu.memory_space<hbm>>) dst(%arg11 : memref<8192xf32, #tpu.memory_space<vmem>>)
      %dma_wait3A_55 = arith.constant 0 : i32
      %dma_wait3A_56 = tpu.memref_slice %arg2[%dma_wait3A_55] : memref<1000000xf32, #tpu.memory_space<hbm>> -> memref<8192xf32, #tpu.memory_space<hbm>>
      %dma_wait3A_57 = arith.constant 0 : i32
      %dma_wait3A_58 = tpu.memref_slice %arg2[%dma_wait3A_57] : memref<1000000xf32, #tpu.memory_space<hbm>> -> memref<8192xf32, #tpu.memory_space<hbm>>
      tpu.wait_dma2 semaphore(%arg20 : memref<!tpu.dma_semaphore, #tpu.memory_space<semaphore_mem>>) src(%dma_wait3A_58 : memref<8192xf32, #tpu.memory_space<hbm>>) dst(%arg13 : memref<8192xf32, #tpu.memory_space<vmem>>)
      %dma_wait3A_59 = arith.constant 0 : i32
      %dma_wait3A_60 = tpu.memref_slice %arg3[%dma_wait3A_59] : memref<1000000xf32, #tpu.memory_space<hbm>> -> memref<8192xf32, #tpu.memory_space<hbm>>
      %dma_wait3A_61 = arith.constant 0 : i32
      %dma_wait3A_62 = tpu.memref_slice %arg3[%dma_wait3A_61] : memref<1000000xf32, #tpu.memory_space<hbm>> -> memref<8192xf32, #tpu.memory_space<hbm>>
      tpu.wait_dma2 semaphore(%arg20 : memref<!tpu.dma_semaphore, #tpu.memory_space<semaphore_mem>>) src(%dma_wait3A_62 : memref<8192xf32, #tpu.memory_space<hbm>>) dst(%arg15 : memref<8192xf32, #tpu.memory_space<vmem>>)
      %broadcast_in_dim3A_63 = arith.constant 0.000000e+00 : f32
      %broadcast_in_dim3A_64 = vector.broadcast %broadcast_in_dim3A_63 : f32 to vector<16xf32>
      %scan3A = arith.constant 0 : i32
      %scan3A_65 = arith.constant 512 : i32
      %scan3A_66 = arith.addi %scan3A, %scan3A_65 : i32
      %scan3A_67 = arith.constant 1 : i32
      %scan3A_68 = scf.for %scan3A_77 = %scan3A to %scan3A_66 step %scan3A_67 iter_args(%scan3A_78 = %broadcast_in_dim3A_64) -> (vector<16xf32>)  : i32 {
        %mul3A_79 = arith.constant 16 : i32
        %mul3A_80 = arith.muli %scan3A_77, %mul3A_79 : i32
        %get3A_81 = arith.index_cast %mul3A_80 : i32 to index
        %get3A_82 = tpu.vector_load %arg9[%get3A_81] {strides = array<i32>} : memref<8192xf32, #tpu.memory_space<vmem>>, vector<16xf32>,
        %get3A_83 = vector.shape_cast %get3A_82 : vector<16xf32> to vector<16xf32>
        %get3A_84 = arith.index_cast %mul3A_80 : i32 to index
        %get3A_85 = tpu.vector_load %arg13[%get3A_84] {strides = array<i32>} : memref<8192xf32, #tpu.memory_space<vmem>>, vector<16xf32>,
        %get3A_86 = vector.shape_cast %get3A_85 : vector<16xf32> to vector<16xf32>
        %get3A_87 = arith.index_cast %mul3A_80 : i32 to index
        %get3A_88 = tpu.vector_load %arg11[%get3A_87] {strides = array<i32>} : memref<8192xf32, #tpu.memory_space<vmem>>, vector<16xf32>,
        %get3A_89 = vector.shape_cast %get3A_88 : vector<16xf32> to vector<16xf32>
        %get3A_90 = arith.index_cast %mul3A_80 : i32 to index
        %get3A_91 = tpu.vector_load %arg15[%get3A_90] {strides = array<i32>} : memref<8192xf32, #tpu.memory_space<vmem>>, vector<16xf32>,
        %get3A_92 = vector.shape_cast %get3A_91 : vector<16xf32> to vector<16xf32>
        %eq3A_93 = arith.cmpf oeq, %get3A_83, %get3A_86 : vector<16xf32>
        %jit3A_94 = arith.constant -1.000000e+00 : f32
        %jit3A_95 = arith.constant 1.000000e+00 : f32
        %broadcast_in_dim3A_96 = vector.broadcast %jit3A_94 : f32 to vector<16xf32>
        %broadcast_in_dim3A_97 = vector.broadcast %jit3A_95 : f32 to vector<16xf32>
        %select_n3A_98 = arith.select %eq3A_93, %broadcast_in_dim3A_96, %broadcast_in_dim3A_97 : vector<16xi1>, vector<16xf32>
        %sub3A = arith.subf %get3A_83, %get3A_86 : vector<16xf32>
        %abs3A = math.absf %sub3A : vector<16xf32>
        %sub3A_99 = arith.subf %get3A_89, %get3A_92 : vector<16xf32>
        %abs3A_100 = math.absf %sub3A_99 : vector<16xf32>
        %mul3A_101 = arith.mulf %select_n3A_98, %abs3A_100 : vector<16xf32>
        %sub3A_102 = arith.subf %abs3A, %mul3A_101 : vector<16xf32>
        %max3A = arith.constant 0.000000e+00 : f32
        %max3A_103 = vector.broadcast %max3A : f32 to vector<16xf32>
        %max3A_104 = arith.maximumf %sub3A_102, %max3A_103 : vector<16xf32>
        %mul3A_105 = arith.mulf %max3A_104, %max3A_104 : vector<16xf32>
        %mul3A_106 = arith.constant 1.000000e+00 : f32
        %mul3A_107 = vector.broadcast %mul3A_106 : f32 to vector<16xf32>
        %mul3A_108 = arith.mulf %mul3A_107, %mul3A_105 : vector<16xf32>
        %mul3A_109 = arith.constant 1.000000e+00 : f32
        %mul3A_110 = vector.broadcast %mul3A_109 : f32 to vector<16xf32>
        %mul3A_111 = arith.mulf %mul3A_110, %mul3A_105 : vector<16xf32>
        %select_n3A_112 = arith.select %eq3A_93, %mul3A_108, %mul3A_111 : vector<16xi1>, vector<16xf32>
        %add3A_113 = arith.addf %scan3A_78, %select_n3A_112 : vector<16xf32>
        scf.yield %add3A_113 : vector<16xf32>
      }
      %scan3A_69 = arith.constant 512 : i32
      %get3A = arith.constant 0 : index
      %get3A_70 = tpu.vector_load %arg16[%get3A] {strides = array<i32>} : memref<16xf32, #tpu.memory_space<vmem>>, vector<16xf32>,
      %get3A_71 = vector.shape_cast %get3A_70 : vector<16xf32> to vector<16xf32>
      %add3A_72 = arith.addf %get3A_71, %scan3A_68 : vector<16xf32>
      %swap3A_73 = arith.constant 0 : index
      %swap3A_74 = tpu.vector_load %arg16[%swap3A_73] {strides = array<i32>} : memref<16xf32, #tpu.memory_space<vmem>>, vector<16xf32>,
      %swap3A_75 = vector.shape_cast %swap3A_74 : vector<16xf32> to vector<16xf32>
      %swap3A_76 = vector.shape_cast %add3A_72 : vector<16xf32> to vector<16xf32>
      tpu.vector_store %arg16[%swap3A_73], %swap3A_76 {strides = array<i32>} : memref<16xf32, #tpu.memory_space<vmem>>, vector<16xf32>,
    } else {
    }
    %eq3A = arith.constant 31 : i32
    %eq3A_44 = arith.cmpi eq, %add3A, %eq3A : i32
    %convert_element_type3A_45 = arith.extui %eq3A_44 : i1 to i32
    %cond3A_46 = arith.constant 0 : i32
    %cond3A_47 = arith.cmpi ne, %convert_element_type3A_45, %cond3A_46 : i32
    scf.if %cond3A_47 {
      "tpu.region"() ({
        %run_scoped3A = tpu.sem_alloc : memref<!tpu.dma_semaphore, #tpu.memory_space<semaphore_mem>>
        %dma_start3A_1532 = arith.constant 0 : i32
        %dma_start3A_1533 = tpu.memref_slice %arg6[%dma_start3A_1532] : memref<8192xi32, #tpu.memory_space<vmem>> -> memref<512xi32, #tpu.memory_space<vmem>>
        %dma_start3A_1534 = arith.constant 999424 : i32
        %dma_start3A_1535 = tpu.memref_slice %arg4[%dma_start3A_1534] : memref<1000000xi32, #tpu.memory_space<hbm>> -> memref<512xi32, #tpu.memory_space<hbm>>
        %dma_start3A_1536 = arith.constant 0 : i32
        %dma_start3A_1537 = tpu.memref_slice %arg6[%dma_start3A_1536] : memref<8192xi32, #tpu.memory_space<vmem>> -> memref<512xi32, #tpu.memory_space<vmem>>
        %dma_start3A_1538 = arith.constant 999424 : i32
        %dma_start3A_1539 = tpu.memref_slice %arg4[%dma_start3A_1538] : memref<1000000xi32, #tpu.memory_space<hbm>> -> memref<512xi32, #tpu.memory_space<hbm>>
        tpu.enqueue_dma source(%dma_start3A_1539 : memref<512xi32, #tpu.memory_space<hbm>>) target(%dma_start3A_1537 : memref<512xi32, #tpu.memory_space<vmem>>) target_semaphore(%run_scoped3A : memref<!tpu.dma_semaphore, #tpu.memory_space<semaphore_mem>>)
        %dma_wait3A_1540 = arith.constant 0 : i32
        %dma_wait3A_1541 = tpu.memref_slice %arg6[%dma_wait3A_1540] : memref<8192xi32, #tpu.memory_space<vmem>> -> memref<512xi32, #tpu.memory_space<vmem>>
        %dma_wait3A_1542 = arith.constant 999424 : i32
        %dma_wait3A_1543 = tpu.memref_slice %arg4[%dma_wait3A_1542] : memref<1000000xi32, #tpu.memory_space<hbm>> -> memref<512xi32, #tpu.memory_space<hbm>>
        %dma_wait3A_1544 = arith.constant 0 : i32
        %dma_wait3A_1545 = tpu.memref_slice %arg6[%dma_wait3A_1544] : memref<8192xi32, #tpu.memory_space<vmem>> -> memref<512xi32, #tpu.memory_space<vmem>>
        %dma_wait3A_1546 = arith.constant 999424 : i32
        %dma_wait3A_1547 = tpu.memref_slice %arg4[%dma_wait3A_1546] : memref<1000000xi32, #tpu.memory_space<hbm>> -> memref<512xi32, #tpu.memory_space<hbm>>
        tpu.wait_dma2 semaphore(%run_scoped3A : memref<!tpu.dma_semaphore, #tpu.memory_space<semaphore_mem>>) src(%dma_wait3A_1547 : memref<512xi32, #tpu.memory_space<hbm>>) dst(%dma_wait3A_1545 : memref<512xi32, #tpu.memory_space<vmem>>)
        tpu.yield
      }) : () -> ()
      %dma_start3A = arith.constant 0 : i32
      %dma_start3A_48 = tpu.memref_slice %arg8[%dma_start3A] : memref<8192xf32, #tpu.memory_space<vmem>> -> memref<512xf32, #tpu.memory_space<vmem>>
      %dma_start3A_49 = arith.constant 999424 : i32
      %dma_start3A_50 = tpu.memref_slice %arg2[%dma_start3A_49] : memref<1000000xf32, #tpu.memory_space<hbm>> -> memref<512xf32, #tpu.memory_space<hbm>>
      %dma_start3A_51 = arith.constant 0 : i32
      %dma_start3A_52 = tpu.memref_slice %arg8[%dma_start3A_51] : memref<8192xf32, #tpu.memory_space<vmem>> -> memref<512xf32, #tpu.memory_space<vmem>>
      %dma_start3A_53 = arith.constant 999424 : i32
      %dma_start3A_54 = tpu.memref_slice %arg2[%dma_start3A_53] : memref<1000000xf32, #tpu.memory_space<hbm>> -> memref<512xf32, #tpu.memory_space<hbm>>
      tpu.enqueue_dma source(%dma_start3A_54 : memref<512xf32, #tpu.memory_space<hbm>>) target(%dma_start3A_52 : memref<512xf32, #tpu.memory_space<vmem>>) target_semaphore(%arg17 : memref<!tpu.dma_semaphore, #tpu.memory_space<semaphore_mem>>)
      %dma_start3A_55 = arith.constant 0 : i32
      %dma_start3A_56 = tpu.memref_slice %arg10[%dma_start3A_55] : memref<8192xf32, #tpu.memory_space<vmem>> -> memref<512xf32, #tpu.memory_space<vmem>>
      %dma_start3A_57 = arith.constant 999424 : i32
      %dma_start3A_58 = tpu.memref_slice %arg3[%dma_start3A_57] : memref<1000000xf32, #tpu.memory_space<hbm>> -> memref<512xf32, #tpu.memory_space<hbm>>
      %dma_start3A_59 = arith.constant 0 : i32
      %dma_start3A_60 = tpu.memref_slice %arg10[%dma_start3A_59] : memref<8192xf32, #tpu.memory_space<vmem>> -> memref<512xf32, #tpu.memory_space<vmem>>
      %dma_start3A_61 = arith.constant 999424 : i32
      %dma_start3A_62 = tpu.memref_slice %arg3[%dma_start3A_61] : memref<1000000xf32, #tpu.memory_space<hbm>> -> memref<512xf32, #tpu.memory_space<hbm>>
      tpu.enqueue_dma source(%dma_start3A_62 : memref<512xf32, #tpu.memory_space<hbm>>) target(%dma_start3A_60 : memref<512xf32, #tpu.memory_space<vmem>>) target_semaphore(%arg17 : memref<!tpu.dma_semaphore, #tpu.memory_space<semaphore_mem>>)
      "tpu.region"() ({
        %run_scoped3A = tpu.sem_alloc : memref<!tpu.dma_semaphore, #tpu.memory_space<semaphore_mem>>
        %dma_start3A_1532 = arith.constant 512 : i32
        %dma_start3A_1533 = tpu.memref_slice %arg6[%dma_start3A_1532] : memref<8192xi32, #tpu.memory_space<vmem>> -> memref<128xi32, #tpu.memory_space<vmem>>
        %dma_start3A_1534 = arith.constant 999872 : i32
        %dma_start3A_1535 = tpu.memref_slice %arg4[%dma_start3A_1534] : memref<1000000xi32, #tpu.memory_space<hbm>> -> memref<128xi32, #tpu.memory_space<hbm>>
        %dma_start3A_1536 = arith.constant 512 : i32
        %dma_start3A_1537 = tpu.memref_slice %arg6[%dma_start3A_1536] : memref<8192xi32, #tpu.memory_space<vmem>> -> memref<128xi32, #tpu.memory_space<vmem>>
        %dma_start3A_1538 = arith.constant 999872 : i32
        %dma_start3A_1539 = tpu.memref_slice %arg4[%dma_start3A_1538] : memref<1000000xi32, #tpu.memory_space<hbm>> -> memref<128xi32, #tpu.memory_space<hbm>>
        tpu.enqueue_dma source(%dma_start3A_1539 : memref<128xi32, #tpu.memory_space<hbm>>) target(%dma_start3A_1537 : memref<128xi32, #tpu.memory_space<vmem>>) target_semaphore(%run_scoped3A : memref<!tpu.dma_semaphore, #tpu.memory_space<semaphore_mem>>)
        %dma_wait3A_1540 = arith.constant 512 : i32
        %dma_wait3A_1541 = tpu.memref_slice %arg6[%dma_wait3A_1540] : memref<8192xi32, #tpu.memory_space<vmem>> -> memref<128xi32, #tpu.memory_space<vmem>>
        %dma_wait3A_1542 = arith.constant 999872 : i32
        %dma_wait3A_1543 = tpu.memref_slice %arg4[%dma_wait3A_1542] : memref<1000000xi32, #tpu.memory_space<hbm>> -> memref<128xi32, #tpu.memory_space<hbm>>
        %dma_wait3A_1544 = arith.constant 512 : i32
        %dma_wait3A_1545 = tpu.memref_slice %arg6[%dma_wait3A_1544] : memref<8192xi32, #tpu.memory_space<vmem>> -> memref<128xi32, #tpu.memory_space<vmem>>
        %dma_wait3A_1546 = arith.constant 999872 : i32
        %dma_wait3A_1547 = tpu.memref_slice %arg4[%dma_wait3A_1546] : memref<1000000xi32, #tpu.memory_space<hbm>> -> memref<128xi32, #tpu.memory_space<hbm>>
        tpu.wait_dma2 semaphore(%run_scoped3A : memref<!tpu.dma_semaphore, #tpu.memory_space<semaphore_mem>>) src(%dma_wait3A_1547 : memref<128xi32, #tpu.memory_space<hbm>>) dst(%dma_wait3A_1545 : memref<128xi32, #tpu.memory_space<vmem>>)
        tpu.yield
      }) : () -> ()
      %dma_start3A_63 = arith.constant 512 : i32
      %dma_start3A_64 = tpu.memref_slice %arg8[%dma_start3A_63] : memref<8192xf32, #tpu.memory_space<vmem>> -> memref<128xf32, #tpu.memory_space<vmem>>
      %dma_start3A_65 = arith.constant 999872 : i32
      %dma_start3A_66 = tpu.memref_slice %arg2[%dma_start3A_65] : memref<1000000xf32, #tpu.memory_space<hbm>> -> memref<128xf32, #tpu.memory_space<hbm>>
      %dma_start3A_67 = arith.constant 512 : i32
      %dma_start3A_68 = tpu.memref_slice %arg8[%dma_start3A_67] : memref<8192xf32, #tpu.memory_space<vmem>> -> memref<128xf32, #tpu.memory_space<vmem>>
      %dma_start3A_69 = arith.constant 999872 : i32
      %dma_start3A_70 = tpu.memref_slice %arg2[%dma_start3A_69] : memref<1000000xf32, #tpu.memory_space<hbm>> -> memref<128xf32, #tpu.memory_space<hbm>>
      tpu.enqueue_dma source(%dma_start3A_70 : memref<128xf32, #tpu.memory_space<hbm>>) target(%dma_start3A_68 : memref<128xf32, #tpu.memory_space<vmem>>) target_semaphore(%arg17 : memref<!tpu.dma_semaphore, #tpu.memory_space<semaphore_mem>>)
      %dma_start3A_71 = arith.constant 512 : i32
      %dma_start3A_72 = tpu.memref_slice %arg10[%dma_start3A_71] : memref<8192xf32, #tpu.memory_space<vmem>> -> memref<128xf32, #tpu.memory_space<vmem>>
      %dma_start3A_73 = arith.constant 999872 : i32
      %dma_start3A_74 = tpu.memref_slice %arg3[%dma_start3A_73] : memref<1000000xf32, #tpu.memory_space<hbm>> -> memref<128xf32, #tpu.memory_space<hbm>>
      %dma_start3A_75 = arith.constant 512 : i32
      %dma_start3A_76 = tpu.memref_slice %arg10[%dma_start3A_75] : memref<8192xf32, #tpu.memory_space<vmem>> -> memref<128xf32, #tpu.memory_space<vmem>>
      %dma_start3A_77 = arith.constant 999872 : i32
      %dma_start3A_78 = tpu.memref_slice %arg3[%dma_start3A_77] : memref<1000000xf32, #tpu.memory_space<hbm>> -> memref<128xf32, #tpu.memory_space<hbm>>
      tpu.enqueue_dma source(%dma_start3A_78 : memref<128xf32, #tpu.memory_space<hbm>>) target(%dma_start3A_76 : memref<128xf32, #tpu.memory_space<vmem>>) target_semaphore(%arg17 : memref<!tpu.dma_semaphore, #tpu.memory_space<semaphore_mem>>)
      %dma_start3A_79 = arith.constant 0 : i32
      %dma_start3A_80 = tpu.memref_slice %arg12[%dma_start3A_79] : memref<8192xf32, #tpu.memory_space<vmem>> -> memref<128xf32, #tpu.memory_space<vmem>>
      %dma_start3A_81 = arith.constant 0 : i32
      %dma_start3A_82 = tpu.memref_slice %arg6[%dma_start3A_81] : memref<8192xi32, #tpu.memory_space<vmem>> -> memref<128xi32, #tpu.memory_space<vmem>>
      %dma_start3A_83 = arith.constant 0 : i32
      %dma_start3A_84 = tpu.memref_slice %arg2[%dma_start3A_83] : memref<1000000xf32, #tpu.memory_space<hbm>> -> memref<1000000xf32, #tpu.memory_space<hbm>>
      tpu.enqueue_indirect_dma source(%dma_start3A_84 : memref<1000000xf32, #tpu.memory_space<hbm>>) target(%dma_start3A_80 : memref<128xf32, #tpu.memory_space<vmem>>) offsets(%dma_start3A_82 : memref<128xi32, #tpu.memory_space<vmem>>) semaphore(%arg19 : memref<!tpu.dma_semaphore, #tpu.memory_space<semaphore_mem>>)
      %dma_start3A_85 = arith.constant 0 : i32
      %dma_start3A_86 = tpu.memref_slice %arg14[%dma_start3A_85] : memref<8192xf32, #tpu.memory_space<vmem>> -> memref<128xf32, #tpu.memory_space<vmem>>
      %dma_start3A_87 = arith.constant 0 : i32
      %dma_start3A_88 = tpu.memref_slice %arg6[%dma_start3A_87] : memref<8192xi32, #tpu.memory_space<vmem>> -> memref<128xi32, #tpu.memory_space<vmem>>
      %dma_start3A_89 = arith.constant 0 : i32
      %dma_start3A_90 = tpu.memref_slice %arg3[%dma_start3A_89] : memref<1000000xf32, #tpu.memory_space<hbm>> -> memref<1000000xf32, #tpu.memory_space<hbm>>
      tpu.enqueue_indirect_dma source(%dma_start3A_90 : memref<1000000xf32, #tpu.memory_space<hbm>>) target(%dma_start3A_86 : memref<128xf32, #tpu.memory_space<vmem>>) offsets(%dma_start3A_88 : memref<128xi32, #tpu.memory_space<vmem>>) semaphore(%arg19 : memref<!tpu.dma_semaphore, #tpu.memory_space<semaphore_mem>>)
      %dma_start3A_91 = arith.constant 128 : i32
      %dma_start3A_92 = tpu.memref_slice %arg12[%dma_start3A_91] : memref<8192xf32, #tpu.memory_space<vmem>> -> memref<128xf32, #tpu.memory_space<vmem>>
      %dma_start3A_93 = arith.constant 128 : i32
      %dma_start3A_94 = tpu.memref_slice %arg6[%dma_start3A_93] : memref<8192xi32, #tpu.memory_space<vmem>> -> memref<128xi32, #tpu.memory_space<vmem>>
      %dma_start3A_95 = arith.constant 0 : i32
      %dma_start3A_96 = tpu.memref_slice %arg2[%dma_start3A_95] : memref<1000000xf32, #tpu.memory_space<hbm>> -> memref<1000000xf32, #tpu.memory_space<hbm>>
      tpu.enqueue_indirect_dma source(%dma_start3A_96 : memref<1000000xf32, #tpu.memory_space<hbm>>) target(%dma_start3A_92 : memref<128xf32, #tpu.memory_space<vmem>>) offsets(%dma_start3A_94 : memref<128xi32, #tpu.memory_space<vmem>>) semaphore(%arg19 : memref<!tpu.dma_semaphore, #tpu.memory_space<semaphore_mem>>)
      %dma_start3A_97 = arith.constant 128 : i32
      %dma_start3A_98 = tpu.memref_slice %arg14[%dma_start3A_97] : memref<8192xf32, #tpu.memory_space<vmem>> -> memref<128xf32, #tpu.memory_space<vmem>>
      %dma_start3A_99 = arith.constant 128 : i32
      %dma_start3A_100 = tpu.memref_slice %arg6[%dma_start3A_99] : memref<8192xi32, #tpu.memory_space<vmem>> -> memref<128xi32, #tpu.memory_space<vmem>>
      %dma_start3A_101 = arith.constant 0 : i32
      %dma_start3A_102 = tpu.memref_slice %arg3[%dma_start3A_101] : memref<1000000xf32, #tpu.memory_space<hbm>> -> memref<1000000xf32, #tpu.memory_space<hbm>>
      tpu.enqueue_indirect_dma source(%dma_start3A_102 : memref<1000000xf32, #tpu.memory_space<hbm>>) target(%dma_start3A_98 : memref<128xf32, #tpu.memory_space<vmem>>) offsets(%dma_start3A_100 : memref<128xi32, #tpu.memory_space<vmem>>) semaphore(%arg19 : memref<!tpu.dma_semaphore, #tpu.memory_space<semaphore_mem>>)
      %dma_start3A_103 = arith.constant 256 : i32
      %dma_start3A_104 = tpu.memref_slice %arg12[%dma_start3A_103] : memref<8192xf32, #tpu.memory_space<vmem>> -> memref<128xf32, #tpu.memory_space<vmem>>
      %dma_start3A_105 = arith.constant 256 : i32
      %dma_start3A_106 = tpu.memref_slice %arg6[%dma_start3A_105] : memref<8192xi32, #tpu.memory_space<vmem>> -> memref<128xi32, #tpu.memory_space<vmem>>
      %dma_start3A_107 = arith.constant 0 : i32
      %dma_start3A_108 = tpu.memref_slice %arg2[%dma_start3A_107] : memref<1000000xf32, #tpu.memory_space<hbm>> -> memref<1000000xf32, #tpu.memory_space<hbm>>
      tpu.enqueue_indirect_dma source(%dma_start3A_108 : memref<1000000xf32, #tpu.memory_space<hbm>>) target(%dma_start3A_104 : memref<128xf32, #tpu.memory_space<vmem>>) offsets(%dma_start3A_106 : memref<128xi32, #tpu.memory_space<vmem>>) semaphore(%arg19 : memref<!tpu.dma_semaphore, #tpu.memory_space<semaphore_mem>>)
      %dma_start3A_109 = arith.constant 256 : i32
      %dma_start3A_110 = tpu.memref_slice %arg14[%dma_start3A_109] : memref<8192xf32, #tpu.memory_space<vmem>> -> memref<128xf32, #tpu.memory_space<vmem>>
      %dma_start3A_111 = arith.constant 256 : i32
      %dma_start3A_112 = tpu.memref_slice %arg6[%dma_start3A_111] : memref<8192xi32, #tpu.memory_space<vmem>> -> memref<128xi32, #tpu.memory_space<vmem>>
      %dma_start3A_113 = arith.constant 0 : i32
      %dma_start3A_114 = tpu.memref_slice %arg3[%dma_start3A_113] : memref<1000000xf32, #tpu.memory_space<hbm>> -> memref<1000000xf32, #tpu.memory_space<hbm>>
      tpu.enqueue_indirect_dma source(%dma_start3A_114 : memref<1000000xf32, #tpu.memory_space<hbm>>) target(%dma_start3A_110 : memref<128xf32, #tpu.memory_space<vmem>>) offsets(%dma_start3A_112 : memref<128xi32, #tpu.memory_space<vmem>>) semaphore(%arg19 : memref<!tpu.dma_semaphore, #tpu.memory_space<semaphore_mem>>)
      %dma_start3A_115 = arith.constant 384 : i32
      %dma_start3A_116 = tpu.memref_slice %arg12[%dma_start3A_115] : memref<8192xf32, #tpu.memory_space<vmem>> -> memref<128xf32, #tpu.memory_space<vmem>>
      %dma_start3A_117 = arith.constant 384 : i32
      %dma_start3A_118 = tpu.memref_slice %arg6[%dma_start3A_117] : memref<8192xi32, #tpu.memory_space<vmem>> -> memref<128xi32, #tpu.memory_space<vmem>>
      %dma_start3A_119 = arith.constant 0 : i32
      %dma_start3A_120 = tpu.memref_slice %arg2[%dma_start3A_119] : memref<1000000xf32, #tpu.memory_space<hbm>> -> memref<1000000xf32, #tpu.memory_space<hbm>>
      tpu.enqueue_indirect_dma source(%dma_start3A_120 : memref<1000000xf32, #tpu.memory_space<hbm>>) target(%dma_start3A_116 : memref<128xf32, #tpu.memory_space<vmem>>) offsets(%dma_start3A_118 : memref<128xi32, #tpu.memory_space<vmem>>) semaphore(%arg19 : memref<!tpu.dma_semaphore, #tpu.memory_space<semaphore_mem>>)
      %dma_start3A_121 = arith.constant 384 : i32
      %dma_start3A_122 = tpu.memref_slice %arg14[%dma_start3A_121] : memref<8192xf32, #tpu.memory_space<vmem>> -> memref<128xf32, #tpu.memory_space<vmem>>
      %dma_start3A_123 = arith.constant 384 : i32
      %dma_start3A_124 = tpu.memref_slice %arg6[%dma_start3A_123] : memref<8192xi32, #tpu.memory_space<vmem>> -> memref<128xi32, #tpu.memory_space<vmem>>
      %dma_start3A_125 = arith.constant 0 : i32
      %dma_start3A_126 = tpu.memref_slice %arg3[%dma_start3A_125] : memref<1000000xf32, #tpu.memory_space<hbm>> -> memref<1000000xf32, #tpu.memory_space<hbm>>
      tpu.enqueue_indirect_dma source(%dma_start3A_126 : memref<1000000xf32, #tpu.memory_space<hbm>>) target(%dma_start3A_122 : memref<128xf32, #tpu.memory_space<vmem>>) offsets(%dma_start3A_124 : memref<128xi32, #tpu.memory_space<vmem>>) semaphore(%arg19 : memref<!tpu.dma_semaphore, #tpu.memory_space<semaphore_mem>>)
      %dma_start3A_127 = arith.constant 512 : i32
      %dma_start3A_128 = tpu.memref_slice %arg12[%dma_start3A_127] : memref<8192xf32, #tpu.memory_space<vmem>> -> memref<128xf32, #tpu.memory_space<vmem>>
      %dma_start3A_129 = arith.constant 512 : i32
      %dma_start3A_130 = tpu.memref_slice %arg6[%dma_start3A_129] : memref<8192xi32, #tpu.memory_space<vmem>> -> memref<128xi32, #tpu.memory_space<vmem>>
      %dma_start3A_131 = arith.constant 0 : i32
      %dma_start3A_132 = tpu.memref_slice %arg2[%dma_start3A_131] : memref<1000000xf32, #tpu.memory_space<hbm>> -> memref<1000000xf32, #tpu.memory_space<hbm>>
      tpu.enqueue_indirect_dma source(%dma_start3A_132 : memref<1000000xf32, #tpu.memory_space<hbm>>) target(%dma_start3A_128 : memref<128xf32, #tpu.memory_space<vmem>>) offsets(%dma_start3A_130 : memref<128xi32, #tpu.memory_space<vmem>>) semaphore(%arg19 : memref<!tpu.dma_semaphore, #tpu.memory_space<semaphore_mem>>)
      %dma_start3A_133 = arith.constant 512 : i32
      %dma_start3A_134 = tpu.memref_slice %arg14[%dma_start3A_133] : memref<8192xf32, #tpu.memory_space<vmem>> -> memref<128xf32, #tpu.memory_space<vmem>>
      %dma_start3A_135 = arith.constant 512 : i32
      %dma_start3A_136 = tpu.memref_slice %arg6[%dma_start3A_135] : memref<8192xi32, #tpu.memory_space<vmem>> -> memref<128xi32, #tpu.memory_space<vmem>>
      %dma_start3A_137 = arith.constant 0 : i32
      %dma_start3A_138 = tpu.memref_slice %arg3[%dma_start3A_137] : memref<1000000xf32, #tpu.memory_space<hbm>> -> memref<1000000xf32, #tpu.memory_space<hbm>>
      tpu.enqueue_indirect_dma source(%dma_start3A_138 : memref<1000000xf32, #tpu.memory_space<hbm>>) target(%dma_start3A_134 : memref<128xf32, #tpu.memory_space<vmem>>) offsets(%dma_start3A_136 : memref<128xi32, #tpu.memory_space<vmem>>) semaphore(%arg19 : memref<!tpu.dma_semaphore, #tpu.memory_space<semaphore_mem>>)
      %dma_wait3A = arith.constant 0 : i32
      %dma_wait3A_139 = tpu.memref_slice %arg8[%dma_wait3A] : memref<8192xf32, #tpu.memory_space<vmem>> -> memref<512xf32, #tpu.memory_space<vmem>>
      %dma_wait3A_140 = arith.constant 999424 : i32
      %dma_wait3A_141 = tpu.memref_slice %arg2[%dma_wait3A_140] : memref<1000000xf32, #tpu.memory_space<hbm>> -> memref<512xf32, #tpu.memory_space<hbm>>
      %dma_wait3A_142 = arith.constant 0 : i32
      %dma_wait3A_143 = tpu.memref_slice %arg8[%dma_wait3A_142] : memref<8192xf32, #tpu.memory_space<vmem>> -> memref<512xf32, #tpu.memory_space<vmem>>
      %dma_wait3A_144 = arith.constant 999424 : i32
      %dma_wait3A_145 = tpu.memref_slice %arg2[%dma_wait3A_144] : memref<1000000xf32, #tpu.memory_space<hbm>> -> memref<512xf32, #tpu.memory_space<hbm>>
      tpu.wait_dma2 semaphore(%arg17 : memref<!tpu.dma_semaphore, #tpu.memory_space<semaphore_mem>>) src(%dma_wait3A_145 : memref<512xf32, #tpu.memory_space<hbm>>) dst(%dma_wait3A_143 : memref<512xf32, #tpu.memory_space<vmem>>)
      %dma_wait3A_146 = arith.constant 0 : i32
      %dma_wait3A_147 = tpu.memref_slice %arg10[%dma_wait3A_146] : memref<8192xf32, #tpu.memory_space<vmem>> -> memref<512xf32, #tpu.memory_space<vmem>>
      %dma_wait3A_148 = arith.constant 999424 : i32
      %dma_wait3A_149 = tpu.memref_slice %arg3[%dma_wait3A_148] : memref<1000000xf32, #tpu.memory_space<hbm>> -> memref<512xf32, #tpu.memory_space<hbm>>
      %dma_wait3A_150 = arith.constant 0 : i32
      %dma_wait3A_151 = tpu.memref_slice %arg10[%dma_wait3A_150] : memref<8192xf32, #tpu.memory_space<vmem>> -> memref<512xf32, #tpu.memory_space<vmem>>
      %dma_wait3A_152 = arith.constant 999424 : i32
      %dma_wait3A_153 = tpu.memref_slice %arg3[%dma_wait3A_152] : memref<1000000xf32, #tpu.memory_space<hbm>> -> memref<512xf32, #tpu.memory_space<hbm>>
      tpu.wait_dma2 semaphore(%arg17 : memref<!tpu.dma_semaphore, #tpu.memory_space<semaphore_mem>>) src(%dma_wait3A_153 : memref<512xf32, #tpu.memory_space<hbm>>) dst(%dma_wait3A_151 : memref<512xf32, #tpu.memory_space<vmem>>)
      %dma_wait3A_154 = arith.constant 512 : i32
      %dma_wait3A_155 = tpu.memref_slice %arg8[%dma_wait3A_154] : memref<8192xf32, #tpu.memory_space<vmem>> -> memref<128xf32, #tpu.memory_space<vmem>>
      %dma_wait3A_156 = arith.constant 999872 : i32
      %dma_wait3A_157 = tpu.memref_slice %arg2[%dma_wait3A_156] : memref<1000000xf32, #tpu.memory_space<hbm>> -> memref<128xf32, #tpu.memory_space<hbm>>
      %dma_wait3A_158 = arith.constant 512 : i32
      %dma_wait3A_159 = tpu.memref_slice %arg8[%dma_wait3A_158] : memref<8192xf32, #tpu.memory_space<vmem>> -> memref<128xf32, #tpu.memory_space<vmem>>
      %dma_wait3A_160 = arith.constant 999872 : i32
      %dma_wait3A_161 = tpu.memref_slice %arg2[%dma_wait3A_160] : memref<1000000xf32, #tpu.memory_space<hbm>> -> memref<128xf32, #tpu.memory_space<hbm>>
      tpu.wait_dma2 semaphore(%arg17 : memref<!tpu.dma_semaphore, #tpu.memory_space<semaphore_mem>>) src(%dma_wait3A_161 : memref<128xf32, #tpu.memory_space<hbm>>) dst(%dma_wait3A_159 : memref<128xf32, #tpu.memory_space<vmem>>)
      %dma_wait3A_162 = arith.constant 512 : i32
      %dma_wait3A_163 = tpu.memref_slice %arg10[%dma_wait3A_162] : memref<8192xf32, #tpu.memory_space<vmem>> -> memref<128xf32, #tpu.memory_space<vmem>>
      %dma_wait3A_164 = arith.constant 999872 : i32
      %dma_wait3A_165 = tpu.memref_slice %arg3[%dma_wait3A_164] : memref<1000000xf32, #tpu.memory_space<hbm>> -> memref<128xf32, #tpu.memory_space<hbm>>
      %dma_wait3A_166 = arith.constant 512 : i32
      %dma_wait3A_167 = tpu.memref_slice %arg10[%dma_wait3A_166] : memref<8192xf32, #tpu.memory_space<vmem>> -> memref<128xf32, #tpu.memory_space<vmem>>
      %dma_wait3A_168 = arith.constant 999872 : i32
      %dma_wait3A_169 = tpu.memref_slice %arg3[%dma_wait3A_168] : memref<1000000xf32, #tpu.memory_space<hbm>> -> memref<128xf32, #tpu.memory_space<hbm>>
      tpu.wait_dma2 semaphore(%arg17 : memref<!tpu.dma_semaphore, #tpu.memory_space<semaphore_mem>>) src(%dma_wait3A_169 : memref<128xf32, #tpu.memory_space<hbm>>) dst(%dma_wait3A_167 : memref<128xf32, #tpu.memory_space<vmem>>)
      %dma_wait3A_170 = arith.constant 0 : i32
      %dma_wait3A_171 = tpu.memref_slice %arg12[%dma_wait3A_170] : memref<8192xf32, #tpu.memory_space<vmem>> -> memref<128xf32, #tpu.memory_space<vmem>>
      %dma_wait3A_172 = arith.constant 0 : i32
      %dma_wait3A_173 = tpu.memref_slice %arg6[%dma_wait3A_172] : memref<8192xi32, #tpu.memory_space<vmem>> -> memref<128xi32, #tpu.memory_space<vmem>>
      %dma_wait3A_174 = arith.constant 0 : i32
      %dma_wait3A_175 = tpu.memref_slice %arg2[%dma_wait3A_174] : memref<1000000xf32, #tpu.memory_space<hbm>> -> memref<1000000xf32, #tpu.memory_space<hbm>>
      tpu.wait_indirect_dma semaphore(%arg19 : memref<!tpu.dma_semaphore, #tpu.memory_space<semaphore_mem>>) src(%dma_wait3A_175 : memref<1000000xf32, #tpu.memory_space<hbm>>) dst(%dma_wait3A_171 : memref<128xf32, #tpu.memory_space<vmem>>)
      %dma_wait3A_176 = arith.constant 0 : i32
      %dma_wait3A_177 = tpu.memref_slice %arg14[%dma_wait3A_176] : memref<8192xf32, #tpu.memory_space<vmem>> -> memref<128xf32, #tpu.memory_space<vmem>>
      %dma_wait3A_178 = arith.constant 0 : i32
      %dma_wait3A_179 = tpu.memref_slice %arg6[%dma_wait3A_178] : memref<8192xi32, #tpu.memory_space<vmem>> -> memref<128xi32, #tpu.memory_space<vmem>>
      %dma_wait3A_180 = arith.constant 0 : i32
      %dma_wait3A_181 = tpu.memref_slice %arg3[%dma_wait3A_180] : memref<1000000xf32, #tpu.memory_space<hbm>> -> memref<1000000xf32, #tpu.memory_space<hbm>>
      tpu.wait_indirect_dma semaphore(%arg19 : memref<!tpu.dma_semaphore, #tpu.memory_space<semaphore_mem>>) src(%dma_wait3A_181 : memref<1000000xf32, #tpu.memory_space<hbm>>) dst(%dma_wait3A_177 : memref<128xf32, #tpu.memory_space<vmem>>)
      %dma_wait3A_182 = arith.constant 128 : i32
      %dma_wait3A_183 = tpu.memref_slice %arg12[%dma_wait3A_182] : memref<8192xf32, #tpu.memory_space<vmem>> -> memref<128xf32, #tpu.memory_space<vmem>>
      %dma_wait3A_184 = arith.constant 128 : i32
      %dma_wait3A_185 = tpu.memref_slice %arg6[%dma_wait3A_184] : memref<8192xi32, #tpu.memory_space<vmem>> -> memref<128xi32, #tpu.memory_space<vmem>>
      %dma_wait3A_186 = arith.constant 0 : i32
      %dma_wait3A_187 = tpu.memref_slice %arg2[%dma_wait3A_186] : memref<1000000xf32, #tpu.memory_space<hbm>> -> memref<1000000xf32, #tpu.memory_space<hbm>>
      tpu.wait_indirect_dma semaphore(%arg19 : memref<!tpu.dma_semaphore, #tpu.memory_space<semaphore_mem>>) src(%dma_wait3A_187 : memref<1000000xf32, #tpu.memory_space<hbm>>) dst(%dma_wait3A_183 : memref<128xf32, #tpu.memory_space<vmem>>)
      %dma_wait3A_188 = arith.constant 128 : i32
      %dma_wait3A_189 = tpu.memref_slice %arg14[%dma_wait3A_188] : memref<8192xf32, #tpu.memory_space<vmem>> -> memref<128xf32, #tpu.memory_space<vmem>>
      %dma_wait3A_190 = arith.constant 128 : i32
      %dma_wait3A_191 = tpu.memref_slice %arg6[%dma_wait3A_190] : memref<8192xi32, #tpu.memory_space<vmem>> -> memref<128xi32, #tpu.memory_space<vmem>>
      %dma_wait3A_192 = arith.constant 0 : i32
      %dma_wait3A_193 = tpu.memref_slice %arg3[%dma_wait3A_192] : memref<1000000xf32, #tpu.memory_space<hbm>> -> memref<1000000xf32, #tpu.memory_space<hbm>>
      tpu.wait_indirect_dma semaphore(%arg19 : memref<!tpu.dma_semaphore, #tpu.memory_space<semaphore_mem>>) src(%dma_wait3A_193 : memref<1000000xf32, #tpu.memory_space<hbm>>) dst(%dma_wait3A_189 : memref<128xf32, #tpu.memory_space<vmem>>)
      %dma_wait3A_194 = arith.constant 256 : i32
      %dma_wait3A_195 = tpu.memref_slice %arg12[%dma_wait3A_194] : memref<8192xf32, #tpu.memory_space<vmem>> -> memref<128xf32, #tpu.memory_space<vmem>>
      %dma_wait3A_196 = arith.constant 256 : i32
      %dma_wait3A_197 = tpu.memref_slice %arg6[%dma_wait3A_196] : memref<8192xi32, #tpu.memory_space<vmem>> -> memref<128xi32, #tpu.memory_space<vmem>>
      %dma_wait3A_198 = arith.constant 0 : i32
      %dma_wait3A_199 = tpu.memref_slice %arg2[%dma_wait3A_198] : memref<1000000xf32, #tpu.memory_space<hbm>> -> memref<1000000xf32, #tpu.memory_space<hbm>>
      tpu.wait_indirect_dma semaphore(%arg19 : memref<!tpu.dma_semaphore, #tpu.memory_space<semaphore_mem>>) src(%dma_wait3A_199 : memref<1000000xf32, #tpu.memory_space<hbm>>) dst(%dma_wait3A_195 : memref<128xf32, #tpu.memory_space<vmem>>)
      %dma_wait3A_200 = arith.constant 256 : i32
      %dma_wait3A_201 = tpu.memref_slice %arg14[%dma_wait3A_200] : memref<8192xf32, #tpu.memory_space<vmem>> -> memref<128xf32, #tpu.memory_space<vmem>>
      %dma_wait3A_202 = arith.constant 256 : i32
      %dma_wait3A_203 = tpu.memref_slice %arg6[%dma_wait3A_202] : memref<8192xi32, #tpu.memory_space<vmem>> -> memref<128xi32, #tpu.memory_space<vmem>>
      %dma_wait3A_204 = arith.constant 0 : i32
      %dma_wait3A_205 = tpu.memref_slice %arg3[%dma_wait3A_204] : memref<1000000xf32, #tpu.memory_space<hbm>> -> memref<1000000xf32, #tpu.memory_space<hbm>>
      tpu.wait_indirect_dma semaphore(%arg19 : memref<!tpu.dma_semaphore, #tpu.memory_space<semaphore_mem>>) src(%dma_wait3A_205 : memref<1000000xf32, #tpu.memory_space<hbm>>) dst(%dma_wait3A_201 : memref<128xf32, #tpu.memory_space<vmem>>)
      %dma_wait3A_206 = arith.constant 384 : i32
      %dma_wait3A_207 = tpu.memref_slice %arg12[%dma_wait3A_206] : memref<8192xf32, #tpu.memory_space<vmem>> -> memref<128xf32, #tpu.memory_space<vmem>>
      %dma_wait3A_208 = arith.constant 384 : i32
      %dma_wait3A_209 = tpu.memref_slice %arg6[%dma_wait3A_208] : memref<8192xi32, #tpu.memory_space<vmem>> -> memref<128xi32, #tpu.memory_space<vmem>>
      %dma_wait3A_210 = arith.constant 0 : i32
      %dma_wait3A_211 = tpu.memref_slice %arg2[%dma_wait3A_210] : memref<1000000xf32, #tpu.memory_space<hbm>> -> memref<1000000xf32, #tpu.memory_space<hbm>>
      tpu.wait_indirect_dma semaphore(%arg19 : memref<!tpu.dma_semaphore, #tpu.memory_space<semaphore_mem>>) src(%dma_wait3A_211 : memref<1000000xf32, #tpu.memory_space<hbm>>) dst(%dma_wait3A_207 : memref<128xf32, #tpu.memory_space<vmem>>)
      %dma_wait3A_212 = arith.constant 384 : i32
      %dma_wait3A_213 = tpu.memref_slice %arg14[%dma_wait3A_212] : memref<8192xf32, #tpu.memory_space<vmem>> -> memref<128xf32, #tpu.memory_space<vmem>>
      %dma_wait3A_214 = arith.constant 384 : i32
      %dma_wait3A_215 = tpu.memref_slice %arg6[%dma_wait3A_214] : memref<8192xi32, #tpu.memory_space<vmem>> -> memref<128xi32, #tpu.memory_space<vmem>>
      %dma_wait3A_216 = arith.constant 0 : i32
      %dma_wait3A_217 = tpu.memref_slice %arg3[%dma_wait3A_216] : memref<1000000xf32, #tpu.memory_space<hbm>> -> memref<1000000xf32, #tpu.memory_space<hbm>>
      tpu.wait_indirect_dma semaphore(%arg19 : memref<!tpu.dma_semaphore, #tpu.memory_space<semaphore_mem>>) src(%dma_wait3A_217 : memref<1000000xf32, #tpu.memory_space<hbm>>) dst(%dma_wait3A_213 : memref<128xf32, #tpu.memory_space<vmem>>)
      %dma_wait3A_218 = arith.constant 512 : i32
      %dma_wait3A_219 = tpu.memref_slice %arg12[%dma_wait3A_218] : memref<8192xf32, #tpu.memory_space<vmem>> -> memref<128xf32, #tpu.memory_space<vmem>>
      %dma_wait3A_220 = arith.constant 512 : i32
      %dma_wait3A_221 = tpu.memref_slice %arg6[%dma_wait3A_220] : memref<8192xi32, #tpu.memory_space<vmem>> -> memref<128xi32, #tpu.memory_space<vmem>>
      %dma_wait3A_222 = arith.constant 0 : i32
      %dma_wait3A_223 = tpu.memref_slice %arg2[%dma_wait3A_222] : memref<1000000xf32, #tpu.memory_space<hbm>> -> memref<1000000xf32, #tpu.memory_space<hbm>>
      tpu.wait_indirect_dma semaphore(%arg19 : memref<!tpu.dma_semaphore, #tpu.memory_space<semaphore_mem>>) src(%dma_wait3A_223 : memref<1000000xf32, #tpu.memory_space<hbm>>) dst(%dma_wait3A_219 : memref<128xf32, #tpu.memory_space<vmem>>)
      %dma_wait3A_224 = arith.constant 512 : i32
      %dma_wait3A_225 = tpu.memref_slice %arg14[%dma_wait3A_224] : memref<8192xf32, #tpu.memory_space<vmem>> -> memref<128xf32, #tpu.memory_space<vmem>>
      %dma_wait3A_226 = arith.constant 512 : i32
      %dma_wait3A_227 = tpu.memref_slice %arg6[%dma_wait3A_226] : memref<8192xi32, #tpu.memory_space<vmem>> -> memref<128xi32, #tpu.memory_space<vmem>>
      %dma_wait3A_228 = arith.constant 0 : i32
      %dma_wait3A_229 = tpu.memref_slice %arg3[%dma_wait3A_228] : memref<1000000xf32, #tpu.memory_space<hbm>> -> memref<1000000xf32, #tpu.memory_space<hbm>>
      tpu.wait_indirect_dma semaphore(%arg19 : memref<!tpu.dma_semaphore, #tpu.memory_space<semaphore_mem>>) src(%dma_wait3A_229 : memref<1000000xf32, #tpu.memory_space<hbm>>) dst(%dma_wait3A_225 : memref<128xf32, #tpu.memory_space<vmem>>)
      %broadcast_in_dim3A_230 = arith.constant 0.000000e+00 : f32
      %broadcast_in_dim3A_231 = vector.broadcast %broadcast_in_dim3A_230 : f32 to vector<16xf32>
      %get3A = arith.constant 0 : index
      %get3A_232 = tpu.vector_load %arg8[%get3A] {strides = array<i32>} : memref<8192xf32, #tpu.memory_space<vmem>>, vector<16xf32>,
      %get3A_233 = vector.shape_cast %get3A_232 : vector<16xf32> to vector<16xf32>
      %get3A_234 = arith.constant 0 : index
      %get3A_235 = tpu.vector_load %arg12[%get3A_234] {strides = array<i32>} : memref<8192xf32, #tpu.memory_space<vmem>>, vector<16xf32>,
      %get3A_236 = vector.shape_cast %get3A_235 : vector<16xf32> to vector<16xf32>
      %get3A_237 = arith.constant 0 : index
      %get3A_238 = tpu.vector_load %arg10[%get3A_237] {strides = array<i32>} : memref<8192xf32, #tpu.memory_space<vmem>>, vector<16xf32>,
      %get3A_239 = vector.shape_cast %get3A_238 : vector<16xf32> to vector<16xf32>
      %get3A_240 = arith.constant 0 : index
      %get3A_241 = tpu.vector_load %arg14[%get3A_240] {strides = array<i32>} : memref<8192xf32, #tpu.memory_space<vmem>>, vector<16xf32>,
      %get3A_242 = vector.shape_cast %get3A_241 : vector<16xf32> to vector<16xf32>
      %eq3A_243 = arith.cmpf oeq, %get3A_233, %get3A_236 : vector<16xf32>
      %jit3A_244 = arith.constant -1.000000e+00 : f32
      %jit3A_245 = arith.constant 1.000000e+00 : f32
      %broadcast_in_dim3A_246 = vector.broadcast %jit3A_244 : f32 to vector<16xf32>
      %broadcast_in_dim3A_247 = vector.broadcast %jit3A_245 : f32 to vector<16xf32>
      %select_n3A_248 = arith.select %eq3A_243, %broadcast_in_dim3A_246, %broadcast_in_dim3A_247 : vector<16xi1>, vector<16xf32>
      %sub3A = arith.subf %get3A_233, %get3A_236 : vector<16xf32>
      %abs3A = math.absf %sub3A : vector<16xf32>
      %sub3A_249 = arith.subf %get3A_239, %get3A_242 : vector<16xf32>
      %abs3A_250 = math.absf %sub3A_249 : vector<16xf32>
      %mul3A_251 = arith.mulf %select_n3A_248, %abs3A_250 : vector<16xf32>
      %sub3A_252 = arith.subf %abs3A, %mul3A_251 : vector<16xf32>
      %max3A = arith.constant 0.000000e+00 : f32
      %max3A_253 = vector.broadcast %max3A : f32 to vector<16xf32>
      %max3A_254 = arith.maximumf %sub3A_252, %max3A_253 : vector<16xf32>
      %mul3A_255 = arith.mulf %max3A_254, %max3A_254 : vector<16xf32>
      %mul3A_256 = arith.constant 1.000000e+00 : f32
      %mul3A_257 = vector.broadcast %mul3A_256 : f32 to vector<16xf32>
      %mul3A_258 = arith.mulf %mul3A_257, %mul3A_255 : vector<16xf32>
      %mul3A_259 = arith.constant 1.000000e+00 : f32
      %mul3A_260 = vector.broadcast %mul3A_259 : f32 to vector<16xf32>
      %mul3A_261 = arith.mulf %mul3A_260, %mul3A_255 : vector<16xf32>
      %select_n3A_262 = arith.select %eq3A_243, %mul3A_258, %mul3A_261 : vector<16xi1>, vector<16xf32>
      %add3A_263 = arith.addf %broadcast_in_dim3A_231, %select_n3A_262 : vector<16xf32>
      %get3A_264 = arith.constant 16 : index
      %get3A_265 = tpu.vector_load %arg8[%get3A_264] {strides = array<i32>} : memref<8192xf32, #tpu.memory_space<vmem>>, vector<16xf32>,
      %get3A_266 = vector.shape_cast %get3A_265 : vector<16xf32> to vector<16xf32>
      %get3A_267 = arith.constant 16 : index
      %get3A_268 = tpu.vector_load %arg12[%get3A_267] {strides = array<i32>} : memref<8192xf32, #tpu.memory_space<vmem>>, vector<16xf32>,
      %get3A_269 = vector.shape_cast %get3A_268 : vector<16xf32> to vector<16xf32>
      %get3A_270 = arith.constant 16 : index
      %get3A_271 = tpu.vector_load %arg10[%get3A_270] {strides = array<i32>} : memref<8192xf32, #tpu.memory_space<vmem>>, vector<16xf32>,
      %get3A_272 = vector.shape_cast %get3A_271 : vector<16xf32> to vector<16xf32>
      %get3A_273 = arith.constant 16 : index
      %get3A_274 = tpu.vector_load %arg14[%get3A_273] {strides = array<i32>} : memref<8192xf32, #tpu.memory_space<vmem>>, vector<16xf32>,
      %get3A_275 = vector.shape_cast %get3A_274 : vector<16xf32> to vector<16xf32>
      %eq3A_276 = arith.cmpf oeq, %get3A_266, %get3A_269 : vector<16xf32>
      %jit3A_277 = arith.constant -1.000000e+00 : f32
      %jit3A_278 = arith.constant 1.000000e+00 : f32
      %broadcast_in_dim3A_279 = vector.broadcast %jit3A_277 : f32 to vector<16xf32>
      %broadcast_in_dim3A_280 = vector.broadcast %jit3A_278 : f32 to vector<16xf32>
      %select_n3A_281 = arith.select %eq3A_276, %broadcast_in_dim3A_279, %broadcast_in_dim3A_280 : vector<16xi1>, vector<16xf32>
      %sub3A_282 = arith.subf %get3A_266, %get3A_269 : vector<16xf32>
      %abs3A_283 = math.absf %sub3A_282 : vector<16xf32>
      %sub3A_284 = arith.subf %get3A_272, %get3A_275 : vector<16xf32>
      %abs3A_285 = math.absf %sub3A_284 : vector<16xf32>
      %mul3A_286 = arith.mulf %select_n3A_281, %abs3A_285 : vector<16xf32>
      %sub3A_287 = arith.subf %abs3A_283, %mul3A_286 : vector<16xf32>
      %max3A_288 = arith.constant 0.000000e+00 : f32
      %max3A_289 = vector.broadcast %max3A_288 : f32 to vector<16xf32>
      %max3A_290 = arith.maximumf %sub3A_287, %max3A_289 : vector<16xf32>
      %mul3A_291 = arith.mulf %max3A_290, %max3A_290 : vector<16xf32>
      %mul3A_292 = arith.constant 1.000000e+00 : f32
      %mul3A_293 = vector.broadcast %mul3A_292 : f32 to vector<16xf32>
      %mul3A_294 = arith.mulf %mul3A_293, %mul3A_291 : vector<16xf32>
      %mul3A_295 = arith.constant 1.000000e+00 : f32
      %mul3A_296 = vector.broadcast %mul3A_295 : f32 to vector<16xf32>
      %mul3A_297 = arith.mulf %mul3A_296, %mul3A_291 : vector<16xf32>
      %select_n3A_298 = arith.select %eq3A_276, %mul3A_294, %mul3A_297 : vector<16xi1>, vector<16xf32>
      %add3A_299 = arith.addf %add3A_263, %select_n3A_298 : vector<16xf32>
      %get3A_300 = arith.constant 32 : index
      %get3A_301 = tpu.vector_load %arg8[%get3A_300] {strides = array<i32>} : memref<8192xf32, #tpu.memory_space<vmem>>, vector<16xf32>,
      %get3A_302 = vector.shape_cast %get3A_301 : vector<16xf32> to vector<16xf32>
      %get3A_303 = arith.constant 32 : index
      %get3A_304 = tpu.vector_load %arg12[%get3A_303] {strides = array<i32>} : memref<8192xf32, #tpu.memory_space<vmem>>, vector<16xf32>,
      %get3A_305 = vector.shape_cast %get3A_304 : vector<16xf32> to vector<16xf32>
      %get3A_306 = arith.constant 32 : index
      %get3A_307 = tpu.vector_load %arg10[%get3A_306] {strides = array<i32>} : memref<8192xf32, #tpu.memory_space<vmem>>, vector<16xf32>,
      %get3A_308 = vector.shape_cast %get3A_307 : vector<16xf32> to vector<16xf32>
      %get3A_309 = arith.constant 32 : index
      %get3A_310 = tpu.vector_load %arg14[%get3A_309] {strides = array<i32>} : memref<8192xf32, #tpu.memory_space<vmem>>, vector<16xf32>,
      %get3A_311 = vector.shape_cast %get3A_310 : vector<16xf32> to vector<16xf32>
      %eq3A_312 = arith.cmpf oeq, %get3A_302, %get3A_305 : vector<16xf32>
      %jit3A_313 = arith.constant -1.000000e+00 : f32
      %jit3A_314 = arith.constant 1.000000e+00 : f32
      %broadcast_in_dim3A_315 = vector.broadcast %jit3A_313 : f32 to vector<16xf32>
      %broadcast_in_dim3A_316 = vector.broadcast %jit3A_314 : f32 to vector<16xf32>
      %select_n3A_317 = arith.select %eq3A_312, %broadcast_in_dim3A_315, %broadcast_in_dim3A_316 : vector<16xi1>, vector<16xf32>
      %sub3A_318 = arith.subf %get3A_302, %get3A_305 : vector<16xf32>
      %abs3A_319 = math.absf %sub3A_318 : vector<16xf32>
      %sub3A_320 = arith.subf %get3A_308, %get3A_311 : vector<16xf32>
      %abs3A_321 = math.absf %sub3A_320 : vector<16xf32>
      %mul3A_322 = arith.mulf %select_n3A_317, %abs3A_321 : vector<16xf32>
      %sub3A_323 = arith.subf %abs3A_319, %mul3A_322 : vector<16xf32>
      %max3A_324 = arith.constant 0.000000e+00 : f32
      %max3A_325 = vector.broadcast %max3A_324 : f32 to vector<16xf32>
      %max3A_326 = arith.maximumf %sub3A_323, %max3A_325 : vector<16xf32>
      %mul3A_327 = arith.mulf %max3A_326, %max3A_326 : vector<16xf32>
      %mul3A_328 = arith.constant 1.000000e+00 : f32
      %mul3A_329 = vector.broadcast %mul3A_328 : f32 to vector<16xf32>
      %mul3A_330 = arith.mulf %mul3A_329, %mul3A_327 : vector<16xf32>
      %mul3A_331 = arith.constant 1.000000e+00 : f32
      %mul3A_332 = vector.broadcast %mul3A_331 : f32 to vector<16xf32>
      %mul3A_333 = arith.mulf %mul3A_332, %mul3A_327 : vector<16xf32>
      %select_n3A_334 = arith.select %eq3A_312, %mul3A_330, %mul3A_333 : vector<16xi1>, vector<16xf32>
      %add3A_335 = arith.addf %add3A_299, %select_n3A_334 : vector<16xf32>
      %get3A_336 = arith.constant 48 : index
      %get3A_337 = tpu.vector_load %arg8[%get3A_336] {strides = array<i32>} : memref<8192xf32, #tpu.memory_space<vmem>>, vector<16xf32>,
      %get3A_338 = vector.shape_cast %get3A_337 : vector<16xf32> to vector<16xf32>
      %get3A_339 = arith.constant 48 : index
      %get3A_340 = tpu.vector_load %arg12[%get3A_339] {strides = array<i32>} : memref<8192xf32, #tpu.memory_space<vmem>>, vector<16xf32>,
      %get3A_341 = vector.shape_cast %get3A_340 : vector<16xf32> to vector<16xf32>
      %get3A_342 = arith.constant 48 : index
      %get3A_343 = tpu.vector_load %arg10[%get3A_342] {strides = array<i32>} : memref<8192xf32, #tpu.memory_space<vmem>>, vector<16xf32>,
      %get3A_344 = vector.shape_cast %get3A_343 : vector<16xf32> to vector<16xf32>
      %get3A_345 = arith.constant 48 : index
      %get3A_346 = tpu.vector_load %arg14[%get3A_345] {strides = array<i32>} : memref<8192xf32, #tpu.memory_space<vmem>>, vector<16xf32>,
      %get3A_347 = vector.shape_cast %get3A_346 : vector<16xf32> to vector<16xf32>
      %eq3A_348 = arith.cmpf oeq, %get3A_338, %get3A_341 : vector<16xf32>
      %jit3A_349 = arith.constant -1.000000e+00 : f32
      %jit3A_350 = arith.constant 1.000000e+00 : f32
      %broadcast_in_dim3A_351 = vector.broadcast %jit3A_349 : f32 to vector<16xf32>
      %broadcast_in_dim3A_352 = vector.broadcast %jit3A_350 : f32 to vector<16xf32>
      %select_n3A_353 = arith.select %eq3A_348, %broadcast_in_dim3A_351, %broadcast_in_dim3A_352 : vector<16xi1>, vector<16xf32>
      %sub3A_354 = arith.subf %get3A_338, %get3A_341 : vector<16xf32>
      %abs3A_355 = math.absf %sub3A_354 : vector<16xf32>
      %sub3A_356 = arith.subf %get3A_344, %get3A_347 : vector<16xf32>
      %abs3A_357 = math.absf %sub3A_356 : vector<16xf32>
      %mul3A_358 = arith.mulf %select_n3A_353, %abs3A_357 : vector<16xf32>
      %sub3A_359 = arith.subf %abs3A_355, %mul3A_358 : vector<16xf32>
      %max3A_360 = arith.constant 0.000000e+00 : f32
      %max3A_361 = vector.broadcast %max3A_360 : f32 to vector<16xf32>
      %max3A_362 = arith.maximumf %sub3A_359, %max3A_361 : vector<16xf32>
      %mul3A_363 = arith.mulf %max3A_362, %max3A_362 : vector<16xf32>
      %mul3A_364 = arith.constant 1.000000e+00 : f32
      %mul3A_365 = vector.broadcast %mul3A_364 : f32 to vector<16xf32>
      %mul3A_366 = arith.mulf %mul3A_365, %mul3A_363 : vector<16xf32>
      %mul3A_367 = arith.constant 1.000000e+00 : f32
      %mul3A_368 = vector.broadcast %mul3A_367 : f32 to vector<16xf32>
      %mul3A_369 = arith.mulf %mul3A_368, %mul3A_363 : vector<16xf32>
      %select_n3A_370 = arith.select %eq3A_348, %mul3A_366, %mul3A_369 : vector<16xi1>, vector<16xf32>
      %add3A_371 = arith.addf %add3A_335, %select_n3A_370 : vector<16xf32>
      %get3A_372 = arith.constant 64 : index
      %get3A_373 = tpu.vector_load %arg8[%get3A_372] {strides = array<i32>} : memref<8192xf32, #tpu.memory_space<vmem>>, vector<16xf32>,
      %get3A_374 = vector.shape_cast %get3A_373 : vector<16xf32> to vector<16xf32>
      %get3A_375 = arith.constant 64 : index
      %get3A_376 = tpu.vector_load %arg12[%get3A_375] {strides = array<i32>} : memref<8192xf32, #tpu.memory_space<vmem>>, vector<16xf32>,
      %get3A_377 = vector.shape_cast %get3A_376 : vector<16xf32> to vector<16xf32>
      %get3A_378 = arith.constant 64 : index
      %get3A_379 = tpu.vector_load %arg10[%get3A_378] {strides = array<i32>} : memref<8192xf32, #tpu.memory_space<vmem>>, vector<16xf32>,
      %get3A_380 = vector.shape_cast %get3A_379 : vector<16xf32> to vector<16xf32>
      %get3A_381 = arith.constant 64 : index
      %get3A_382 = tpu.vector_load %arg14[%get3A_381] {strides = array<i32>} : memref<8192xf32, #tpu.memory_space<vmem>>, vector<16xf32>,
      %get3A_383 = vector.shape_cast %get3A_382 : vector<16xf32> to vector<16xf32>
      %eq3A_384 = arith.cmpf oeq, %get3A_374, %get3A_377 : vector<16xf32>
      %jit3A_385 = arith.constant -1.000000e+00 : f32
      %jit3A_386 = arith.constant 1.000000e+00 : f32
      %broadcast_in_dim3A_387 = vector.broadcast %jit3A_385 : f32 to vector<16xf32>
      %broadcast_in_dim3A_388 = vector.broadcast %jit3A_386 : f32 to vector<16xf32>
      %select_n3A_389 = arith.select %eq3A_384, %broadcast_in_dim3A_387, %broadcast_in_dim3A_388 : vector<16xi1>, vector<16xf32>
      %sub3A_390 = arith.subf %get3A_374, %get3A_377 : vector<16xf32>
      %abs3A_391 = math.absf %sub3A_390 : vector<16xf32>
      %sub3A_392 = arith.subf %get3A_380, %get3A_383 : vector<16xf32>
      %abs3A_393 = math.absf %sub3A_392 : vector<16xf32>
      %mul3A_394 = arith.mulf %select_n3A_389, %abs3A_393 : vector<16xf32>
      %sub3A_395 = arith.subf %abs3A_391, %mul3A_394 : vector<16xf32>
      %max3A_396 = arith.constant 0.000000e+00 : f32
      %max3A_397 = vector.broadcast %max3A_396 : f32 to vector<16xf32>
      %max3A_398 = arith.maximumf %sub3A_395, %max3A_397 : vector<16xf32>
      %mul3A_399 = arith.mulf %max3A_398, %max3A_398 : vector<16xf32>
      %mul3A_400 = arith.constant 1.000000e+00 : f32
      %mul3A_401 = vector.broadcast %mul3A_400 : f32 to vector<16xf32>
      %mul3A_402 = arith.mulf %mul3A_401, %mul3A_399 : vector<16xf32>
      %mul3A_403 = arith.constant 1.000000e+00 : f32
      %mul3A_404 = vector.broadcast %mul3A_403 : f32 to vector<16xf32>
      %mul3A_405 = arith.mulf %mul3A_404, %mul3A_399 : vector<16xf32>
      %select_n3A_406 = arith.select %eq3A_384, %mul3A_402, %mul3A_405 : vector<16xi1>, vector<16xf32>
      %add3A_407 = arith.addf %add3A_371, %select_n3A_406 : vector<16xf32>
      %get3A_408 = arith.constant 80 : index
      %get3A_409 = tpu.vector_load %arg8[%get3A_408] {strides = array<i32>} : memref<8192xf32, #tpu.memory_space<vmem>>, vector<16xf32>,
      %get3A_410 = vector.shape_cast %get3A_409 : vector<16xf32> to vector<16xf32>
      %get3A_411 = arith.constant 80 : index
      %get3A_412 = tpu.vector_load %arg12[%get3A_411] {strides = array<i32>} : memref<8192xf32, #tpu.memory_space<vmem>>, vector<16xf32>,
      %get3A_413 = vector.shape_cast %get3A_412 : vector<16xf32> to vector<16xf32>
      %get3A_414 = arith.constant 80 : index
      %get3A_415 = tpu.vector_load %arg10[%get3A_414] {strides = array<i32>} : memref<8192xf32, #tpu.memory_space<vmem>>, vector<16xf32>,
      %get3A_416 = vector.shape_cast %get3A_415 : vector<16xf32> to vector<16xf32>
      %get3A_417 = arith.constant 80 : index
      %get3A_418 = tpu.vector_load %arg14[%get3A_417] {strides = array<i32>} : memref<8192xf32, #tpu.memory_space<vmem>>, vector<16xf32>,
      %get3A_419 = vector.shape_cast %get3A_418 : vector<16xf32> to vector<16xf32>
      %eq3A_420 = arith.cmpf oeq, %get3A_410, %get3A_413 : vector<16xf32>
      %jit3A_421 = arith.constant -1.000000e+00 : f32
      %jit3A_422 = arith.constant 1.000000e+00 : f32
      %broadcast_in_dim3A_423 = vector.broadcast %jit3A_421 : f32 to vector<16xf32>
      %broadcast_in_dim3A_424 = vector.broadcast %jit3A_422 : f32 to vector<16xf32>
      %select_n3A_425 = arith.select %eq3A_420, %broadcast_in_dim3A_423, %broadcast_in_dim3A_424 : vector<16xi1>, vector<16xf32>
      %sub3A_426 = arith.subf %get3A_410, %get3A_413 : vector<16xf32>
      %abs3A_427 = math.absf %sub3A_426 : vector<16xf32>
      %sub3A_428 = arith.subf %get3A_416, %get3A_419 : vector<16xf32>
      %abs3A_429 = math.absf %sub3A_428 : vector<16xf32>
      %mul3A_430 = arith.mulf %select_n3A_425, %abs3A_429 : vector<16xf32>
      %sub3A_431 = arith.subf %abs3A_427, %mul3A_430 : vector<16xf32>
      %max3A_432 = arith.constant 0.000000e+00 : f32
      %max3A_433 = vector.broadcast %max3A_432 : f32 to vector<16xf32>
      %max3A_434 = arith.maximumf %sub3A_431, %max3A_433 : vector<16xf32>
      %mul3A_435 = arith.mulf %max3A_434, %max3A_434 : vector<16xf32>
      %mul3A_436 = arith.constant 1.000000e+00 : f32
      %mul3A_437 = vector.broadcast %mul3A_436 : f32 to vector<16xf32>
      %mul3A_438 = arith.mulf %mul3A_437, %mul3A_435 : vector<16xf32>
      %mul3A_439 = arith.constant 1.000000e+00 : f32
      %mul3A_440 = vector.broadcast %mul3A_439 : f32 to vector<16xf32>
      %mul3A_441 = arith.mulf %mul3A_440, %mul3A_435 : vector<16xf32>
      %select_n3A_442 = arith.select %eq3A_420, %mul3A_438, %mul3A_441 : vector<16xi1>, vector<16xf32>
      %add3A_443 = arith.addf %add3A_407, %select_n3A_442 : vector<16xf32>
      %get3A_444 = arith.constant 96 : index
      %get3A_445 = tpu.vector_load %arg8[%get3A_444] {strides = array<i32>} : memref<8192xf32, #tpu.memory_space<vmem>>, vector<16xf32>,
      %get3A_446 = vector.shape_cast %get3A_445 : vector<16xf32> to vector<16xf32>
      %get3A_447 = arith.constant 96 : index
      %get3A_448 = tpu.vector_load %arg12[%get3A_447] {strides = array<i32>} : memref<8192xf32, #tpu.memory_space<vmem>>, vector<16xf32>,
      %get3A_449 = vector.shape_cast %get3A_448 : vector<16xf32> to vector<16xf32>
      %get3A_450 = arith.constant 96 : index
      %get3A_451 = tpu.vector_load %arg10[%get3A_450] {strides = array<i32>} : memref<8192xf32, #tpu.memory_space<vmem>>, vector<16xf32>,
      %get3A_452 = vector.shape_cast %get3A_451 : vector<16xf32> to vector<16xf32>
      %get3A_453 = arith.constant 96 : index
      %get3A_454 = tpu.vector_load %arg14[%get3A_453] {strides = array<i32>} : memref<8192xf32, #tpu.memory_space<vmem>>, vector<16xf32>,
      %get3A_455 = vector.shape_cast %get3A_454 : vector<16xf32> to vector<16xf32>
      %eq3A_456 = arith.cmpf oeq, %get3A_446, %get3A_449 : vector<16xf32>
      %jit3A_457 = arith.constant -1.000000e+00 : f32
      %jit3A_458 = arith.constant 1.000000e+00 : f32
      %broadcast_in_dim3A_459 = vector.broadcast %jit3A_457 : f32 to vector<16xf32>
      %broadcast_in_dim3A_460 = vector.broadcast %jit3A_458 : f32 to vector<16xf32>
      %select_n3A_461 = arith.select %eq3A_456, %broadcast_in_dim3A_459, %broadcast_in_dim3A_460 : vector<16xi1>, vector<16xf32>
      %sub3A_462 = arith.subf %get3A_446, %get3A_449 : vector<16xf32>
      %abs3A_463 = math.absf %sub3A_462 : vector<16xf32>
      %sub3A_464 = arith.subf %get3A_452, %get3A_455 : vector<16xf32>
      %abs3A_465 = math.absf %sub3A_464 : vector<16xf32>
      %mul3A_466 = arith.mulf %select_n3A_461, %abs3A_465 : vector<16xf32>
      %sub3A_467 = arith.subf %abs3A_463, %mul3A_466 : vector<16xf32>
      %max3A_468 = arith.constant 0.000000e+00 : f32
      %max3A_469 = vector.broadcast %max3A_468 : f32 to vector<16xf32>
      %max3A_470 = arith.maximumf %sub3A_467, %max3A_469 : vector<16xf32>
      %mul3A_471 = arith.mulf %max3A_470, %max3A_470 : vector<16xf32>
      %mul3A_472 = arith.constant 1.000000e+00 : f32
      %mul3A_473 = vector.broadcast %mul3A_472 : f32 to vector<16xf32>
      %mul3A_474 = arith.mulf %mul3A_473, %mul3A_471 : vector<16xf32>
      %mul3A_475 = arith.constant 1.000000e+00 : f32
      %mul3A_476 = vector.broadcast %mul3A_475 : f32 to vector<16xf32>
      %mul3A_477 = arith.mulf %mul3A_476, %mul3A_471 : vector<16xf32>
      %select_n3A_478 = arith.select %eq3A_456, %mul3A_474, %mul3A_477 : vector<16xi1>, vector<16xf32>
      %add3A_479 = arith.addf %add3A_443, %select_n3A_478 : vector<16xf32>
      %get3A_480 = arith.constant 112 : index
      %get3A_481 = tpu.vector_load %arg8[%get3A_480] {strides = array<i32>} : memref<8192xf32, #tpu.memory_space<vmem>>, vector<16xf32>,
      %get3A_482 = vector.shape_cast %get3A_481 : vector<16xf32> to vector<16xf32>
      %get3A_483 = arith.constant 112 : index
      %get3A_484 = tpu.vector_load %arg12[%get3A_483] {strides = array<i32>} : memref<8192xf32, #tpu.memory_space<vmem>>, vector<16xf32>,
      %get3A_485 = vector.shape_cast %get3A_484 : vector<16xf32> to vector<16xf32>
      %get3A_486 = arith.constant 112 : index
      %get3A_487 = tpu.vector_load %arg10[%get3A_486] {strides = array<i32>} : memref<8192xf32, #tpu.memory_space<vmem>>, vector<16xf32>,
      %get3A_488 = vector.shape_cast %get3A_487 : vector<16xf32> to vector<16xf32>
      %get3A_489 = arith.constant 112 : index
      %get3A_490 = tpu.vector_load %arg14[%get3A_489] {strides = array<i32>} : memref<8192xf32, #tpu.memory_space<vmem>>, vector<16xf32>,
      %get3A_491 = vector.shape_cast %get3A_490 : vector<16xf32> to vector<16xf32>
      %eq3A_492 = arith.cmpf oeq, %get3A_482, %get3A_485 : vector<16xf32>
      %jit3A_493 = arith.constant -1.000000e+00 : f32
      %jit3A_494 = arith.constant 1.000000e+00 : f32
      %broadcast_in_dim3A_495 = vector.broadcast %jit3A_493 : f32 to vector<16xf32>
      %broadcast_in_dim3A_496 = vector.broadcast %jit3A_494 : f32 to vector<16xf32>
      %select_n3A_497 = arith.select %eq3A_492, %broadcast_in_dim3A_495, %broadcast_in_dim3A_496 : vector<16xi1>, vector<16xf32>
      %sub3A_498 = arith.subf %get3A_482, %get3A_485 : vector<16xf32>
      %abs3A_499 = math.absf %sub3A_498 : vector<16xf32>
      %sub3A_500 = arith.subf %get3A_488, %get3A_491 : vector<16xf32>
      %abs3A_501 = math.absf %sub3A_500 : vector<16xf32>
      %mul3A_502 = arith.mulf %select_n3A_497, %abs3A_501 : vector<16xf32>
      %sub3A_503 = arith.subf %abs3A_499, %mul3A_502 : vector<16xf32>
      %max3A_504 = arith.constant 0.000000e+00 : f32
      %max3A_505 = vector.broadcast %max3A_504 : f32 to vector<16xf32>
      %max3A_506 = arith.maximumf %sub3A_503, %max3A_505 : vector<16xf32>
      %mul3A_507 = arith.mulf %max3A_506, %max3A_506 : vector<16xf32>
      %mul3A_508 = arith.constant 1.000000e+00 : f32
      %mul3A_509 = vector.broadcast %mul3A_508 : f32 to vector<16xf32>
      %mul3A_510 = arith.mulf %mul3A_509, %mul3A_507 : vector<16xf32>
      %mul3A_511 = arith.constant 1.000000e+00 : f32
      %mul3A_512 = vector.broadcast %mul3A_511 : f32 to vector<16xf32>
      %mul3A_513 = arith.mulf %mul3A_512, %mul3A_507 : vector<16xf32>
      %select_n3A_514 = arith.select %eq3A_492, %mul3A_510, %mul3A_513 : vector<16xi1>, vector<16xf32>
      %add3A_515 = arith.addf %add3A_479, %select_n3A_514 : vector<16xf32>
      %get3A_516 = arith.constant 128 : index
      %get3A_517 = tpu.vector_load %arg8[%get3A_516] {strides = array<i32>} : memref<8192xf32, #tpu.memory_space<vmem>>, vector<16xf32>,
      %get3A_518 = vector.shape_cast %get3A_517 : vector<16xf32> to vector<16xf32>
      %get3A_519 = arith.constant 128 : index
      %get3A_520 = tpu.vector_load %arg12[%get3A_519] {strides = array<i32>} : memref<8192xf32, #tpu.memory_space<vmem>>, vector<16xf32>,
      %get3A_521 = vector.shape_cast %get3A_520 : vector<16xf32> to vector<16xf32>
      %get3A_522 = arith.constant 128 : index
      %get3A_523 = tpu.vector_load %arg10[%get3A_522] {strides = array<i32>} : memref<8192xf32, #tpu.memory_space<vmem>>, vector<16xf32>,
      %get3A_524 = vector.shape_cast %get3A_523 : vector<16xf32> to vector<16xf32>
      %get3A_525 = arith.constant 128 : index
      %get3A_526 = tpu.vector_load %arg14[%get3A_525] {strides = array<i32>} : memref<8192xf32, #tpu.memory_space<vmem>>, vector<16xf32>,
      %get3A_527 = vector.shape_cast %get3A_526 : vector<16xf32> to vector<16xf32>
      %eq3A_528 = arith.cmpf oeq, %get3A_518, %get3A_521 : vector<16xf32>
      %jit3A_529 = arith.constant -1.000000e+00 : f32
      %jit3A_530 = arith.constant 1.000000e+00 : f32
      %broadcast_in_dim3A_531 = vector.broadcast %jit3A_529 : f32 to vector<16xf32>
      %broadcast_in_dim3A_532 = vector.broadcast %jit3A_530 : f32 to vector<16xf32>
      %select_n3A_533 = arith.select %eq3A_528, %broadcast_in_dim3A_531, %broadcast_in_dim3A_532 : vector<16xi1>, vector<16xf32>
      %sub3A_534 = arith.subf %get3A_518, %get3A_521 : vector<16xf32>
      %abs3A_535 = math.absf %sub3A_534 : vector<16xf32>
      %sub3A_536 = arith.subf %get3A_524, %get3A_527 : vector<16xf32>
      %abs3A_537 = math.absf %sub3A_536 : vector<16xf32>
      %mul3A_538 = arith.mulf %select_n3A_533, %abs3A_537 : vector<16xf32>
      %sub3A_539 = arith.subf %abs3A_535, %mul3A_538 : vector<16xf32>
      %max3A_540 = arith.constant 0.000000e+00 : f32
      %max3A_541 = vector.broadcast %max3A_540 : f32 to vector<16xf32>
      %max3A_542 = arith.maximumf %sub3A_539, %max3A_541 : vector<16xf32>
      %mul3A_543 = arith.mulf %max3A_542, %max3A_542 : vector<16xf32>
      %mul3A_544 = arith.constant 1.000000e+00 : f32
      %mul3A_545 = vector.broadcast %mul3A_544 : f32 to vector<16xf32>
      %mul3A_546 = arith.mulf %mul3A_545, %mul3A_543 : vector<16xf32>
      %mul3A_547 = arith.constant 1.000000e+00 : f32
      %mul3A_548 = vector.broadcast %mul3A_547 : f32 to vector<16xf32>
      %mul3A_549 = arith.mulf %mul3A_548, %mul3A_543 : vector<16xf32>
      %select_n3A_550 = arith.select %eq3A_528, %mul3A_546, %mul3A_549 : vector<16xi1>, vector<16xf32>
      %add3A_551 = arith.addf %add3A_515, %select_n3A_550 : vector<16xf32>
      %get3A_552 = arith.constant 144 : index
      %get3A_553 = tpu.vector_load %arg8[%get3A_552] {strides = array<i32>} : memref<8192xf32, #tpu.memory_space<vmem>>, vector<16xf32>,
      %get3A_554 = vector.shape_cast %get3A_553 : vector<16xf32> to vector<16xf32>
      %get3A_555 = arith.constant 144 : index
      %get3A_556 = tpu.vector_load %arg12[%get3A_555] {strides = array<i32>} : memref<8192xf32, #tpu.memory_space<vmem>>, vector<16xf32>,
      %get3A_557 = vector.shape_cast %get3A_556 : vector<16xf32> to vector<16xf32>
      %get3A_558 = arith.constant 144 : index
      %get3A_559 = tpu.vector_load %arg10[%get3A_558] {strides = array<i32>} : memref<8192xf32, #tpu.memory_space<vmem>>, vector<16xf32>,
      %get3A_560 = vector.shape_cast %get3A_559 : vector<16xf32> to vector<16xf32>
      %get3A_561 = arith.constant 144 : index
      %get3A_562 = tpu.vector_load %arg14[%get3A_561] {strides = array<i32>} : memref<8192xf32, #tpu.memory_space<vmem>>, vector<16xf32>,
      %get3A_563 = vector.shape_cast %get3A_562 : vector<16xf32> to vector<16xf32>
      %eq3A_564 = arith.cmpf oeq, %get3A_554, %get3A_557 : vector<16xf32>
      %jit3A_565 = arith.constant -1.000000e+00 : f32
      %jit3A_566 = arith.constant 1.000000e+00 : f32
      %broadcast_in_dim3A_567 = vector.broadcast %jit3A_565 : f32 to vector<16xf32>
      %broadcast_in_dim3A_568 = vector.broadcast %jit3A_566 : f32 to vector<16xf32>
      %select_n3A_569 = arith.select %eq3A_564, %broadcast_in_dim3A_567, %broadcast_in_dim3A_568 : vector<16xi1>, vector<16xf32>
      %sub3A_570 = arith.subf %get3A_554, %get3A_557 : vector<16xf32>
      %abs3A_571 = math.absf %sub3A_570 : vector<16xf32>
      %sub3A_572 = arith.subf %get3A_560, %get3A_563 : vector<16xf32>
      %abs3A_573 = math.absf %sub3A_572 : vector<16xf32>
      %mul3A_574 = arith.mulf %select_n3A_569, %abs3A_573 : vector<16xf32>
      %sub3A_575 = arith.subf %abs3A_571, %mul3A_574 : vector<16xf32>
      %max3A_576 = arith.constant 0.000000e+00 : f32
      %max3A_577 = vector.broadcast %max3A_576 : f32 to vector<16xf32>
      %max3A_578 = arith.maximumf %sub3A_575, %max3A_577 : vector<16xf32>
      %mul3A_579 = arith.mulf %max3A_578, %max3A_578 : vector<16xf32>
      %mul3A_580 = arith.constant 1.000000e+00 : f32
      %mul3A_581 = vector.broadcast %mul3A_580 : f32 to vector<16xf32>
      %mul3A_582 = arith.mulf %mul3A_581, %mul3A_579 : vector<16xf32>
      %mul3A_583 = arith.constant 1.000000e+00 : f32
      %mul3A_584 = vector.broadcast %mul3A_583 : f32 to vector<16xf32>
      %mul3A_585 = arith.mulf %mul3A_584, %mul3A_579 : vector<16xf32>
      %select_n3A_586 = arith.select %eq3A_564, %mul3A_582, %mul3A_585 : vector<16xi1>, vector<16xf32>
      %add3A_587 = arith.addf %add3A_551, %select_n3A_586 : vector<16xf32>
      %get3A_588 = arith.constant 160 : index
      %get3A_589 = tpu.vector_load %arg8[%get3A_588] {strides = array<i32>} : memref<8192xf32, #tpu.memory_space<vmem>>, vector<16xf32>,
      %get3A_590 = vector.shape_cast %get3A_589 : vector<16xf32> to vector<16xf32>
      %get3A_591 = arith.constant 160 : index
      %get3A_592 = tpu.vector_load %arg12[%get3A_591] {strides = array<i32>} : memref<8192xf32, #tpu.memory_space<vmem>>, vector<16xf32>,
      %get3A_593 = vector.shape_cast %get3A_592 : vector<16xf32> to vector<16xf32>
      %get3A_594 = arith.constant 160 : index
      %get3A_595 = tpu.vector_load %arg10[%get3A_594] {strides = array<i32>} : memref<8192xf32, #tpu.memory_space<vmem>>, vector<16xf32>,
      %get3A_596 = vector.shape_cast %get3A_595 : vector<16xf32> to vector<16xf32>
      %get3A_597 = arith.constant 160 : index
      %get3A_598 = tpu.vector_load %arg14[%get3A_597] {strides = array<i32>} : memref<8192xf32, #tpu.memory_space<vmem>>, vector<16xf32>,
      %get3A_599 = vector.shape_cast %get3A_598 : vector<16xf32> to vector<16xf32>
      %eq3A_600 = arith.cmpf oeq, %get3A_590, %get3A_593 : vector<16xf32>
      %jit3A_601 = arith.constant -1.000000e+00 : f32
      %jit3A_602 = arith.constant 1.000000e+00 : f32
      %broadcast_in_dim3A_603 = vector.broadcast %jit3A_601 : f32 to vector<16xf32>
      %broadcast_in_dim3A_604 = vector.broadcast %jit3A_602 : f32 to vector<16xf32>
      %select_n3A_605 = arith.select %eq3A_600, %broadcast_in_dim3A_603, %broadcast_in_dim3A_604 : vector<16xi1>, vector<16xf32>
      %sub3A_606 = arith.subf %get3A_590, %get3A_593 : vector<16xf32>
      %abs3A_607 = math.absf %sub3A_606 : vector<16xf32>
      %sub3A_608 = arith.subf %get3A_596, %get3A_599 : vector<16xf32>
      %abs3A_609 = math.absf %sub3A_608 : vector<16xf32>
      %mul3A_610 = arith.mulf %select_n3A_605, %abs3A_609 : vector<16xf32>
      %sub3A_611 = arith.subf %abs3A_607, %mul3A_610 : vector<16xf32>
      %max3A_612 = arith.constant 0.000000e+00 : f32
      %max3A_613 = vector.broadcast %max3A_612 : f32 to vector<16xf32>
      %max3A_614 = arith.maximumf %sub3A_611, %max3A_613 : vector<16xf32>
      %mul3A_615 = arith.mulf %max3A_614, %max3A_614 : vector<16xf32>
      %mul3A_616 = arith.constant 1.000000e+00 : f32
      %mul3A_617 = vector.broadcast %mul3A_616 : f32 to vector<16xf32>
      %mul3A_618 = arith.mulf %mul3A_617, %mul3A_615 : vector<16xf32>
      %mul3A_619 = arith.constant 1.000000e+00 : f32
      %mul3A_620 = vector.broadcast %mul3A_619 : f32 to vector<16xf32>
      %mul3A_621 = arith.mulf %mul3A_620, %mul3A_615 : vector<16xf32>
      %select_n3A_622 = arith.select %eq3A_600, %mul3A_618, %mul3A_621 : vector<16xi1>, vector<16xf32>
      %add3A_623 = arith.addf %add3A_587, %select_n3A_622 : vector<16xf32>
      %get3A_624 = arith.constant 176 : index
      %get3A_625 = tpu.vector_load %arg8[%get3A_624] {strides = array<i32>} : memref<8192xf32, #tpu.memory_space<vmem>>, vector<16xf32>,
      %get3A_626 = vector.shape_cast %get3A_625 : vector<16xf32> to vector<16xf32>
      %get3A_627 = arith.constant 176 : index
      %get3A_628 = tpu.vector_load %arg12[%get3A_627] {strides = array<i32>} : memref<8192xf32, #tpu.memory_space<vmem>>, vector<16xf32>,
      %get3A_629 = vector.shape_cast %get3A_628 : vector<16xf32> to vector<16xf32>
      %get3A_630 = arith.constant 176 : index
      %get3A_631 = tpu.vector_load %arg10[%get3A_630] {strides = array<i32>} : memref<8192xf32, #tpu.memory_space<vmem>>, vector<16xf32>,
      %get3A_632 = vector.shape_cast %get3A_631 : vector<16xf32> to vector<16xf32>
      %get3A_633 = arith.constant 176 : index
      %get3A_634 = tpu.vector_load %arg14[%get3A_633] {strides = array<i32>} : memref<8192xf32, #tpu.memory_space<vmem>>, vector<16xf32>,
      %get3A_635 = vector.shape_cast %get3A_634 : vector<16xf32> to vector<16xf32>
      %eq3A_636 = arith.cmpf oeq, %get3A_626, %get3A_629 : vector<16xf32>
      %jit3A_637 = arith.constant -1.000000e+00 : f32
      %jit3A_638 = arith.constant 1.000000e+00 : f32
      %broadcast_in_dim3A_639 = vector.broadcast %jit3A_637 : f32 to vector<16xf32>
      %broadcast_in_dim3A_640 = vector.broadcast %jit3A_638 : f32 to vector<16xf32>
      %select_n3A_641 = arith.select %eq3A_636, %broadcast_in_dim3A_639, %broadcast_in_dim3A_640 : vector<16xi1>, vector<16xf32>
      %sub3A_642 = arith.subf %get3A_626, %get3A_629 : vector<16xf32>
      %abs3A_643 = math.absf %sub3A_642 : vector<16xf32>
      %sub3A_644 = arith.subf %get3A_632, %get3A_635 : vector<16xf32>
      %abs3A_645 = math.absf %sub3A_644 : vector<16xf32>
      %mul3A_646 = arith.mulf %select_n3A_641, %abs3A_645 : vector<16xf32>
      %sub3A_647 = arith.subf %abs3A_643, %mul3A_646 : vector<16xf32>
      %max3A_648 = arith.constant 0.000000e+00 : f32
      %max3A_649 = vector.broadcast %max3A_648 : f32 to vector<16xf32>
      %max3A_650 = arith.maximumf %sub3A_647, %max3A_649 : vector<16xf32>
      %mul3A_651 = arith.mulf %max3A_650, %max3A_650 : vector<16xf32>
      %mul3A_652 = arith.constant 1.000000e+00 : f32
      %mul3A_653 = vector.broadcast %mul3A_652 : f32 to vector<16xf32>
      %mul3A_654 = arith.mulf %mul3A_653, %mul3A_651 : vector<16xf32>
      %mul3A_655 = arith.constant 1.000000e+00 : f32
      %mul3A_656 = vector.broadcast %mul3A_655 : f32 to vector<16xf32>
      %mul3A_657 = arith.mulf %mul3A_656, %mul3A_651 : vector<16xf32>
      %select_n3A_658 = arith.select %eq3A_636, %mul3A_654, %mul3A_657 : vector<16xi1>, vector<16xf32>
      %add3A_659 = arith.addf %add3A_623, %select_n3A_658 : vector<16xf32>
      %get3A_660 = arith.constant 192 : index
      %get3A_661 = tpu.vector_load %arg8[%get3A_660] {strides = array<i32>} : memref<8192xf32, #tpu.memory_space<vmem>>, vector<16xf32>,
      %get3A_662 = vector.shape_cast %get3A_661 : vector<16xf32> to vector<16xf32>
      %get3A_663 = arith.constant 192 : index
      %get3A_664 = tpu.vector_load %arg12[%get3A_663] {strides = array<i32>} : memref<8192xf32, #tpu.memory_space<vmem>>, vector<16xf32>,
      %get3A_665 = vector.shape_cast %get3A_664 : vector<16xf32> to vector<16xf32>
      %get3A_666 = arith.constant 192 : index
      %get3A_667 = tpu.vector_load %arg10[%get3A_666] {strides = array<i32>} : memref<8192xf32, #tpu.memory_space<vmem>>, vector<16xf32>,
      %get3A_668 = vector.shape_cast %get3A_667 : vector<16xf32> to vector<16xf32>
      %get3A_669 = arith.constant 192 : index
      %get3A_670 = tpu.vector_load %arg14[%get3A_669] {strides = array<i32>} : memref<8192xf32, #tpu.memory_space<vmem>>, vector<16xf32>,
      %get3A_671 = vector.shape_cast %get3A_670 : vector<16xf32> to vector<16xf32>
      %eq3A_672 = arith.cmpf oeq, %get3A_662, %get3A_665 : vector<16xf32>
      %jit3A_673 = arith.constant -1.000000e+00 : f32
      %jit3A_674 = arith.constant 1.000000e+00 : f32
      %broadcast_in_dim3A_675 = vector.broadcast %jit3A_673 : f32 to vector<16xf32>
      %broadcast_in_dim3A_676 = vector.broadcast %jit3A_674 : f32 to vector<16xf32>
      %select_n3A_677 = arith.select %eq3A_672, %broadcast_in_dim3A_675, %broadcast_in_dim3A_676 : vector<16xi1>, vector<16xf32>
      %sub3A_678 = arith.subf %get3A_662, %get3A_665 : vector<16xf32>
      %abs3A_679 = math.absf %sub3A_678 : vector<16xf32>
      %sub3A_680 = arith.subf %get3A_668, %get3A_671 : vector<16xf32>
      %abs3A_681 = math.absf %sub3A_680 : vector<16xf32>
      %mul3A_682 = arith.mulf %select_n3A_677, %abs3A_681 : vector<16xf32>
      %sub3A_683 = arith.subf %abs3A_679, %mul3A_682 : vector<16xf32>
      %max3A_684 = arith.constant 0.000000e+00 : f32
      %max3A_685 = vector.broadcast %max3A_684 : f32 to vector<16xf32>
      %max3A_686 = arith.maximumf %sub3A_683, %max3A_685 : vector<16xf32>
      %mul3A_687 = arith.mulf %max3A_686, %max3A_686 : vector<16xf32>
      %mul3A_688 = arith.constant 1.000000e+00 : f32
      %mul3A_689 = vector.broadcast %mul3A_688 : f32 to vector<16xf32>
      %mul3A_690 = arith.mulf %mul3A_689, %mul3A_687 : vector<16xf32>
      %mul3A_691 = arith.constant 1.000000e+00 : f32
      %mul3A_692 = vector.broadcast %mul3A_691 : f32 to vector<16xf32>
      %mul3A_693 = arith.mulf %mul3A_692, %mul3A_687 : vector<16xf32>
      %select_n3A_694 = arith.select %eq3A_672, %mul3A_690, %mul3A_693 : vector<16xi1>, vector<16xf32>
      %add3A_695 = arith.addf %add3A_659, %select_n3A_694 : vector<16xf32>
      %get3A_696 = arith.constant 208 : index
      %get3A_697 = tpu.vector_load %arg8[%get3A_696] {strides = array<i32>} : memref<8192xf32, #tpu.memory_space<vmem>>, vector<16xf32>,
      %get3A_698 = vector.shape_cast %get3A_697 : vector<16xf32> to vector<16xf32>
      %get3A_699 = arith.constant 208 : index
      %get3A_700 = tpu.vector_load %arg12[%get3A_699] {strides = array<i32>} : memref<8192xf32, #tpu.memory_space<vmem>>, vector<16xf32>,
      %get3A_701 = vector.shape_cast %get3A_700 : vector<16xf32> to vector<16xf32>
      %get3A_702 = arith.constant 208 : index
      %get3A_703 = tpu.vector_load %arg10[%get3A_702] {strides = array<i32>} : memref<8192xf32, #tpu.memory_space<vmem>>, vector<16xf32>,
      %get3A_704 = vector.shape_cast %get3A_703 : vector<16xf32> to vector<16xf32>
      %get3A_705 = arith.constant 208 : index
      %get3A_706 = tpu.vector_load %arg14[%get3A_705] {strides = array<i32>} : memref<8192xf32, #tpu.memory_space<vmem>>, vector<16xf32>,
      %get3A_707 = vector.shape_cast %get3A_706 : vector<16xf32> to vector<16xf32>
      %eq3A_708 = arith.cmpf oeq, %get3A_698, %get3A_701 : vector<16xf32>
      %jit3A_709 = arith.constant -1.000000e+00 : f32
      %jit3A_710 = arith.constant 1.000000e+00 : f32
      %broadcast_in_dim3A_711 = vector.broadcast %jit3A_709 : f32 to vector<16xf32>
      %broadcast_in_dim3A_712 = vector.broadcast %jit3A_710 : f32 to vector<16xf32>
      %select_n3A_713 = arith.select %eq3A_708, %broadcast_in_dim3A_711, %broadcast_in_dim3A_712 : vector<16xi1>, vector<16xf32>
      %sub3A_714 = arith.subf %get3A_698, %get3A_701 : vector<16xf32>
      %abs3A_715 = math.absf %sub3A_714 : vector<16xf32>
      %sub3A_716 = arith.subf %get3A_704, %get3A_707 : vector<16xf32>
      %abs3A_717 = math.absf %sub3A_716 : vector<16xf32>
      %mul3A_718 = arith.mulf %select_n3A_713, %abs3A_717 : vector<16xf32>
      %sub3A_719 = arith.subf %abs3A_715, %mul3A_718 : vector<16xf32>
      %max3A_720 = arith.constant 0.000000e+00 : f32
      %max3A_721 = vector.broadcast %max3A_720 : f32 to vector<16xf32>
      %max3A_722 = arith.maximumf %sub3A_719, %max3A_721 : vector<16xf32>
      %mul3A_723 = arith.mulf %max3A_722, %max3A_722 : vector<16xf32>
      %mul3A_724 = arith.constant 1.000000e+00 : f32
      %mul3A_725 = vector.broadcast %mul3A_724 : f32 to vector<16xf32>
      %mul3A_726 = arith.mulf %mul3A_725, %mul3A_723 : vector<16xf32>
      %mul3A_727 = arith.constant 1.000000e+00 : f32
      %mul3A_728 = vector.broadcast %mul3A_727 : f32 to vector<16xf32>
      %mul3A_729 = arith.mulf %mul3A_728, %mul3A_723 : vector<16xf32>
      %select_n3A_730 = arith.select %eq3A_708, %mul3A_726, %mul3A_729 : vector<16xi1>, vector<16xf32>
      %add3A_731 = arith.addf %add3A_695, %select_n3A_730 : vector<16xf32>
      %get3A_732 = arith.constant 224 : index
      %get3A_733 = tpu.vector_load %arg8[%get3A_732] {strides = array<i32>} : memref<8192xf32, #tpu.memory_space<vmem>>, vector<16xf32>,
      %get3A_734 = vector.shape_cast %get3A_733 : vector<16xf32> to vector<16xf32>
      %get3A_735 = arith.constant 224 : index
      %get3A_736 = tpu.vector_load %arg12[%get3A_735] {strides = array<i32>} : memref<8192xf32, #tpu.memory_space<vmem>>, vector<16xf32>,
      %get3A_737 = vector.shape_cast %get3A_736 : vector<16xf32> to vector<16xf32>
      %get3A_738 = arith.constant 224 : index
      %get3A_739 = tpu.vector_load %arg10[%get3A_738] {strides = array<i32>} : memref<8192xf32, #tpu.memory_space<vmem>>, vector<16xf32>,
      %get3A_740 = vector.shape_cast %get3A_739 : vector<16xf32> to vector<16xf32>
      %get3A_741 = arith.constant 224 : index
      %get3A_742 = tpu.vector_load %arg14[%get3A_741] {strides = array<i32>} : memref<8192xf32, #tpu.memory_space<vmem>>, vector<16xf32>,
      %get3A_743 = vector.shape_cast %get3A_742 : vector<16xf32> to vector<16xf32>
      %eq3A_744 = arith.cmpf oeq, %get3A_734, %get3A_737 : vector<16xf32>
      %jit3A_745 = arith.constant -1.000000e+00 : f32
      %jit3A_746 = arith.constant 1.000000e+00 : f32
      %broadcast_in_dim3A_747 = vector.broadcast %jit3A_745 : f32 to vector<16xf32>
      %broadcast_in_dim3A_748 = vector.broadcast %jit3A_746 : f32 to vector<16xf32>
      %select_n3A_749 = arith.select %eq3A_744, %broadcast_in_dim3A_747, %broadcast_in_dim3A_748 : vector<16xi1>, vector<16xf32>
      %sub3A_750 = arith.subf %get3A_734, %get3A_737 : vector<16xf32>
      %abs3A_751 = math.absf %sub3A_750 : vector<16xf32>
      %sub3A_752 = arith.subf %get3A_740, %get3A_743 : vector<16xf32>
      %abs3A_753 = math.absf %sub3A_752 : vector<16xf32>
      %mul3A_754 = arith.mulf %select_n3A_749, %abs3A_753 : vector<16xf32>
      %sub3A_755 = arith.subf %abs3A_751, %mul3A_754 : vector<16xf32>
      %max3A_756 = arith.constant 0.000000e+00 : f32
      %max3A_757 = vector.broadcast %max3A_756 : f32 to vector<16xf32>
      %max3A_758 = arith.maximumf %sub3A_755, %max3A_757 : vector<16xf32>
      %mul3A_759 = arith.mulf %max3A_758, %max3A_758 : vector<16xf32>
      %mul3A_760 = arith.constant 1.000000e+00 : f32
      %mul3A_761 = vector.broadcast %mul3A_760 : f32 to vector<16xf32>
      %mul3A_762 = arith.mulf %mul3A_761, %mul3A_759 : vector<16xf32>
      %mul3A_763 = arith.constant 1.000000e+00 : f32
      %mul3A_764 = vector.broadcast %mul3A_763 : f32 to vector<16xf32>
      %mul3A_765 = arith.mulf %mul3A_764, %mul3A_759 : vector<16xf32>
      %select_n3A_766 = arith.select %eq3A_744, %mul3A_762, %mul3A_765 : vector<16xi1>, vector<16xf32>
      %add3A_767 = arith.addf %add3A_731, %select_n3A_766 : vector<16xf32>
      %get3A_768 = arith.constant 240 : index
      %get3A_769 = tpu.vector_load %arg8[%get3A_768] {strides = array<i32>} : memref<8192xf32, #tpu.memory_space<vmem>>, vector<16xf32>,
      %get3A_770 = vector.shape_cast %get3A_769 : vector<16xf32> to vector<16xf32>
      %get3A_771 = arith.constant 240 : index
      %get3A_772 = tpu.vector_load %arg12[%get3A_771] {strides = array<i32>} : memref<8192xf32, #tpu.memory_space<vmem>>, vector<16xf32>,
      %get3A_773 = vector.shape_cast %get3A_772 : vector<16xf32> to vector<16xf32>
      %get3A_774 = arith.constant 240 : index
      %get3A_775 = tpu.vector_load %arg10[%get3A_774] {strides = array<i32>} : memref<8192xf32, #tpu.memory_space<vmem>>, vector<16xf32>,
      %get3A_776 = vector.shape_cast %get3A_775 : vector<16xf32> to vector<16xf32>
      %get3A_777 = arith.constant 240 : index
      %get3A_778 = tpu.vector_load %arg14[%get3A_777] {strides = array<i32>} : memref<8192xf32, #tpu.memory_space<vmem>>, vector<16xf32>,
      %get3A_779 = vector.shape_cast %get3A_778 : vector<16xf32> to vector<16xf32>
      %eq3A_780 = arith.cmpf oeq, %get3A_770, %get3A_773 : vector<16xf32>
      %jit3A_781 = arith.constant -1.000000e+00 : f32
      %jit3A_782 = arith.constant 1.000000e+00 : f32
      %broadcast_in_dim3A_783 = vector.broadcast %jit3A_781 : f32 to vector<16xf32>
      %broadcast_in_dim3A_784 = vector.broadcast %jit3A_782 : f32 to vector<16xf32>
      %select_n3A_785 = arith.select %eq3A_780, %broadcast_in_dim3A_783, %broadcast_in_dim3A_784 : vector<16xi1>, vector<16xf32>
      %sub3A_786 = arith.subf %get3A_770, %get3A_773 : vector<16xf32>
      %abs3A_787 = math.absf %sub3A_786 : vector<16xf32>
      %sub3A_788 = arith.subf %get3A_776, %get3A_779 : vector<16xf32>
      %abs3A_789 = math.absf %sub3A_788 : vector<16xf32>
      %mul3A_790 = arith.mulf %select_n3A_785, %abs3A_789 : vector<16xf32>
      %sub3A_791 = arith.subf %abs3A_787, %mul3A_790 : vector<16xf32>
      %max3A_792 = arith.constant 0.000000e+00 : f32
      %max3A_793 = vector.broadcast %max3A_792 : f32 to vector<16xf32>
      %max3A_794 = arith.maximumf %sub3A_791, %max3A_793 : vector<16xf32>
      %mul3A_795 = arith.mulf %max3A_794, %max3A_794 : vector<16xf32>
      %mul3A_796 = arith.constant 1.000000e+00 : f32
      %mul3A_797 = vector.broadcast %mul3A_796 : f32 to vector<16xf32>
      %mul3A_798 = arith.mulf %mul3A_797, %mul3A_795 : vector<16xf32>
      %mul3A_799 = arith.constant 1.000000e+00 : f32
      %mul3A_800 = vector.broadcast %mul3A_799 : f32 to vector<16xf32>
      %mul3A_801 = arith.mulf %mul3A_800, %mul3A_795 : vector<16xf32>
      %select_n3A_802 = arith.select %eq3A_780, %mul3A_798, %mul3A_801 : vector<16xi1>, vector<16xf32>
      %add3A_803 = arith.addf %add3A_767, %select_n3A_802 : vector<16xf32>
      %get3A_804 = arith.constant 256 : index
      %get3A_805 = tpu.vector_load %arg8[%get3A_804] {strides = array<i32>} : memref<8192xf32, #tpu.memory_space<vmem>>, vector<16xf32>,
      %get3A_806 = vector.shape_cast %get3A_805 : vector<16xf32> to vector<16xf32>
      %get3A_807 = arith.constant 256 : index
      %get3A_808 = tpu.vector_load %arg12[%get3A_807] {strides = array<i32>} : memref<8192xf32, #tpu.memory_space<vmem>>, vector<16xf32>,
      %get3A_809 = vector.shape_cast %get3A_808 : vector<16xf32> to vector<16xf32>
      %get3A_810 = arith.constant 256 : index
      %get3A_811 = tpu.vector_load %arg10[%get3A_810] {strides = array<i32>} : memref<8192xf32, #tpu.memory_space<vmem>>, vector<16xf32>,
      %get3A_812 = vector.shape_cast %get3A_811 : vector<16xf32> to vector<16xf32>
      %get3A_813 = arith.constant 256 : index
      %get3A_814 = tpu.vector_load %arg14[%get3A_813] {strides = array<i32>} : memref<8192xf32, #tpu.memory_space<vmem>>, vector<16xf32>,
      %get3A_815 = vector.shape_cast %get3A_814 : vector<16xf32> to vector<16xf32>
      %eq3A_816 = arith.cmpf oeq, %get3A_806, %get3A_809 : vector<16xf32>
      %jit3A_817 = arith.constant -1.000000e+00 : f32
      %jit3A_818 = arith.constant 1.000000e+00 : f32
      %broadcast_in_dim3A_819 = vector.broadcast %jit3A_817 : f32 to vector<16xf32>
      %broadcast_in_dim3A_820 = vector.broadcast %jit3A_818 : f32 to vector<16xf32>
      %select_n3A_821 = arith.select %eq3A_816, %broadcast_in_dim3A_819, %broadcast_in_dim3A_820 : vector<16xi1>, vector<16xf32>
      %sub3A_822 = arith.subf %get3A_806, %get3A_809 : vector<16xf32>
      %abs3A_823 = math.absf %sub3A_822 : vector<16xf32>
      %sub3A_824 = arith.subf %get3A_812, %get3A_815 : vector<16xf32>
      %abs3A_825 = math.absf %sub3A_824 : vector<16xf32>
      %mul3A_826 = arith.mulf %select_n3A_821, %abs3A_825 : vector<16xf32>
      %sub3A_827 = arith.subf %abs3A_823, %mul3A_826 : vector<16xf32>
      %max3A_828 = arith.constant 0.000000e+00 : f32
      %max3A_829 = vector.broadcast %max3A_828 : f32 to vector<16xf32>
      %max3A_830 = arith.maximumf %sub3A_827, %max3A_829 : vector<16xf32>
      %mul3A_831 = arith.mulf %max3A_830, %max3A_830 : vector<16xf32>
      %mul3A_832 = arith.constant 1.000000e+00 : f32
      %mul3A_833 = vector.broadcast %mul3A_832 : f32 to vector<16xf32>
      %mul3A_834 = arith.mulf %mul3A_833, %mul3A_831 : vector<16xf32>
      %mul3A_835 = arith.constant 1.000000e+00 : f32
      %mul3A_836 = vector.broadcast %mul3A_835 : f32 to vector<16xf32>
      %mul3A_837 = arith.mulf %mul3A_836, %mul3A_831 : vector<16xf32>
      %select_n3A_838 = arith.select %eq3A_816, %mul3A_834, %mul3A_837 : vector<16xi1>, vector<16xf32>
      %add3A_839 = arith.addf %add3A_803, %select_n3A_838 : vector<16xf32>
      %get3A_840 = arith.constant 272 : index
      %get3A_841 = tpu.vector_load %arg8[%get3A_840] {strides = array<i32>} : memref<8192xf32, #tpu.memory_space<vmem>>, vector<16xf32>,
      %get3A_842 = vector.shape_cast %get3A_841 : vector<16xf32> to vector<16xf32>
      %get3A_843 = arith.constant 272 : index
      %get3A_844 = tpu.vector_load %arg12[%get3A_843] {strides = array<i32>} : memref<8192xf32, #tpu.memory_space<vmem>>, vector<16xf32>,
      %get3A_845 = vector.shape_cast %get3A_844 : vector<16xf32> to vector<16xf32>
      %get3A_846 = arith.constant 272 : index
      %get3A_847 = tpu.vector_load %arg10[%get3A_846] {strides = array<i32>} : memref<8192xf32, #tpu.memory_space<vmem>>, vector<16xf32>,
      %get3A_848 = vector.shape_cast %get3A_847 : vector<16xf32> to vector<16xf32>
      %get3A_849 = arith.constant 272 : index
      %get3A_850 = tpu.vector_load %arg14[%get3A_849] {strides = array<i32>} : memref<8192xf32, #tpu.memory_space<vmem>>, vector<16xf32>,
      %get3A_851 = vector.shape_cast %get3A_850 : vector<16xf32> to vector<16xf32>
      %eq3A_852 = arith.cmpf oeq, %get3A_842, %get3A_845 : vector<16xf32>
      %jit3A_853 = arith.constant -1.000000e+00 : f32
      %jit3A_854 = arith.constant 1.000000e+00 : f32
      %broadcast_in_dim3A_855 = vector.broadcast %jit3A_853 : f32 to vector<16xf32>
      %broadcast_in_dim3A_856 = vector.broadcast %jit3A_854 : f32 to vector<16xf32>
      %select_n3A_857 = arith.select %eq3A_852, %broadcast_in_dim3A_855, %broadcast_in_dim3A_856 : vector<16xi1>, vector<16xf32>
      %sub3A_858 = arith.subf %get3A_842, %get3A_845 : vector<16xf32>
      %abs3A_859 = math.absf %sub3A_858 : vector<16xf32>
      %sub3A_860 = arith.subf %get3A_848, %get3A_851 : vector<16xf32>
      %abs3A_861 = math.absf %sub3A_860 : vector<16xf32>
      %mul3A_862 = arith.mulf %select_n3A_857, %abs3A_861 : vector<16xf32>
      %sub3A_863 = arith.subf %abs3A_859, %mul3A_862 : vector<16xf32>
      %max3A_864 = arith.constant 0.000000e+00 : f32
      %max3A_865 = vector.broadcast %max3A_864 : f32 to vector<16xf32>
      %max3A_866 = arith.maximumf %sub3A_863, %max3A_865 : vector<16xf32>
      %mul3A_867 = arith.mulf %max3A_866, %max3A_866 : vector<16xf32>
      %mul3A_868 = arith.constant 1.000000e+00 : f32
      %mul3A_869 = vector.broadcast %mul3A_868 : f32 to vector<16xf32>
      %mul3A_870 = arith.mulf %mul3A_869, %mul3A_867 : vector<16xf32>
      %mul3A_871 = arith.constant 1.000000e+00 : f32
      %mul3A_872 = vector.broadcast %mul3A_871 : f32 to vector<16xf32>
      %mul3A_873 = arith.mulf %mul3A_872, %mul3A_867 : vector<16xf32>
      %select_n3A_874 = arith.select %eq3A_852, %mul3A_870, %mul3A_873 : vector<16xi1>, vector<16xf32>
      %add3A_875 = arith.addf %add3A_839, %select_n3A_874 : vector<16xf32>
      %get3A_876 = arith.constant 288 : index
      %get3A_877 = tpu.vector_load %arg8[%get3A_876] {strides = array<i32>} : memref<8192xf32, #tpu.memory_space<vmem>>, vector<16xf32>,
      %get3A_878 = vector.shape_cast %get3A_877 : vector<16xf32> to vector<16xf32>
      %get3A_879 = arith.constant 288 : index
      %get3A_880 = tpu.vector_load %arg12[%get3A_879] {strides = array<i32>} : memref<8192xf32, #tpu.memory_space<vmem>>, vector<16xf32>,
      %get3A_881 = vector.shape_cast %get3A_880 : vector<16xf32> to vector<16xf32>
      %get3A_882 = arith.constant 288 : index
      %get3A_883 = tpu.vector_load %arg10[%get3A_882] {strides = array<i32>} : memref<8192xf32, #tpu.memory_space<vmem>>, vector<16xf32>,
      %get3A_884 = vector.shape_cast %get3A_883 : vector<16xf32> to vector<16xf32>
      %get3A_885 = arith.constant 288 : index
      %get3A_886 = tpu.vector_load %arg14[%get3A_885] {strides = array<i32>} : memref<8192xf32, #tpu.memory_space<vmem>>, vector<16xf32>,
      %get3A_887 = vector.shape_cast %get3A_886 : vector<16xf32> to vector<16xf32>
      %eq3A_888 = arith.cmpf oeq, %get3A_878, %get3A_881 : vector<16xf32>
      %jit3A_889 = arith.constant -1.000000e+00 : f32
      %jit3A_890 = arith.constant 1.000000e+00 : f32
      %broadcast_in_dim3A_891 = vector.broadcast %jit3A_889 : f32 to vector<16xf32>
      %broadcast_in_dim3A_892 = vector.broadcast %jit3A_890 : f32 to vector<16xf32>
      %select_n3A_893 = arith.select %eq3A_888, %broadcast_in_dim3A_891, %broadcast_in_dim3A_892 : vector<16xi1>, vector<16xf32>
      %sub3A_894 = arith.subf %get3A_878, %get3A_881 : vector<16xf32>
      %abs3A_895 = math.absf %sub3A_894 : vector<16xf32>
      %sub3A_896 = arith.subf %get3A_884, %get3A_887 : vector<16xf32>
      %abs3A_897 = math.absf %sub3A_896 : vector<16xf32>
      %mul3A_898 = arith.mulf %select_n3A_893, %abs3A_897 : vector<16xf32>
      %sub3A_899 = arith.subf %abs3A_895, %mul3A_898 : vector<16xf32>
      %max3A_900 = arith.constant 0.000000e+00 : f32
      %max3A_901 = vector.broadcast %max3A_900 : f32 to vector<16xf32>
      %max3A_902 = arith.maximumf %sub3A_899, %max3A_901 : vector<16xf32>
      %mul3A_903 = arith.mulf %max3A_902, %max3A_902 : vector<16xf32>
      %mul3A_904 = arith.constant 1.000000e+00 : f32
      %mul3A_905 = vector.broadcast %mul3A_904 : f32 to vector<16xf32>
      %mul3A_906 = arith.mulf %mul3A_905, %mul3A_903 : vector<16xf32>
      %mul3A_907 = arith.constant 1.000000e+00 : f32
      %mul3A_908 = vector.broadcast %mul3A_907 : f32 to vector<16xf32>
      %mul3A_909 = arith.mulf %mul3A_908, %mul3A_903 : vector<16xf32>
      %select_n3A_910 = arith.select %eq3A_888, %mul3A_906, %mul3A_909 : vector<16xi1>, vector<16xf32>
      %add3A_911 = arith.addf %add3A_875, %select_n3A_910 : vector<16xf32>
      %get3A_912 = arith.constant 304 : index
      %get3A_913 = tpu.vector_load %arg8[%get3A_912] {strides = array<i32>} : memref<8192xf32, #tpu.memory_space<vmem>>, vector<16xf32>,
      %get3A_914 = vector.shape_cast %get3A_913 : vector<16xf32> to vector<16xf32>
      %get3A_915 = arith.constant 304 : index
      %get3A_916 = tpu.vector_load %arg12[%get3A_915] {strides = array<i32>} : memref<8192xf32, #tpu.memory_space<vmem>>, vector<16xf32>,
      %get3A_917 = vector.shape_cast %get3A_916 : vector<16xf32> to vector<16xf32>
      %get3A_918 = arith.constant 304 : index
      %get3A_919 = tpu.vector_load %arg10[%get3A_918] {strides = array<i32>} : memref<8192xf32, #tpu.memory_space<vmem>>, vector<16xf32>,
      %get3A_920 = vector.shape_cast %get3A_919 : vector<16xf32> to vector<16xf32>
      %get3A_921 = arith.constant 304 : index
      %get3A_922 = tpu.vector_load %arg14[%get3A_921] {strides = array<i32>} : memref<8192xf32, #tpu.memory_space<vmem>>, vector<16xf32>,
      %get3A_923 = vector.shape_cast %get3A_922 : vector<16xf32> to vector<16xf32>
      %eq3A_924 = arith.cmpf oeq, %get3A_914, %get3A_917 : vector<16xf32>
      %jit3A_925 = arith.constant -1.000000e+00 : f32
      %jit3A_926 = arith.constant 1.000000e+00 : f32
      %broadcast_in_dim3A_927 = vector.broadcast %jit3A_925 : f32 to vector<16xf32>
      %broadcast_in_dim3A_928 = vector.broadcast %jit3A_926 : f32 to vector<16xf32>
      %select_n3A_929 = arith.select %eq3A_924, %broadcast_in_dim3A_927, %broadcast_in_dim3A_928 : vector<16xi1>, vector<16xf32>
      %sub3A_930 = arith.subf %get3A_914, %get3A_917 : vector<16xf32>
      %abs3A_931 = math.absf %sub3A_930 : vector<16xf32>
      %sub3A_932 = arith.subf %get3A_920, %get3A_923 : vector<16xf32>
      %abs3A_933 = math.absf %sub3A_932 : vector<16xf32>
      %mul3A_934 = arith.mulf %select_n3A_929, %abs3A_933 : vector<16xf32>
      %sub3A_935 = arith.subf %abs3A_931, %mul3A_934 : vector<16xf32>
      %max3A_936 = arith.constant 0.000000e+00 : f32
      %max3A_937 = vector.broadcast %max3A_936 : f32 to vector<16xf32>
      %max3A_938 = arith.maximumf %sub3A_935, %max3A_937 : vector<16xf32>
      %mul3A_939 = arith.mulf %max3A_938, %max3A_938 : vector<16xf32>
      %mul3A_940 = arith.constant 1.000000e+00 : f32
      %mul3A_941 = vector.broadcast %mul3A_940 : f32 to vector<16xf32>
      %mul3A_942 = arith.mulf %mul3A_941, %mul3A_939 : vector<16xf32>
      %mul3A_943 = arith.constant 1.000000e+00 : f32
      %mul3A_944 = vector.broadcast %mul3A_943 : f32 to vector<16xf32>
      %mul3A_945 = arith.mulf %mul3A_944, %mul3A_939 : vector<16xf32>
      %select_n3A_946 = arith.select %eq3A_924, %mul3A_942, %mul3A_945 : vector<16xi1>, vector<16xf32>
      %add3A_947 = arith.addf %add3A_911, %select_n3A_946 : vector<16xf32>
      %get3A_948 = arith.constant 320 : index
      %get3A_949 = tpu.vector_load %arg8[%get3A_948] {strides = array<i32>} : memref<8192xf32, #tpu.memory_space<vmem>>, vector<16xf32>,
      %get3A_950 = vector.shape_cast %get3A_949 : vector<16xf32> to vector<16xf32>
      %get3A_951 = arith.constant 320 : index
      %get3A_952 = tpu.vector_load %arg12[%get3A_951] {strides = array<i32>} : memref<8192xf32, #tpu.memory_space<vmem>>, vector<16xf32>,
      %get3A_953 = vector.shape_cast %get3A_952 : vector<16xf32> to vector<16xf32>
      %get3A_954 = arith.constant 320 : index
      %get3A_955 = tpu.vector_load %arg10[%get3A_954] {strides = array<i32>} : memref<8192xf32, #tpu.memory_space<vmem>>, vector<16xf32>,
      %get3A_956 = vector.shape_cast %get3A_955 : vector<16xf32> to vector<16xf32>
      %get3A_957 = arith.constant 320 : index
      %get3A_958 = tpu.vector_load %arg14[%get3A_957] {strides = array<i32>} : memref<8192xf32, #tpu.memory_space<vmem>>, vector<16xf32>,
      %get3A_959 = vector.shape_cast %get3A_958 : vector<16xf32> to vector<16xf32>
      %eq3A_960 = arith.cmpf oeq, %get3A_950, %get3A_953 : vector<16xf32>
      %jit3A_961 = arith.constant -1.000000e+00 : f32
      %jit3A_962 = arith.constant 1.000000e+00 : f32
      %broadcast_in_dim3A_963 = vector.broadcast %jit3A_961 : f32 to vector<16xf32>
      %broadcast_in_dim3A_964 = vector.broadcast %jit3A_962 : f32 to vector<16xf32>
      %select_n3A_965 = arith.select %eq3A_960, %broadcast_in_dim3A_963, %broadcast_in_dim3A_964 : vector<16xi1>, vector<16xf32>
      %sub3A_966 = arith.subf %get3A_950, %get3A_953 : vector<16xf32>
      %abs3A_967 = math.absf %sub3A_966 : vector<16xf32>
      %sub3A_968 = arith.subf %get3A_956, %get3A_959 : vector<16xf32>
      %abs3A_969 = math.absf %sub3A_968 : vector<16xf32>
      %mul3A_970 = arith.mulf %select_n3A_965, %abs3A_969 : vector<16xf32>
      %sub3A_971 = arith.subf %abs3A_967, %mul3A_970 : vector<16xf32>
      %max3A_972 = arith.constant 0.000000e+00 : f32
      %max3A_973 = vector.broadcast %max3A_972 : f32 to vector<16xf32>
      %max3A_974 = arith.maximumf %sub3A_971, %max3A_973 : vector<16xf32>
      %mul3A_975 = arith.mulf %max3A_974, %max3A_974 : vector<16xf32>
      %mul3A_976 = arith.constant 1.000000e+00 : f32
      %mul3A_977 = vector.broadcast %mul3A_976 : f32 to vector<16xf32>
      %mul3A_978 = arith.mulf %mul3A_977, %mul3A_975 : vector<16xf32>
      %mul3A_979 = arith.constant 1.000000e+00 : f32
      %mul3A_980 = vector.broadcast %mul3A_979 : f32 to vector<16xf32>
      %mul3A_981 = arith.mulf %mul3A_980, %mul3A_975 : vector<16xf32>
      %select_n3A_982 = arith.select %eq3A_960, %mul3A_978, %mul3A_981 : vector<16xi1>, vector<16xf32>
      %add3A_983 = arith.addf %add3A_947, %select_n3A_982 : vector<16xf32>
      %get3A_984 = arith.constant 336 : index
      %get3A_985 = tpu.vector_load %arg8[%get3A_984] {strides = array<i32>} : memref<8192xf32, #tpu.memory_space<vmem>>, vector<16xf32>,
      %get3A_986 = vector.shape_cast %get3A_985 : vector<16xf32> to vector<16xf32>
      %get3A_987 = arith.constant 336 : index
      %get3A_988 = tpu.vector_load %arg12[%get3A_987] {strides = array<i32>} : memref<8192xf32, #tpu.memory_space<vmem>>, vector<16xf32>,
      %get3A_989 = vector.shape_cast %get3A_988 : vector<16xf32> to vector<16xf32>
      %get3A_990 = arith.constant 336 : index
      %get3A_991 = tpu.vector_load %arg10[%get3A_990] {strides = array<i32>} : memref<8192xf32, #tpu.memory_space<vmem>>, vector<16xf32>,
      %get3A_992 = vector.shape_cast %get3A_991 : vector<16xf32> to vector<16xf32>
      %get3A_993 = arith.constant 336 : index
      %get3A_994 = tpu.vector_load %arg14[%get3A_993] {strides = array<i32>} : memref<8192xf32, #tpu.memory_space<vmem>>, vector<16xf32>,
      %get3A_995 = vector.shape_cast %get3A_994 : vector<16xf32> to vector<16xf32>
      %eq3A_996 = arith.cmpf oeq, %get3A_986, %get3A_989 : vector<16xf32>
      %jit3A_997 = arith.constant -1.000000e+00 : f32
      %jit3A_998 = arith.constant 1.000000e+00 : f32
      %broadcast_in_dim3A_999 = vector.broadcast %jit3A_997 : f32 to vector<16xf32>
      %broadcast_in_dim3A_1000 = vector.broadcast %jit3A_998 : f32 to vector<16xf32>
      %select_n3A_1001 = arith.select %eq3A_996, %broadcast_in_dim3A_999, %broadcast_in_dim3A_1000 : vector<16xi1>, vector<16xf32>
      %sub3A_1002 = arith.subf %get3A_986, %get3A_989 : vector<16xf32>
      %abs3A_1003 = math.absf %sub3A_1002 : vector<16xf32>
      %sub3A_1004 = arith.subf %get3A_992, %get3A_995 : vector<16xf32>
      %abs3A_1005 = math.absf %sub3A_1004 : vector<16xf32>
      %mul3A_1006 = arith.mulf %select_n3A_1001, %abs3A_1005 : vector<16xf32>
      %sub3A_1007 = arith.subf %abs3A_1003, %mul3A_1006 : vector<16xf32>
      %max3A_1008 = arith.constant 0.000000e+00 : f32
      %max3A_1009 = vector.broadcast %max3A_1008 : f32 to vector<16xf32>
      %max3A_1010 = arith.maximumf %sub3A_1007, %max3A_1009 : vector<16xf32>
      %mul3A_1011 = arith.mulf %max3A_1010, %max3A_1010 : vector<16xf32>
      %mul3A_1012 = arith.constant 1.000000e+00 : f32
      %mul3A_1013 = vector.broadcast %mul3A_1012 : f32 to vector<16xf32>
      %mul3A_1014 = arith.mulf %mul3A_1013, %mul3A_1011 : vector<16xf32>
      %mul3A_1015 = arith.constant 1.000000e+00 : f32
      %mul3A_1016 = vector.broadcast %mul3A_1015 : f32 to vector<16xf32>
      %mul3A_1017 = arith.mulf %mul3A_1016, %mul3A_1011 : vector<16xf32>
      %select_n3A_1018 = arith.select %eq3A_996, %mul3A_1014, %mul3A_1017 : vector<16xi1>, vector<16xf32>
      %add3A_1019 = arith.addf %add3A_983, %select_n3A_1018 : vector<16xf32>
      %get3A_1020 = arith.constant 352 : index
      %get3A_1021 = tpu.vector_load %arg8[%get3A_1020] {strides = array<i32>} : memref<8192xf32, #tpu.memory_space<vmem>>, vector<16xf32>,
      %get3A_1022 = vector.shape_cast %get3A_1021 : vector<16xf32> to vector<16xf32>
      %get3A_1023 = arith.constant 352 : index
      %get3A_1024 = tpu.vector_load %arg12[%get3A_1023] {strides = array<i32>} : memref<8192xf32, #tpu.memory_space<vmem>>, vector<16xf32>,
      %get3A_1025 = vector.shape_cast %get3A_1024 : vector<16xf32> to vector<16xf32>
      %get3A_1026 = arith.constant 352 : index
      %get3A_1027 = tpu.vector_load %arg10[%get3A_1026] {strides = array<i32>} : memref<8192xf32, #tpu.memory_space<vmem>>, vector<16xf32>,
      %get3A_1028 = vector.shape_cast %get3A_1027 : vector<16xf32> to vector<16xf32>
      %get3A_1029 = arith.constant 352 : index
      %get3A_1030 = tpu.vector_load %arg14[%get3A_1029] {strides = array<i32>} : memref<8192xf32, #tpu.memory_space<vmem>>, vector<16xf32>,
      %get3A_1031 = vector.shape_cast %get3A_1030 : vector<16xf32> to vector<16xf32>
      %eq3A_1032 = arith.cmpf oeq, %get3A_1022, %get3A_1025 : vector<16xf32>
      %jit3A_1033 = arith.constant -1.000000e+00 : f32
      %jit3A_1034 = arith.constant 1.000000e+00 : f32
      %broadcast_in_dim3A_1035 = vector.broadcast %jit3A_1033 : f32 to vector<16xf32>
      %broadcast_in_dim3A_1036 = vector.broadcast %jit3A_1034 : f32 to vector<16xf32>
      %select_n3A_1037 = arith.select %eq3A_1032, %broadcast_in_dim3A_1035, %broadcast_in_dim3A_1036 : vector<16xi1>, vector<16xf32>
      %sub3A_1038 = arith.subf %get3A_1022, %get3A_1025 : vector<16xf32>
      %abs3A_1039 = math.absf %sub3A_1038 : vector<16xf32>
      %sub3A_1040 = arith.subf %get3A_1028, %get3A_1031 : vector<16xf32>
      %abs3A_1041 = math.absf %sub3A_1040 : vector<16xf32>
      %mul3A_1042 = arith.mulf %select_n3A_1037, %abs3A_1041 : vector<16xf32>
      %sub3A_1043 = arith.subf %abs3A_1039, %mul3A_1042 : vector<16xf32>
      %max3A_1044 = arith.constant 0.000000e+00 : f32
      %max3A_1045 = vector.broadcast %max3A_1044 : f32 to vector<16xf32>
      %max3A_1046 = arith.maximumf %sub3A_1043, %max3A_1045 : vector<16xf32>
      %mul3A_1047 = arith.mulf %max3A_1046, %max3A_1046 : vector<16xf32>
      %mul3A_1048 = arith.constant 1.000000e+00 : f32
      %mul3A_1049 = vector.broadcast %mul3A_1048 : f32 to vector<16xf32>
      %mul3A_1050 = arith.mulf %mul3A_1049, %mul3A_1047 : vector<16xf32>
      %mul3A_1051 = arith.constant 1.000000e+00 : f32
      %mul3A_1052 = vector.broadcast %mul3A_1051 : f32 to vector<16xf32>
      %mul3A_1053 = arith.mulf %mul3A_1052, %mul3A_1047 : vector<16xf32>
      %select_n3A_1054 = arith.select %eq3A_1032, %mul3A_1050, %mul3A_1053 : vector<16xi1>, vector<16xf32>
      %add3A_1055 = arith.addf %add3A_1019, %select_n3A_1054 : vector<16xf32>
      %get3A_1056 = arith.constant 368 : index
      %get3A_1057 = tpu.vector_load %arg8[%get3A_1056] {strides = array<i32>} : memref<8192xf32, #tpu.memory_space<vmem>>, vector<16xf32>,
      %get3A_1058 = vector.shape_cast %get3A_1057 : vector<16xf32> to vector<16xf32>
      %get3A_1059 = arith.constant 368 : index
      %get3A_1060 = tpu.vector_load %arg12[%get3A_1059] {strides = array<i32>} : memref<8192xf32, #tpu.memory_space<vmem>>, vector<16xf32>,
      %get3A_1061 = vector.shape_cast %get3A_1060 : vector<16xf32> to vector<16xf32>
      %get3A_1062 = arith.constant 368 : index
      %get3A_1063 = tpu.vector_load %arg10[%get3A_1062] {strides = array<i32>} : memref<8192xf32, #tpu.memory_space<vmem>>, vector<16xf32>,
      %get3A_1064 = vector.shape_cast %get3A_1063 : vector<16xf32> to vector<16xf32>
      %get3A_1065 = arith.constant 368 : index
      %get3A_1066 = tpu.vector_load %arg14[%get3A_1065] {strides = array<i32>} : memref<8192xf32, #tpu.memory_space<vmem>>, vector<16xf32>,
      %get3A_1067 = vector.shape_cast %get3A_1066 : vector<16xf32> to vector<16xf32>
      %eq3A_1068 = arith.cmpf oeq, %get3A_1058, %get3A_1061 : vector<16xf32>
      %jit3A_1069 = arith.constant -1.000000e+00 : f32
      %jit3A_1070 = arith.constant 1.000000e+00 : f32
      %broadcast_in_dim3A_1071 = vector.broadcast %jit3A_1069 : f32 to vector<16xf32>
      %broadcast_in_dim3A_1072 = vector.broadcast %jit3A_1070 : f32 to vector<16xf32>
      %select_n3A_1073 = arith.select %eq3A_1068, %broadcast_in_dim3A_1071, %broadcast_in_dim3A_1072 : vector<16xi1>, vector<16xf32>
      %sub3A_1074 = arith.subf %get3A_1058, %get3A_1061 : vector<16xf32>
      %abs3A_1075 = math.absf %sub3A_1074 : vector<16xf32>
      %sub3A_1076 = arith.subf %get3A_1064, %get3A_1067 : vector<16xf32>
      %abs3A_1077 = math.absf %sub3A_1076 : vector<16xf32>
      %mul3A_1078 = arith.mulf %select_n3A_1073, %abs3A_1077 : vector<16xf32>
      %sub3A_1079 = arith.subf %abs3A_1075, %mul3A_1078 : vector<16xf32>
      %max3A_1080 = arith.constant 0.000000e+00 : f32
      %max3A_1081 = vector.broadcast %max3A_1080 : f32 to vector<16xf32>
      %max3A_1082 = arith.maximumf %sub3A_1079, %max3A_1081 : vector<16xf32>
      %mul3A_1083 = arith.mulf %max3A_1082, %max3A_1082 : vector<16xf32>
      %mul3A_1084 = arith.constant 1.000000e+00 : f32
      %mul3A_1085 = vector.broadcast %mul3A_1084 : f32 to vector<16xf32>
      %mul3A_1086 = arith.mulf %mul3A_1085, %mul3A_1083 : vector<16xf32>
      %mul3A_1087 = arith.constant 1.000000e+00 : f32
      %mul3A_1088 = vector.broadcast %mul3A_1087 : f32 to vector<16xf32>
      %mul3A_1089 = arith.mulf %mul3A_1088, %mul3A_1083 : vector<16xf32>
      %select_n3A_1090 = arith.select %eq3A_1068, %mul3A_1086, %mul3A_1089 : vector<16xi1>, vector<16xf32>
      %add3A_1091 = arith.addf %add3A_1055, %select_n3A_1090 : vector<16xf32>
      %get3A_1092 = arith.constant 384 : index
      %get3A_1093 = tpu.vector_load %arg8[%get3A_1092] {strides = array<i32>} : memref<8192xf32, #tpu.memory_space<vmem>>, vector<16xf32>,
      %get3A_1094 = vector.shape_cast %get3A_1093 : vector<16xf32> to vector<16xf32>
      %get3A_1095 = arith.constant 384 : index
      %get3A_1096 = tpu.vector_load %arg12[%get3A_1095] {strides = array<i32>} : memref<8192xf32, #tpu.memory_space<vmem>>, vector<16xf32>,
      %get3A_1097 = vector.shape_cast %get3A_1096 : vector<16xf32> to vector<16xf32>
      %get3A_1098 = arith.constant 384 : index
      %get3A_1099 = tpu.vector_load %arg10[%get3A_1098] {strides = array<i32>} : memref<8192xf32, #tpu.memory_space<vmem>>, vector<16xf32>,
      %get3A_1100 = vector.shape_cast %get3A_1099 : vector<16xf32> to vector<16xf32>
      %get3A_1101 = arith.constant 384 : index
      %get3A_1102 = tpu.vector_load %arg14[%get3A_1101] {strides = array<i32>} : memref<8192xf32, #tpu.memory_space<vmem>>, vector<16xf32>,
      %get3A_1103 = vector.shape_cast %get3A_1102 : vector<16xf32> to vector<16xf32>
      %eq3A_1104 = arith.cmpf oeq, %get3A_1094, %get3A_1097 : vector<16xf32>
      %jit3A_1105 = arith.constant -1.000000e+00 : f32
      %jit3A_1106 = arith.constant 1.000000e+00 : f32
      %broadcast_in_dim3A_1107 = vector.broadcast %jit3A_1105 : f32 to vector<16xf32>
      %broadcast_in_dim3A_1108 = vector.broadcast %jit3A_1106 : f32 to vector<16xf32>
      %select_n3A_1109 = arith.select %eq3A_1104, %broadcast_in_dim3A_1107, %broadcast_in_dim3A_1108 : vector<16xi1>, vector<16xf32>
      %sub3A_1110 = arith.subf %get3A_1094, %get3A_1097 : vector<16xf32>
      %abs3A_1111 = math.absf %sub3A_1110 : vector<16xf32>
      %sub3A_1112 = arith.subf %get3A_1100, %get3A_1103 : vector<16xf32>
      %abs3A_1113 = math.absf %sub3A_1112 : vector<16xf32>
      %mul3A_1114 = arith.mulf %select_n3A_1109, %abs3A_1113 : vector<16xf32>
      %sub3A_1115 = arith.subf %abs3A_1111, %mul3A_1114 : vector<16xf32>
      %max3A_1116 = arith.constant 0.000000e+00 : f32
      %max3A_1117 = vector.broadcast %max3A_1116 : f32 to vector<16xf32>
      %max3A_1118 = arith.maximumf %sub3A_1115, %max3A_1117 : vector<16xf32>
      %mul3A_1119 = arith.mulf %max3A_1118, %max3A_1118 : vector<16xf32>
      %mul3A_1120 = arith.constant 1.000000e+00 : f32
      %mul3A_1121 = vector.broadcast %mul3A_1120 : f32 to vector<16xf32>
      %mul3A_1122 = arith.mulf %mul3A_1121, %mul3A_1119 : vector<16xf32>
      %mul3A_1123 = arith.constant 1.000000e+00 : f32
      %mul3A_1124 = vector.broadcast %mul3A_1123 : f32 to vector<16xf32>
      %mul3A_1125 = arith.mulf %mul3A_1124, %mul3A_1119 : vector<16xf32>
      %select_n3A_1126 = arith.select %eq3A_1104, %mul3A_1122, %mul3A_1125 : vector<16xi1>, vector<16xf32>
      %add3A_1127 = arith.addf %add3A_1091, %select_n3A_1126 : vector<16xf32>
      %get3A_1128 = arith.constant 400 : index
      %get3A_1129 = tpu.vector_load %arg8[%get3A_1128] {strides = array<i32>} : memref<8192xf32, #tpu.memory_space<vmem>>, vector<16xf32>,
      %get3A_1130 = vector.shape_cast %get3A_1129 : vector<16xf32> to vector<16xf32>
      %get3A_1131 = arith.constant 400 : index
      %get3A_1132 = tpu.vector_load %arg12[%get3A_1131] {strides = array<i32>} : memref<8192xf32, #tpu.memory_space<vmem>>, vector<16xf32>,
      %get3A_1133 = vector.shape_cast %get3A_1132 : vector<16xf32> to vector<16xf32>
      %get3A_1134 = arith.constant 400 : index
      %get3A_1135 = tpu.vector_load %arg10[%get3A_1134] {strides = array<i32>} : memref<8192xf32, #tpu.memory_space<vmem>>, vector<16xf32>,
      %get3A_1136 = vector.shape_cast %get3A_1135 : vector<16xf32> to vector<16xf32>
      %get3A_1137 = arith.constant 400 : index
      %get3A_1138 = tpu.vector_load %arg14[%get3A_1137] {strides = array<i32>} : memref<8192xf32, #tpu.memory_space<vmem>>, vector<16xf32>,
      %get3A_1139 = vector.shape_cast %get3A_1138 : vector<16xf32> to vector<16xf32>
      %eq3A_1140 = arith.cmpf oeq, %get3A_1130, %get3A_1133 : vector<16xf32>
      %jit3A_1141 = arith.constant -1.000000e+00 : f32
      %jit3A_1142 = arith.constant 1.000000e+00 : f32
      %broadcast_in_dim3A_1143 = vector.broadcast %jit3A_1141 : f32 to vector<16xf32>
      %broadcast_in_dim3A_1144 = vector.broadcast %jit3A_1142 : f32 to vector<16xf32>
      %select_n3A_1145 = arith.select %eq3A_1140, %broadcast_in_dim3A_1143, %broadcast_in_dim3A_1144 : vector<16xi1>, vector<16xf32>
      %sub3A_1146 = arith.subf %get3A_1130, %get3A_1133 : vector<16xf32>
      %abs3A_1147 = math.absf %sub3A_1146 : vector<16xf32>
      %sub3A_1148 = arith.subf %get3A_1136, %get3A_1139 : vector<16xf32>
      %abs3A_1149 = math.absf %sub3A_1148 : vector<16xf32>
      %mul3A_1150 = arith.mulf %select_n3A_1145, %abs3A_1149 : vector<16xf32>
      %sub3A_1151 = arith.subf %abs3A_1147, %mul3A_1150 : vector<16xf32>
      %max3A_1152 = arith.constant 0.000000e+00 : f32
      %max3A_1153 = vector.broadcast %max3A_1152 : f32 to vector<16xf32>
      %max3A_1154 = arith.maximumf %sub3A_1151, %max3A_1153 : vector<16xf32>
      %mul3A_1155 = arith.mulf %max3A_1154, %max3A_1154 : vector<16xf32>
      %mul3A_1156 = arith.constant 1.000000e+00 : f32
      %mul3A_1157 = vector.broadcast %mul3A_1156 : f32 to vector<16xf32>
      %mul3A_1158 = arith.mulf %mul3A_1157, %mul3A_1155 : vector<16xf32>
      %mul3A_1159 = arith.constant 1.000000e+00 : f32
      %mul3A_1160 = vector.broadcast %mul3A_1159 : f32 to vector<16xf32>
      %mul3A_1161 = arith.mulf %mul3A_1160, %mul3A_1155 : vector<16xf32>
      %select_n3A_1162 = arith.select %eq3A_1140, %mul3A_1158, %mul3A_1161 : vector<16xi1>, vector<16xf32>
      %add3A_1163 = arith.addf %add3A_1127, %select_n3A_1162 : vector<16xf32>
      %get3A_1164 = arith.constant 416 : index
      %get3A_1165 = tpu.vector_load %arg8[%get3A_1164] {strides = array<i32>} : memref<8192xf32, #tpu.memory_space<vmem>>, vector<16xf32>,
      %get3A_1166 = vector.shape_cast %get3A_1165 : vector<16xf32> to vector<16xf32>
      %get3A_1167 = arith.constant 416 : index
      %get3A_1168 = tpu.vector_load %arg12[%get3A_1167] {strides = array<i32>} : memref<8192xf32, #tpu.memory_space<vmem>>, vector<16xf32>,
      %get3A_1169 = vector.shape_cast %get3A_1168 : vector<16xf32> to vector<16xf32>
      %get3A_1170 = arith.constant 416 : index
      %get3A_1171 = tpu.vector_load %arg10[%get3A_1170] {strides = array<i32>} : memref<8192xf32, #tpu.memory_space<vmem>>, vector<16xf32>,
      %get3A_1172 = vector.shape_cast %get3A_1171 : vector<16xf32> to vector<16xf32>
      %get3A_1173 = arith.constant 416 : index
      %get3A_1174 = tpu.vector_load %arg14[%get3A_1173] {strides = array<i32>} : memref<8192xf32, #tpu.memory_space<vmem>>, vector<16xf32>,
      %get3A_1175 = vector.shape_cast %get3A_1174 : vector<16xf32> to vector<16xf32>
      %eq3A_1176 = arith.cmpf oeq, %get3A_1166, %get3A_1169 : vector<16xf32>
      %jit3A_1177 = arith.constant -1.000000e+00 : f32
      %jit3A_1178 = arith.constant 1.000000e+00 : f32
      %broadcast_in_dim3A_1179 = vector.broadcast %jit3A_1177 : f32 to vector<16xf32>
      %broadcast_in_dim3A_1180 = vector.broadcast %jit3A_1178 : f32 to vector<16xf32>
      %select_n3A_1181 = arith.select %eq3A_1176, %broadcast_in_dim3A_1179, %broadcast_in_dim3A_1180 : vector<16xi1>, vector<16xf32>
      %sub3A_1182 = arith.subf %get3A_1166, %get3A_1169 : vector<16xf32>
      %abs3A_1183 = math.absf %sub3A_1182 : vector<16xf32>
      %sub3A_1184 = arith.subf %get3A_1172, %get3A_1175 : vector<16xf32>
      %abs3A_1185 = math.absf %sub3A_1184 : vector<16xf32>
      %mul3A_1186 = arith.mulf %select_n3A_1181, %abs3A_1185 : vector<16xf32>
      %sub3A_1187 = arith.subf %abs3A_1183, %mul3A_1186 : vector<16xf32>
      %max3A_1188 = arith.constant 0.000000e+00 : f32
      %max3A_1189 = vector.broadcast %max3A_1188 : f32 to vector<16xf32>
      %max3A_1190 = arith.maximumf %sub3A_1187, %max3A_1189 : vector<16xf32>
      %mul3A_1191 = arith.mulf %max3A_1190, %max3A_1190 : vector<16xf32>
      %mul3A_1192 = arith.constant 1.000000e+00 : f32
      %mul3A_1193 = vector.broadcast %mul3A_1192 : f32 to vector<16xf32>
      %mul3A_1194 = arith.mulf %mul3A_1193, %mul3A_1191 : vector<16xf32>
      %mul3A_1195 = arith.constant 1.000000e+00 : f32
      %mul3A_1196 = vector.broadcast %mul3A_1195 : f32 to vector<16xf32>
      %mul3A_1197 = arith.mulf %mul3A_1196, %mul3A_1191 : vector<16xf32>
      %select_n3A_1198 = arith.select %eq3A_1176, %mul3A_1194, %mul3A_1197 : vector<16xi1>, vector<16xf32>
      %add3A_1199 = arith.addf %add3A_1163, %select_n3A_1198 : vector<16xf32>
      %get3A_1200 = arith.constant 432 : index
      %get3A_1201 = tpu.vector_load %arg8[%get3A_1200] {strides = array<i32>} : memref<8192xf32, #tpu.memory_space<vmem>>, vector<16xf32>,
      %get3A_1202 = vector.shape_cast %get3A_1201 : vector<16xf32> to vector<16xf32>
      %get3A_1203 = arith.constant 432 : index
      %get3A_1204 = tpu.vector_load %arg12[%get3A_1203] {strides = array<i32>} : memref<8192xf32, #tpu.memory_space<vmem>>, vector<16xf32>,
      %get3A_1205 = vector.shape_cast %get3A_1204 : vector<16xf32> to vector<16xf32>
      %get3A_1206 = arith.constant 432 : index
      %get3A_1207 = tpu.vector_load %arg10[%get3A_1206] {strides = array<i32>} : memref<8192xf32, #tpu.memory_space<vmem>>, vector<16xf32>,
      %get3A_1208 = vector.shape_cast %get3A_1207 : vector<16xf32> to vector<16xf32>
      %get3A_1209 = arith.constant 432 : index
      %get3A_1210 = tpu.vector_load %arg14[%get3A_1209] {strides = array<i32>} : memref<8192xf32, #tpu.memory_space<vmem>>, vector<16xf32>,
      %get3A_1211 = vector.shape_cast %get3A_1210 : vector<16xf32> to vector<16xf32>
      %eq3A_1212 = arith.cmpf oeq, %get3A_1202, %get3A_1205 : vector<16xf32>
      %jit3A_1213 = arith.constant -1.000000e+00 : f32
      %jit3A_1214 = arith.constant 1.000000e+00 : f32
      %broadcast_in_dim3A_1215 = vector.broadcast %jit3A_1213 : f32 to vector<16xf32>
      %broadcast_in_dim3A_1216 = vector.broadcast %jit3A_1214 : f32 to vector<16xf32>
      %select_n3A_1217 = arith.select %eq3A_1212, %broadcast_in_dim3A_1215, %broadcast_in_dim3A_1216 : vector<16xi1>, vector<16xf32>
      %sub3A_1218 = arith.subf %get3A_1202, %get3A_1205 : vector<16xf32>
      %abs3A_1219 = math.absf %sub3A_1218 : vector<16xf32>
      %sub3A_1220 = arith.subf %get3A_1208, %get3A_1211 : vector<16xf32>
      %abs3A_1221 = math.absf %sub3A_1220 : vector<16xf32>
      %mul3A_1222 = arith.mulf %select_n3A_1217, %abs3A_1221 : vector<16xf32>
      %sub3A_1223 = arith.subf %abs3A_1219, %mul3A_1222 : vector<16xf32>
      %max3A_1224 = arith.constant 0.000000e+00 : f32
      %max3A_1225 = vector.broadcast %max3A_1224 : f32 to vector<16xf32>
      %max3A_1226 = arith.maximumf %sub3A_1223, %max3A_1225 : vector<16xf32>
      %mul3A_1227 = arith.mulf %max3A_1226, %max3A_1226 : vector<16xf32>
      %mul3A_1228 = arith.constant 1.000000e+00 : f32
      %mul3A_1229 = vector.broadcast %mul3A_1228 : f32 to vector<16xf32>
      %mul3A_1230 = arith.mulf %mul3A_1229, %mul3A_1227 : vector<16xf32>
      %mul3A_1231 = arith.constant 1.000000e+00 : f32
      %mul3A_1232 = vector.broadcast %mul3A_1231 : f32 to vector<16xf32>
      %mul3A_1233 = arith.mulf %mul3A_1232, %mul3A_1227 : vector<16xf32>
      %select_n3A_1234 = arith.select %eq3A_1212, %mul3A_1230, %mul3A_1233 : vector<16xi1>, vector<16xf32>
      %add3A_1235 = arith.addf %add3A_1199, %select_n3A_1234 : vector<16xf32>
      %get3A_1236 = arith.constant 448 : index
      %get3A_1237 = tpu.vector_load %arg8[%get3A_1236] {strides = array<i32>} : memref<8192xf32, #tpu.memory_space<vmem>>, vector<16xf32>,
      %get3A_1238 = vector.shape_cast %get3A_1237 : vector<16xf32> to vector<16xf32>
      %get3A_1239 = arith.constant 448 : index
      %get3A_1240 = tpu.vector_load %arg12[%get3A_1239] {strides = array<i32>} : memref<8192xf32, #tpu.memory_space<vmem>>, vector<16xf32>,
      %get3A_1241 = vector.shape_cast %get3A_1240 : vector<16xf32> to vector<16xf32>
      %get3A_1242 = arith.constant 448 : index
      %get3A_1243 = tpu.vector_load %arg10[%get3A_1242] {strides = array<i32>} : memref<8192xf32, #tpu.memory_space<vmem>>, vector<16xf32>,
      %get3A_1244 = vector.shape_cast %get3A_1243 : vector<16xf32> to vector<16xf32>
      %get3A_1245 = arith.constant 448 : index
      %get3A_1246 = tpu.vector_load %arg14[%get3A_1245] {strides = array<i32>} : memref<8192xf32, #tpu.memory_space<vmem>>, vector<16xf32>,
      %get3A_1247 = vector.shape_cast %get3A_1246 : vector<16xf32> to vector<16xf32>
      %eq3A_1248 = arith.cmpf oeq, %get3A_1238, %get3A_1241 : vector<16xf32>
      %jit3A_1249 = arith.constant -1.000000e+00 : f32
      %jit3A_1250 = arith.constant 1.000000e+00 : f32
      %broadcast_in_dim3A_1251 = vector.broadcast %jit3A_1249 : f32 to vector<16xf32>
      %broadcast_in_dim3A_1252 = vector.broadcast %jit3A_1250 : f32 to vector<16xf32>
      %select_n3A_1253 = arith.select %eq3A_1248, %broadcast_in_dim3A_1251, %broadcast_in_dim3A_1252 : vector<16xi1>, vector<16xf32>
      %sub3A_1254 = arith.subf %get3A_1238, %get3A_1241 : vector<16xf32>
      %abs3A_1255 = math.absf %sub3A_1254 : vector<16xf32>
      %sub3A_1256 = arith.subf %get3A_1244, %get3A_1247 : vector<16xf32>
      %abs3A_1257 = math.absf %sub3A_1256 : vector<16xf32>
      %mul3A_1258 = arith.mulf %select_n3A_1253, %abs3A_1257 : vector<16xf32>
      %sub3A_1259 = arith.subf %abs3A_1255, %mul3A_1258 : vector<16xf32>
      %max3A_1260 = arith.constant 0.000000e+00 : f32
      %max3A_1261 = vector.broadcast %max3A_1260 : f32 to vector<16xf32>
      %max3A_1262 = arith.maximumf %sub3A_1259, %max3A_1261 : vector<16xf32>
      %mul3A_1263 = arith.mulf %max3A_1262, %max3A_1262 : vector<16xf32>
      %mul3A_1264 = arith.constant 1.000000e+00 : f32
      %mul3A_1265 = vector.broadcast %mul3A_1264 : f32 to vector<16xf32>
      %mul3A_1266 = arith.mulf %mul3A_1265, %mul3A_1263 : vector<16xf32>
      %mul3A_1267 = arith.constant 1.000000e+00 : f32
      %mul3A_1268 = vector.broadcast %mul3A_1267 : f32 to vector<16xf32>
      %mul3A_1269 = arith.mulf %mul3A_1268, %mul3A_1263 : vector<16xf32>
      %select_n3A_1270 = arith.select %eq3A_1248, %mul3A_1266, %mul3A_1269 : vector<16xi1>, vector<16xf32>
      %add3A_1271 = arith.addf %add3A_1235, %select_n3A_1270 : vector<16xf32>
      %get3A_1272 = arith.constant 464 : index
      %get3A_1273 = tpu.vector_load %arg8[%get3A_1272] {strides = array<i32>} : memref<8192xf32, #tpu.memory_space<vmem>>, vector<16xf32>,
      %get3A_1274 = vector.shape_cast %get3A_1273 : vector<16xf32> to vector<16xf32>
      %get3A_1275 = arith.constant 464 : index
      %get3A_1276 = tpu.vector_load %arg12[%get3A_1275] {strides = array<i32>} : memref<8192xf32, #tpu.memory_space<vmem>>, vector<16xf32>,
      %get3A_1277 = vector.shape_cast %get3A_1276 : vector<16xf32> to vector<16xf32>
      %get3A_1278 = arith.constant 464 : index
      %get3A_1279 = tpu.vector_load %arg10[%get3A_1278] {strides = array<i32>} : memref<8192xf32, #tpu.memory_space<vmem>>, vector<16xf32>,
      %get3A_1280 = vector.shape_cast %get3A_1279 : vector<16xf32> to vector<16xf32>
      %get3A_1281 = arith.constant 464 : index
      %get3A_1282 = tpu.vector_load %arg14[%get3A_1281] {strides = array<i32>} : memref<8192xf32, #tpu.memory_space<vmem>>, vector<16xf32>,
      %get3A_1283 = vector.shape_cast %get3A_1282 : vector<16xf32> to vector<16xf32>
      %eq3A_1284 = arith.cmpf oeq, %get3A_1274, %get3A_1277 : vector<16xf32>
      %jit3A_1285 = arith.constant -1.000000e+00 : f32
      %jit3A_1286 = arith.constant 1.000000e+00 : f32
      %broadcast_in_dim3A_1287 = vector.broadcast %jit3A_1285 : f32 to vector<16xf32>
      %broadcast_in_dim3A_1288 = vector.broadcast %jit3A_1286 : f32 to vector<16xf32>
      %select_n3A_1289 = arith.select %eq3A_1284, %broadcast_in_dim3A_1287, %broadcast_in_dim3A_1288 : vector<16xi1>, vector<16xf32>
      %sub3A_1290 = arith.subf %get3A_1274, %get3A_1277 : vector<16xf32>
      %abs3A_1291 = math.absf %sub3A_1290 : vector<16xf32>
      %sub3A_1292 = arith.subf %get3A_1280, %get3A_1283 : vector<16xf32>
      %abs3A_1293 = math.absf %sub3A_1292 : vector<16xf32>
      %mul3A_1294 = arith.mulf %select_n3A_1289, %abs3A_1293 : vector<16xf32>
      %sub3A_1295 = arith.subf %abs3A_1291, %mul3A_1294 : vector<16xf32>
      %max3A_1296 = arith.constant 0.000000e+00 : f32
      %max3A_1297 = vector.broadcast %max3A_1296 : f32 to vector<16xf32>
      %max3A_1298 = arith.maximumf %sub3A_1295, %max3A_1297 : vector<16xf32>
      %mul3A_1299 = arith.mulf %max3A_1298, %max3A_1298 : vector<16xf32>
      %mul3A_1300 = arith.constant 1.000000e+00 : f32
      %mul3A_1301 = vector.broadcast %mul3A_1300 : f32 to vector<16xf32>
      %mul3A_1302 = arith.mulf %mul3A_1301, %mul3A_1299 : vector<16xf32>
      %mul3A_1303 = arith.constant 1.000000e+00 : f32
      %mul3A_1304 = vector.broadcast %mul3A_1303 : f32 to vector<16xf32>
      %mul3A_1305 = arith.mulf %mul3A_1304, %mul3A_1299 : vector<16xf32>
      %select_n3A_1306 = arith.select %eq3A_1284, %mul3A_1302, %mul3A_1305 : vector<16xi1>, vector<16xf32>
      %add3A_1307 = arith.addf %add3A_1271, %select_n3A_1306 : vector<16xf32>
      %get3A_1308 = arith.constant 480 : index
      %get3A_1309 = tpu.vector_load %arg8[%get3A_1308] {strides = array<i32>} : memref<8192xf32, #tpu.memory_space<vmem>>, vector<16xf32>,
      %get3A_1310 = vector.shape_cast %get3A_1309 : vector<16xf32> to vector<16xf32>
      %get3A_1311 = arith.constant 480 : index
      %get3A_1312 = tpu.vector_load %arg12[%get3A_1311] {strides = array<i32>} : memref<8192xf32, #tpu.memory_space<vmem>>, vector<16xf32>,
      %get3A_1313 = vector.shape_cast %get3A_1312 : vector<16xf32> to vector<16xf32>
      %get3A_1314 = arith.constant 480 : index
      %get3A_1315 = tpu.vector_load %arg10[%get3A_1314] {strides = array<i32>} : memref<8192xf32, #tpu.memory_space<vmem>>, vector<16xf32>,
      %get3A_1316 = vector.shape_cast %get3A_1315 : vector<16xf32> to vector<16xf32>
      %get3A_1317 = arith.constant 480 : index
      %get3A_1318 = tpu.vector_load %arg14[%get3A_1317] {strides = array<i32>} : memref<8192xf32, #tpu.memory_space<vmem>>, vector<16xf32>,
      %get3A_1319 = vector.shape_cast %get3A_1318 : vector<16xf32> to vector<16xf32>
      %eq3A_1320 = arith.cmpf oeq, %get3A_1310, %get3A_1313 : vector<16xf32>
      %jit3A_1321 = arith.constant -1.000000e+00 : f32
      %jit3A_1322 = arith.constant 1.000000e+00 : f32
      %broadcast_in_dim3A_1323 = vector.broadcast %jit3A_1321 : f32 to vector<16xf32>
      %broadcast_in_dim3A_1324 = vector.broadcast %jit3A_1322 : f32 to vector<16xf32>
      %select_n3A_1325 = arith.select %eq3A_1320, %broadcast_in_dim3A_1323, %broadcast_in_dim3A_1324 : vector<16xi1>, vector<16xf32>
      %sub3A_1326 = arith.subf %get3A_1310, %get3A_1313 : vector<16xf32>
      %abs3A_1327 = math.absf %sub3A_1326 : vector<16xf32>
      %sub3A_1328 = arith.subf %get3A_1316, %get3A_1319 : vector<16xf32>
      %abs3A_1329 = math.absf %sub3A_1328 : vector<16xf32>
      %mul3A_1330 = arith.mulf %select_n3A_1325, %abs3A_1329 : vector<16xf32>
      %sub3A_1331 = arith.subf %abs3A_1327, %mul3A_1330 : vector<16xf32>
      %max3A_1332 = arith.constant 0.000000e+00 : f32
      %max3A_1333 = vector.broadcast %max3A_1332 : f32 to vector<16xf32>
      %max3A_1334 = arith.maximumf %sub3A_1331, %max3A_1333 : vector<16xf32>
      %mul3A_1335 = arith.mulf %max3A_1334, %max3A_1334 : vector<16xf32>
      %mul3A_1336 = arith.constant 1.000000e+00 : f32
      %mul3A_1337 = vector.broadcast %mul3A_1336 : f32 to vector<16xf32>
      %mul3A_1338 = arith.mulf %mul3A_1337, %mul3A_1335 : vector<16xf32>
      %mul3A_1339 = arith.constant 1.000000e+00 : f32
      %mul3A_1340 = vector.broadcast %mul3A_1339 : f32 to vector<16xf32>
      %mul3A_1341 = arith.mulf %mul3A_1340, %mul3A_1335 : vector<16xf32>
      %select_n3A_1342 = arith.select %eq3A_1320, %mul3A_1338, %mul3A_1341 : vector<16xi1>, vector<16xf32>
      %add3A_1343 = arith.addf %add3A_1307, %select_n3A_1342 : vector<16xf32>
      %get3A_1344 = arith.constant 496 : index
      %get3A_1345 = tpu.vector_load %arg8[%get3A_1344] {strides = array<i32>} : memref<8192xf32, #tpu.memory_space<vmem>>, vector<16xf32>,
      %get3A_1346 = vector.shape_cast %get3A_1345 : vector<16xf32> to vector<16xf32>
      %get3A_1347 = arith.constant 496 : index
      %get3A_1348 = tpu.vector_load %arg12[%get3A_1347] {strides = array<i32>} : memref<8192xf32, #tpu.memory_space<vmem>>, vector<16xf32>,
      %get3A_1349 = vector.shape_cast %get3A_1348 : vector<16xf32> to vector<16xf32>
      %get3A_1350 = arith.constant 496 : index
      %get3A_1351 = tpu.vector_load %arg10[%get3A_1350] {strides = array<i32>} : memref<8192xf32, #tpu.memory_space<vmem>>, vector<16xf32>,
      %get3A_1352 = vector.shape_cast %get3A_1351 : vector<16xf32> to vector<16xf32>
      %get3A_1353 = arith.constant 496 : index
      %get3A_1354 = tpu.vector_load %arg14[%get3A_1353] {strides = array<i32>} : memref<8192xf32, #tpu.memory_space<vmem>>, vector<16xf32>,
      %get3A_1355 = vector.shape_cast %get3A_1354 : vector<16xf32> to vector<16xf32>
      %eq3A_1356 = arith.cmpf oeq, %get3A_1346, %get3A_1349 : vector<16xf32>
      %jit3A_1357 = arith.constant -1.000000e+00 : f32
      %jit3A_1358 = arith.constant 1.000000e+00 : f32
      %broadcast_in_dim3A_1359 = vector.broadcast %jit3A_1357 : f32 to vector<16xf32>
      %broadcast_in_dim3A_1360 = vector.broadcast %jit3A_1358 : f32 to vector<16xf32>
      %select_n3A_1361 = arith.select %eq3A_1356, %broadcast_in_dim3A_1359, %broadcast_in_dim3A_1360 : vector<16xi1>, vector<16xf32>
      %sub3A_1362 = arith.subf %get3A_1346, %get3A_1349 : vector<16xf32>
      %abs3A_1363 = math.absf %sub3A_1362 : vector<16xf32>
      %sub3A_1364 = arith.subf %get3A_1352, %get3A_1355 : vector<16xf32>
      %abs3A_1365 = math.absf %sub3A_1364 : vector<16xf32>
      %mul3A_1366 = arith.mulf %select_n3A_1361, %abs3A_1365 : vector<16xf32>
      %sub3A_1367 = arith.subf %abs3A_1363, %mul3A_1366 : vector<16xf32>
      %max3A_1368 = arith.constant 0.000000e+00 : f32
      %max3A_1369 = vector.broadcast %max3A_1368 : f32 to vector<16xf32>
      %max3A_1370 = arith.maximumf %sub3A_1367, %max3A_1369 : vector<16xf32>
      %mul3A_1371 = arith.mulf %max3A_1370, %max3A_1370 : vector<16xf32>
      %mul3A_1372 = arith.constant 1.000000e+00 : f32
      %mul3A_1373 = vector.broadcast %mul3A_1372 : f32 to vector<16xf32>
      %mul3A_1374 = arith.mulf %mul3A_1373, %mul3A_1371 : vector<16xf32>
      %mul3A_1375 = arith.constant 1.000000e+00 : f32
      %mul3A_1376 = vector.broadcast %mul3A_1375 : f32 to vector<16xf32>
      %mul3A_1377 = arith.mulf %mul3A_1376, %mul3A_1371 : vector<16xf32>
      %select_n3A_1378 = arith.select %eq3A_1356, %mul3A_1374, %mul3A_1377 : vector<16xi1>, vector<16xf32>
      %add3A_1379 = arith.addf %add3A_1343, %select_n3A_1378 : vector<16xf32>
      %get3A_1380 = arith.constant 576 : index
      %get3A_1381 = tpu.vector_load %arg8[%get3A_1380] {strides = array<i32>} : memref<8192xf32, #tpu.memory_space<vmem>>, vector<16xf32>,
      %get3A_1382 = vector.shape_cast %get3A_1381 : vector<16xf32> to vector<16xf32>
      %get3A_1383 = arith.constant 576 : index
      %get3A_1384 = tpu.vector_load %arg12[%get3A_1383] {strides = array<i32>} : memref<8192xf32, #tpu.memory_space<vmem>>, vector<16xf32>,
      %get3A_1385 = vector.shape_cast %get3A_1384 : vector<16xf32> to vector<16xf32>
      %get3A_1386 = arith.constant 576 : index
      %get3A_1387 = tpu.vector_load %arg10[%get3A_1386] {strides = array<i32>} : memref<8192xf32, #tpu.memory_space<vmem>>, vector<16xf32>,
      %get3A_1388 = vector.shape_cast %get3A_1387 : vector<16xf32> to vector<16xf32>
      %get3A_1389 = arith.constant 576 : index
      %get3A_1390 = tpu.vector_load %arg14[%get3A_1389] {strides = array<i32>} : memref<8192xf32, #tpu.memory_space<vmem>>, vector<16xf32>,
      %get3A_1391 = vector.shape_cast %get3A_1390 : vector<16xf32> to vector<16xf32>
      %eq3A_1392 = arith.cmpf oeq, %get3A_1382, %get3A_1385 : vector<16xf32>
      %jit3A_1393 = arith.constant -1.000000e+00 : f32
      %jit3A_1394 = arith.constant 1.000000e+00 : f32
      %broadcast_in_dim3A_1395 = vector.broadcast %jit3A_1393 : f32 to vector<16xf32>
      %broadcast_in_dim3A_1396 = vector.broadcast %jit3A_1394 : f32 to vector<16xf32>
      %select_n3A_1397 = arith.select %eq3A_1392, %broadcast_in_dim3A_1395, %broadcast_in_dim3A_1396 : vector<16xi1>, vector<16xf32>
      %sub3A_1398 = arith.subf %get3A_1382, %get3A_1385 : vector<16xf32>
      %abs3A_1399 = math.absf %sub3A_1398 : vector<16xf32>
      %sub3A_1400 = arith.subf %get3A_1388, %get3A_1391 : vector<16xf32>
      %abs3A_1401 = math.absf %sub3A_1400 : vector<16xf32>
      %mul3A_1402 = arith.mulf %select_n3A_1397, %abs3A_1401 : vector<16xf32>
      %sub3A_1403 = arith.subf %abs3A_1399, %mul3A_1402 : vector<16xf32>
      %max3A_1404 = arith.constant 0.000000e+00 : f32
      %max3A_1405 = vector.broadcast %max3A_1404 : f32 to vector<16xf32>
      %max3A_1406 = arith.maximumf %sub3A_1403, %max3A_1405 : vector<16xf32>
      %mul3A_1407 = arith.mulf %max3A_1406, %max3A_1406 : vector<16xf32>
      %mul3A_1408 = arith.constant 1.000000e+00 : f32
      %mul3A_1409 = vector.broadcast %mul3A_1408 : f32 to vector<16xf32>
      %mul3A_1410 = arith.mulf %mul3A_1409, %mul3A_1407 : vector<16xf32>
      %mul3A_1411 = arith.constant 1.000000e+00 : f32
      %mul3A_1412 = vector.broadcast %mul3A_1411 : f32 to vector<16xf32>
      %mul3A_1413 = arith.mulf %mul3A_1412, %mul3A_1407 : vector<16xf32>
      %select_n3A_1414 = arith.select %eq3A_1392, %mul3A_1410, %mul3A_1413 : vector<16xi1>, vector<16xf32>
      %add3A_1415 = arith.addf %add3A_1379, %select_n3A_1414 : vector<16xf32>
      %get3A_1416 = arith.constant 592 : index
      %get3A_1417 = tpu.vector_load %arg8[%get3A_1416] {strides = array<i32>} : memref<8192xf32, #tpu.memory_space<vmem>>, vector<16xf32>,
      %get3A_1418 = vector.shape_cast %get3A_1417 : vector<16xf32> to vector<16xf32>
      %get3A_1419 = arith.constant 592 : index
      %get3A_1420 = tpu.vector_load %arg12[%get3A_1419] {strides = array<i32>} : memref<8192xf32, #tpu.memory_space<vmem>>, vector<16xf32>,
      %get3A_1421 = vector.shape_cast %get3A_1420 : vector<16xf32> to vector<16xf32>
      %get3A_1422 = arith.constant 592 : index
      %get3A_1423 = tpu.vector_load %arg10[%get3A_1422] {strides = array<i32>} : memref<8192xf32, #tpu.memory_space<vmem>>, vector<16xf32>,
      %get3A_1424 = vector.shape_cast %get3A_1423 : vector<16xf32> to vector<16xf32>
      %get3A_1425 = arith.constant 592 : index
      %get3A_1426 = tpu.vector_load %arg14[%get3A_1425] {strides = array<i32>} : memref<8192xf32, #tpu.memory_space<vmem>>, vector<16xf32>,
      %get3A_1427 = vector.shape_cast %get3A_1426 : vector<16xf32> to vector<16xf32>
      %eq3A_1428 = arith.cmpf oeq, %get3A_1418, %get3A_1421 : vector<16xf32>
      %jit3A_1429 = arith.constant -1.000000e+00 : f32
      %jit3A_1430 = arith.constant 1.000000e+00 : f32
      %broadcast_in_dim3A_1431 = vector.broadcast %jit3A_1429 : f32 to vector<16xf32>
      %broadcast_in_dim3A_1432 = vector.broadcast %jit3A_1430 : f32 to vector<16xf32>
      %select_n3A_1433 = arith.select %eq3A_1428, %broadcast_in_dim3A_1431, %broadcast_in_dim3A_1432 : vector<16xi1>, vector<16xf32>
      %sub3A_1434 = arith.subf %get3A_1418, %get3A_1421 : vector<16xf32>
      %abs3A_1435 = math.absf %sub3A_1434 : vector<16xf32>
      %sub3A_1436 = arith.subf %get3A_1424, %get3A_1427 : vector<16xf32>
      %abs3A_1437 = math.absf %sub3A_1436 : vector<16xf32>
      %mul3A_1438 = arith.mulf %select_n3A_1433, %abs3A_1437 : vector<16xf32>
      %sub3A_1439 = arith.subf %abs3A_1435, %mul3A_1438 : vector<16xf32>
      %max3A_1440 = arith.constant 0.000000e+00 : f32
      %max3A_1441 = vector.broadcast %max3A_1440 : f32 to vector<16xf32>
      %max3A_1442 = arith.maximumf %sub3A_1439, %max3A_1441 : vector<16xf32>
      %mul3A_1443 = arith.mulf %max3A_1442, %max3A_1442 : vector<16xf32>
      %mul3A_1444 = arith.constant 1.000000e+00 : f32
      %mul3A_1445 = vector.broadcast %mul3A_1444 : f32 to vector<16xf32>
      %mul3A_1446 = arith.mulf %mul3A_1445, %mul3A_1443 : vector<16xf32>
      %mul3A_1447 = arith.constant 1.000000e+00 : f32
      %mul3A_1448 = vector.broadcast %mul3A_1447 : f32 to vector<16xf32>
      %mul3A_1449 = arith.mulf %mul3A_1448, %mul3A_1443 : vector<16xf32>
      %select_n3A_1450 = arith.select %eq3A_1428, %mul3A_1446, %mul3A_1449 : vector<16xi1>, vector<16xf32>
      %add3A_1451 = arith.addf %add3A_1415, %select_n3A_1450 : vector<16xf32>
      %get3A_1452 = arith.constant 608 : index
      %get3A_1453 = tpu.vector_load %arg8[%get3A_1452] {strides = array<i32>} : memref<8192xf32, #tpu.memory_space<vmem>>, vector<16xf32>,
      %get3A_1454 = vector.shape_cast %get3A_1453 : vector<16xf32> to vector<16xf32>
      %get3A_1455 = arith.constant 608 : index
      %get3A_1456 = tpu.vector_load %arg12[%get3A_1455] {strides = array<i32>} : memref<8192xf32, #tpu.memory_space<vmem>>, vector<16xf32>,
      %get3A_1457 = vector.shape_cast %get3A_1456 : vector<16xf32> to vector<16xf32>
      %get3A_1458 = arith.constant 608 : index
      %get3A_1459 = tpu.vector_load %arg10[%get3A_1458] {strides = array<i32>} : memref<8192xf32, #tpu.memory_space<vmem>>, vector<16xf32>,
      %get3A_1460 = vector.shape_cast %get3A_1459 : vector<16xf32> to vector<16xf32>
      %get3A_1461 = arith.constant 608 : index
      %get3A_1462 = tpu.vector_load %arg14[%get3A_1461] {strides = array<i32>} : memref<8192xf32, #tpu.memory_space<vmem>>, vector<16xf32>,
      %get3A_1463 = vector.shape_cast %get3A_1462 : vector<16xf32> to vector<16xf32>
      %eq3A_1464 = arith.cmpf oeq, %get3A_1454, %get3A_1457 : vector<16xf32>
      %jit3A_1465 = arith.constant -1.000000e+00 : f32
      %jit3A_1466 = arith.constant 1.000000e+00 : f32
      %broadcast_in_dim3A_1467 = vector.broadcast %jit3A_1465 : f32 to vector<16xf32>
      %broadcast_in_dim3A_1468 = vector.broadcast %jit3A_1466 : f32 to vector<16xf32>
      %select_n3A_1469 = arith.select %eq3A_1464, %broadcast_in_dim3A_1467, %broadcast_in_dim3A_1468 : vector<16xi1>, vector<16xf32>
      %sub3A_1470 = arith.subf %get3A_1454, %get3A_1457 : vector<16xf32>
      %abs3A_1471 = math.absf %sub3A_1470 : vector<16xf32>
      %sub3A_1472 = arith.subf %get3A_1460, %get3A_1463 : vector<16xf32>
      %abs3A_1473 = math.absf %sub3A_1472 : vector<16xf32>
      %mul3A_1474 = arith.mulf %select_n3A_1469, %abs3A_1473 : vector<16xf32>
      %sub3A_1475 = arith.subf %abs3A_1471, %mul3A_1474 : vector<16xf32>
      %max3A_1476 = arith.constant 0.000000e+00 : f32
      %max3A_1477 = vector.broadcast %max3A_1476 : f32 to vector<16xf32>
      %max3A_1478 = arith.maximumf %sub3A_1475, %max3A_1477 : vector<16xf32>
      %mul3A_1479 = arith.mulf %max3A_1478, %max3A_1478 : vector<16xf32>
      %mul3A_1480 = arith.constant 1.000000e+00 : f32
      %mul3A_1481 = vector.broadcast %mul3A_1480 : f32 to vector<16xf32>
      %mul3A_1482 = arith.mulf %mul3A_1481, %mul3A_1479 : vector<16xf32>
      %mul3A_1483 = arith.constant 1.000000e+00 : f32
      %mul3A_1484 = vector.broadcast %mul3A_1483 : f32 to vector<16xf32>
      %mul3A_1485 = arith.mulf %mul3A_1484, %mul3A_1479 : vector<16xf32>
      %select_n3A_1486 = arith.select %eq3A_1464, %mul3A_1482, %mul3A_1485 : vector<16xi1>, vector<16xf32>
      %add3A_1487 = arith.addf %add3A_1451, %select_n3A_1486 : vector<16xf32>
      %get3A_1488 = arith.constant 624 : index
      %get3A_1489 = tpu.vector_load %arg8[%get3A_1488] {strides = array<i32>} : memref<8192xf32, #tpu.memory_space<vmem>>, vector<16xf32>,
      %get3A_1490 = vector.shape_cast %get3A_1489 : vector<16xf32> to vector<16xf32>
      %get3A_1491 = arith.constant 624 : index
      %get3A_1492 = tpu.vector_load %arg12[%get3A_1491] {strides = array<i32>} : memref<8192xf32, #tpu.memory_space<vmem>>, vector<16xf32>,
      %get3A_1493 = vector.shape_cast %get3A_1492 : vector<16xf32> to vector<16xf32>
      %get3A_1494 = arith.constant 624 : index
      %get3A_1495 = tpu.vector_load %arg10[%get3A_1494] {strides = array<i32>} : memref<8192xf32, #tpu.memory_space<vmem>>, vector<16xf32>,
      %get3A_1496 = vector.shape_cast %get3A_1495 : vector<16xf32> to vector<16xf32>
      %get3A_1497 = arith.constant 624 : index
      %get3A_1498 = tpu.vector_load %arg14[%get3A_1497] {strides = array<i32>} : memref<8192xf32, #tpu.memory_space<vmem>>, vector<16xf32>,
      %get3A_1499 = vector.shape_cast %get3A_1498 : vector<16xf32> to vector<16xf32>
      %eq3A_1500 = arith.cmpf oeq, %get3A_1490, %get3A_1493 : vector<16xf32>
      %jit3A_1501 = arith.constant -1.000000e+00 : f32
      %jit3A_1502 = arith.constant 1.000000e+00 : f32
      %broadcast_in_dim3A_1503 = vector.broadcast %jit3A_1501 : f32 to vector<16xf32>
      %broadcast_in_dim3A_1504 = vector.broadcast %jit3A_1502 : f32 to vector<16xf32>
      %select_n3A_1505 = arith.select %eq3A_1500, %broadcast_in_dim3A_1503, %broadcast_in_dim3A_1504 : vector<16xi1>, vector<16xf32>
      %sub3A_1506 = arith.subf %get3A_1490, %get3A_1493 : vector<16xf32>
      %abs3A_1507 = math.absf %sub3A_1506 : vector<16xf32>
      %sub3A_1508 = arith.subf %get3A_1496, %get3A_1499 : vector<16xf32>
      %abs3A_1509 = math.absf %sub3A_1508 : vector<16xf32>
      %mul3A_1510 = arith.mulf %select_n3A_1505, %abs3A_1509 : vector<16xf32>
      %sub3A_1511 = arith.subf %abs3A_1507, %mul3A_1510 : vector<16xf32>
      %max3A_1512 = arith.constant 0.000000e+00 : f32
      %max3A_1513 = vector.broadcast %max3A_1512 : f32 to vector<16xf32>
      %max3A_1514 = arith.maximumf %sub3A_1511, %max3A_1513 : vector<16xf32>
      %mul3A_1515 = arith.mulf %max3A_1514, %max3A_1514 : vector<16xf32>
      %mul3A_1516 = arith.constant 1.000000e+00 : f32
      %mul3A_1517 = vector.broadcast %mul3A_1516 : f32 to vector<16xf32>
      %mul3A_1518 = arith.mulf %mul3A_1517, %mul3A_1515 : vector<16xf32>
      %mul3A_1519 = arith.constant 1.000000e+00 : f32
      %mul3A_1520 = vector.broadcast %mul3A_1519 : f32 to vector<16xf32>
      %mul3A_1521 = arith.mulf %mul3A_1520, %mul3A_1515 : vector<16xf32>
      %select_n3A_1522 = arith.select %eq3A_1500, %mul3A_1518, %mul3A_1521 : vector<16xi1>, vector<16xf32>
      %add3A_1523 = arith.addf %add3A_1487, %select_n3A_1522 : vector<16xf32>
      %get3A_1524 = arith.constant 0 : index
      %get3A_1525 = tpu.vector_load %arg16[%get3A_1524] {strides = array<i32>} : memref<16xf32, #tpu.memory_space<vmem>>, vector<16xf32>,
      %get3A_1526 = vector.shape_cast %get3A_1525 : vector<16xf32> to vector<16xf32>
      %add3A_1527 = arith.addf %get3A_1526, %add3A_1523 : vector<16xf32>
      %swap3A_1528 = arith.constant 0 : index
      %swap3A_1529 = tpu.vector_load %arg16[%swap3A_1528] {strides = array<i32>} : memref<16xf32, #tpu.memory_space<vmem>>, vector<16xf32>,
      %swap3A_1530 = vector.shape_cast %swap3A_1529 : vector<16xf32> to vector<16xf32>
      %swap3A_1531 = vector.shape_cast %add3A_1527 : vector<16xf32> to vector<16xf32>
      tpu.vector_store %arg16[%swap3A_1528], %swap3A_1531 {strides = array<i32>} : memref<16xf32, #tpu.memory_space<vmem>>, vector<16xf32>,
    } else {
    }
    "tpu.region"() ({
      %run_scoped3A = tpu.sem_alloc : memref<!tpu.dma_semaphore, #tpu.memory_space<semaphore_mem>>
      %dma_start3A = arith.constant 0 : i32
      %dma_start3A_48 = tpu.memref_slice %arg5[%add3A, %dma_start3A] : memref<32x16xf32, #tpu.memory_space<hbm>> -> memref<1x16xf32, #tpu.memory_space<hbm>>
      %dma_start3A_49 = tpu.memref_squeeze %dma_start3A_48 : memref<1x16xf32, #tpu.memory_space<hbm>> -> memref<16xf32, #tpu.memory_space<hbm>>
      %dma_start3A_50 = arith.constant 0 : i32
      %dma_start3A_51 = tpu.memref_slice %arg5[%add3A, %dma_start3A_50] : memref<32x16xf32, #tpu.memory_space<hbm>> -> memref<1x16xf32, #tpu.memory_space<hbm>>
      %dma_start3A_52 = tpu.memref_squeeze %dma_start3A_51 : memref<1x16xf32, #tpu.memory_space<hbm>> -> memref<16xf32, #tpu.memory_space<hbm>>
      tpu.enqueue_dma source(%arg16 : memref<16xf32, #tpu.memory_space<vmem>>) target(%dma_start3A_52 : memref<16xf32, #tpu.memory_space<hbm>>) target_semaphore(%run_scoped3A : memref<!tpu.dma_semaphore, #tpu.memory_space<semaphore_mem>>)
      %dma_wait3A = arith.constant 0 : i32
      %dma_wait3A_53 = tpu.memref_slice %arg5[%add3A, %dma_wait3A] : memref<32x16xf32, #tpu.memory_space<hbm>> -> memref<1x16xf32, #tpu.memory_space<hbm>>
      %dma_wait3A_54 = tpu.memref_squeeze %dma_wait3A_53 : memref<1x16xf32, #tpu.memory_space<hbm>> -> memref<16xf32, #tpu.memory_space<hbm>>
      %dma_wait3A_55 = arith.constant 0 : i32
      %dma_wait3A_56 = tpu.memref_slice %arg5[%add3A, %dma_wait3A_55] : memref<32x16xf32, #tpu.memory_space<hbm>> -> memref<1x16xf32, #tpu.memory_space<hbm>>
      %dma_wait3A_57 = tpu.memref_squeeze %dma_wait3A_56 : memref<1x16xf32, #tpu.memory_space<hbm>> -> memref<16xf32, #tpu.memory_space<hbm>>
      tpu.wait_dma2 semaphore(%run_scoped3A : memref<!tpu.dma_semaphore, #tpu.memory_space<semaphore_mem>>) src(%arg16 : memref<16xf32, #tpu.memory_space<vmem>>) dst(%dma_wait3A_57 : memref<16xf32, #tpu.memory_space<hbm>>)
      tpu.yield
    }) : () -> ()
    return
  }
}

</mosaic_0001>

<sc_bundles>
// kernel: _pair_loss_sum.3.cloned.1.call-start
scs
__scs_entry_jumppad:
0x0: {  	(pc) =	sbr.rel $0x88, $3  }
0x1: {  	(tag) =	ssettag $0x0;
	lr =	simm.s32 $0x1  }
0x2: {  	[smem:$0x3F9E] =	sst lr;
	_ =	strace $0xD0000000  }
0x3: {  	_ = 	snop  }
0x4: {  	_ = 	snop  }
0x5: {  	_ = 	snop  }
0x6: {  	_ = 	snop  }
0x7: {  	_ = 	snop  }
__scs_overlays_trampoline_lowered:
0x8: {  	[smem:$0x3FAD] =	sst s0  }
0x9: {  	[smem:$0x3FAE] =	sst s1  }
0xa: {  	[smem:$0x3FAF] =	sst s2  }
0xb: {  	[smem:$0x3FB0] =	sst s3  }
0xc: {  	[smem:$0x3FB1] =	sst s4  }
0xd: {  	[smem:$0x3FB2] =	sst s5  }
0xe: {  	[smem:$0x3FB3] =	sst s6  }
0xf: {  	[smem:$0x3FB4] =	sst s7  }
0x10: {  	[smem:$0x3FB5] =	sst s8  }
0x11: {  	[smem:$0x3FB6] =	sst s9;
	s0 =	simm.s32 @!p0 $0x0  }
0x12: {  	s1 =	sld [smem:$0x3F9C];
	s0 =	simm.s32 @p0 $0x1  }
0x13: {  	[smem:$0x3FB7] =	sst s0;
	s0 =	simm.s32 @!p1 $0x0  }
0x14: {  	s2 =	sld [smem:$0x3F9B];
	s0 =	simm.s32 @p1 $0x1  }
0x15: {  	[smem:$0x3FB8] =	sst s0;
	s0 =	simm.s32 @!p2 $0x0  }
0x16: {  	s3 =	sld [smem:$0x3FDB];
	s0 =	simm.s32 @p2 $0x1  }
0x17: {  	s4 =	simm.s32 $0x1BF5;
	[smem:$0x3FBA] =	sst s0  }
0x18: {  	s0 =	sld [smem:$0x3F9D];
	_ =	swait.ge [sflag:s4], $0x0  }
0x19: {  	s7 =	sld [smem:$0x3F9E]  }
0x1a: {  	s8 =	sadd.s32 $0xFFFFE003, lr  }
0x1b: {  	s9 =	sadd.s32 $0xFFFFFEF7, lr;
	s5 =	simm.s32 $0xFFFFFFFF;
	p2 =	slt.u32 s8, $0xFFFFF086  }
0x1c: {  	p1 =	slt.u32 s9, $0xF7A;
	s5 =	simm.s32 @!p2 $0x0  }
0x1d: {  	s5 =	simm.s32 @p1 $0x1;
	p0 =	seq.s32 s7, s2  }
0x1e: {  	s7 =	smul.u32 @!p0 $0xF7A, s2;
	p2 =	seq.s32 @!p0 s5, $0x0  }
0x1f: {  	s9 =	smul.u32 $0xF7A, s1;
	s8 =	simm.s32 @!p0 $0x1BF5;
	p2 =	por !p2, p0  }
0x20: {  	[sflag:s8] =	ssyncset.s32 @!p0 $0xFFFFF086;
	s6 =	sadd.s32 @!p0 s3, s7;
	s7 =	simm.s32 @!p0 $0x108  }
0x21: {  	s3 =	sadd.s32 s3, s9;
	s6 =	sadd.s32 @!p0 $0x88, s6;
	s7 =	simm.s32 @p2 $0x1082  }
0x22: {  	[simem:s7], [sflag:s8] =	dma.local @!p0 [hbm:s6], $0xF7A  }
0x23: {  	s9 =	sor.u32 $0xD0000000, s2;
	s6 =	simm.s32 $0x108;
	_ =	swait.ge @!p0 [sflag:s8], $0x0  }
0x24: {  	s3 =	sadd.s32 $0x88, s3;
	s6 =	simm.s32 @!p1 $0x1082;
	[sflag:s4] =	ssyncset.s32 $0xFFFFF086  }
0x25: {  	[simem:s6], [sflag:s4] =	dma.local [hbm:s3], $0xF7A  }
0x26: {  	[smem:$0x3F9E] =	sst s1;
	(tag) =	ssettag s2;
	_ =	strace s9  }
0x27: {  	s1 =	sld [smem:$0x3FAE]  }
0x28: {  	s2 =	sld [smem:$0x3FAF]  }
0x29: {  	s4 =	sld [smem:$0x3FB1]  }
0x2a: {  	p0 =	seq.s32 s5, $0x0;
	s5 =	sld [smem:$0x3FB2]  }
0x2b: {  	s6 =	sld [smem:$0x3FB3]  }
0x2c: {  	s7 =	sld [smem:$0x3FB4]  }
0x2d: {  	s3 =	simm.s32 $0x108;
	s8 =	sld [smem:$0x3FB5]  }
0x2e: {  	s3 =	simm.s32 @!p0 $0x1082;
	s9 =	sld [smem:$0x3FB6]  }
0x2f: {  	lr =	sadd.s32 s0, s3;
	s0 =	sld [smem:$0x3FAD]  }
0x30: {  	s3 =	sld [smem:$0x3FB0]  }
0x31: {  	[smem:$0x3FB9] =	sst s10  }
0x32: {  	s10 =	sld [smem:$0x3FB7];
	_ =	sdelay $0x3  }
0x33: {  	p0 =	seq.s32 s10, $0x1;
	s10 =	sld [smem:$0x3FB9];
	_ =	sdelay $0x3  }
0x34: {  	[smem:$0x3FB9] =	sst s10  }
0x35: {  	s10 =	sld [smem:$0x3FB8];
	_ =	sdelay $0x3  }
0x36: {  	p1 =	seq.s32 s10, $0x1;
	s10 =	sld [smem:$0x3FB9];
	_ =	sdelay $0x3  }
0x37: {  	[smem:$0x3FB9] =	sst s10  }
0x38: {  	s10 =	sld [smem:$0x3FBA]  }
0x39: {  	_ = 	snop;
	(pc) =	sbr.ind lr, $3  }
0x3a: {  	_ = 	snop  }
0x3b: {  	_ = 	snop  }
0x3c: {  	p2 =	seq.s32 s10, $0x1;
	s10 =	sld [smem:$0x3FB9]  }
0x3d: {  	_ =	shalt  }
0x3e: {  	_ =	shalt  }
0x3f: {  	_ =	shalt  }
0x40: {  	_ =	shalt  }
0x41: {  	_ =	shalt  }
0x42: {  	_ =	shalt  }
0x43: {  	_ =	shalt  }
0x44: {  	_ =	shalt  }
0x45: {  	_ =	shalt  }
0x46: {  	_ =	shalt  }
0x47: {  	_ =	shalt  }
0x48: {  	_ =	shalt  }
0x49: {  	_ =	shalt  }
0x4a: {  	_ =	shalt  }
0x4b: {  	_ =	shalt  }
0x4c: {  	_ =	shalt  }
0x4d: {  	_ =	shalt  }
0x4e: {  	_ =	shalt  }
0x4f: {  	_ =	shalt  }
0x50: {  	_ =	shalt  }
0x51: {  	_ =	shalt  }
0x52: {  	_ =	shalt  }
0x53: {  	_ =	shalt  }
0x54: {  	_ =	shalt  }
0x55: {  	_ =	shalt  }
0x56: {  	_ =	shalt  }
0x57: {  	_ =	shalt  }
0x58: {  	_ =	shalt  }
0x59: {  	_ =	shalt  }
0x5a: {  	_ =	shalt  }
0x5b: {  	_ =	shalt  }
0x5c: {  	_ =	shalt  }
0x5d: {  	_ =	shalt  }
0x5e: {  	_ =	shalt  }
0x5f: {  	_ =	shalt  }
0x60: {  	_ =	shalt  }
0x61: {  	_ =	shalt  }
0x62: {  	_ =	shalt  }
0x63: {  	_ =	shalt  }
0x64: {  	_ =	shalt  }
0x65: {  	_ =	shalt  }
0x66: {  	_ =	shalt  }
0x67: {  	_ =	shalt  }
0x68: {  	_ =	shalt  }
0x69: {  	_ =	shalt  }
0x6a: {  	_ =	shalt  }
0x6b: {  	_ =	shalt  }
0x6c: {  	_ =	shalt  }
0x6d: {  	_ =	shalt  }
0x6e: {  	_ =	shalt  }
0x6f: {  	_ =	shalt  }
0x70: {  	_ =	shalt  }
0x71: {  	_ =	shalt  }
0x72: {  	_ =	shalt  }
0x73: {  	_ =	shalt  }
0x74: {  	_ =	shalt  }
0x75: {  	_ =	shalt  }
0x76: {  	_ =	shalt  }
0x77: {  	_ =	shalt  }
0x78: {  	_ =	shalt  }
0x79: {  	_ =	shalt  }
0x7a: {  	_ =	shalt  }
0x7b: {  	_ =	shalt  }
0x7c: {  	_ =	shalt  }
0x7d: {  	_ =	shalt  }
0x7e: {  	_ =	shalt  }
0x7f: {  	_ =	shalt  }
0x80: {  	_ =	shalt  }
0x81: {  	_ =	shalt  }
0x82: {  	_ =	shalt  }
0x83: {  	_ =	shalt  }
0x84: {  	_ =	shalt  }
0x85: {  	_ =	shalt  }
0x86: {  	_ =	shalt  }
0x87: {  	_ =	shalt  }
.Lfunc_end0:
.L_simem_size_0:
called_computation_lowered:
.L_overlay_start_0:
0x88: {  	s2 =	sld [smem:$0x3FD9]  }
0x89: {  	s3 =	sld [smem:$0x3FFE];
	_ =	sdelay $0x1  }
0x8a: {  	s1 =	srdreg.scid  }
0x8b: {  	s0 =	sand.u32 $0x1, s1  }
0x8c: {  	s17 =	sshll.u32 s0, $0xA;
	s2 =	sadd.s32 s3, s2  }
0x8d: {  	s2 =	sadd.s32 s2, s17  }
0x8e: {  	[smem:$0x3FC5] =	sst s2  }
0x8f: {  	_ = 	snop  }
0x90: {  	s2 =	sld [smem:$0x3FC9]  }
0x91: {  	s18 =	sld [smem:$0x3FC8]  }
0x92: {  	s4 =	sld [smem:$0x3FC7];
	(tm) =	ssettm $0x1  }
0x93: {  	s5 =	sld [smem:$0x3FFB];
	_ =	sdelay $0x3  }
0x94: {  	_ =	strace s5  }
0x95: {  	s5 =	sld [smem:$0x3FFC];
	_ =	sdelay $0x3  }
0x96: {  	_ =	strace s5  }
0x97: {  	s5 =	sld [smem:$0x3FFD];
	_ =	sdelay $0x3  }
0x98: {  	_ =	strace s5  }
0x99: {  	_ =	strace $0x8FFFFFFF  }
0x9a: {  	s19 =	sld [smem:$0x3FDB];
	_ =	sdelay $0x1  }
0x9b: {  	s6 =	simm.s32 $_scs_section_size  }
0x9c: {  	s7 =	simm.s32 $_size__tile_overlayer_lowered;
	s8 =	simm.s32 $_tile_overlayer_lowered  }
0x9d: {  	s22 =	simm.s32 $0x1BFF;
	s21 =	sshll.u32 s8, $0x1;
	s5 =	sadd.s32 s6, s19  }
0x9e: {  	s9 =	simm.s32 $0x0;
	s20 =	sshll.u32 s7, $0x1;
	s7 =	sadd.s32 s21, s5  }
0x9f: {  	[timem:s9], [sflag:s22] =	dma.local [hbm:s7], s20  }
0xa0: {  	_ =	swait.ge [sflag:s22], s20  }
0xa1: {  	s6 =	ssub.s32 $0x0, s20;
	[sflag:s22] =	ssyncset.done $0x0  }
0xa2: {  	[sflag:s22] =	ssyncadd.s32 s6;
	_ =	sdelay $0x1  }
0xa3: {  	s23 =	simm.s32 $0x1B8B  }
0xa4: {  	_ =	swait.ge [sflag:s23], $0x1  }
0xa5: {  	[sflag:s23] =	ssyncset.done $0x0  }
0xa6: {  	s25 =	simm.s32 $0x1B8E;
	s24 =	sld [smem:$0x3FFE];
	[sflag:s23] =	ssyncadd.s32 $0xFFFFFFFF  }
0xa7: {  	s26 =	simm.s32 $execute0_lowered;
	[smem:$0x3FD2] =	sst s25  }
0xa8: {  	s7 =	sshll.u32 s26, $0x1;
	_ =	strace $0x80000046;
	[dreg:$0x1] =	wrdreg $0xFFFFFFFF  }
0xa9: {  	s28 =	simm.s32 $_size_execute0_lowered;
	s5 =	sadd.s32 s5, s7;
	[dreg:$0x0] =	wrdreg $0x0  }
0xaa: {  	s7 =	sshll.u32 s28, $0x1;
	[dreg:$0x2] =	wrdreg s5  }
0xab: {  	[dreg:$0x3] =	wrdreg s7  }
0xac: {  	[dreg:$0x4] =	wrdreg $0xC0  }
0xad: {  	_ =	task [dreg:s9], $0x5FFFF  }
0xae: {  	[dreg:$0x1] =	wrdreg $0xFFFFFFFF  }
0xaf: {  	[dreg:$0x0] =	wrdreg $0x60  }
0xb0: {  	[dreg:$0x2] =	wrdreg s2  }
0xb1: {  	[dreg:$0x3] =	wrdreg s18  }
0xb2: {  	[dreg:$0x4] =	wrdreg s4  }
0xb3: {  	[dreg:$0x5] =	wrdreg s24  }
0xb4: {  	[dreg:$0x6] =	wrdreg $0x9  }
0xb5: {  	_ =	task.clear_ibuf [dreg:s9], $0x7FFFF;
	_ =	strace $0x90000046  }
0xb6: {  	s29 =	simm.s32 $0x9;
	_ =	strace $0x80000048  }
0xb7: {  	_ =	swait.ge [sflag:s29], $0x1  }
0xb8: {  	[sflag:s29] =	ssyncadd.s32 $0xFFFFFFFF  }
0xb9: {  	_ =	strace $0x90000048  }
0xba: {  	_ =	sfence  }
0xbb: {  	s30 =	sld [smem:$0x0];
	_ =	sdelay $0x2  }
0xbc: {  	s31 =	sshll.u32 s1, $0xD;
	s1 =	sshrl.u32 s1, $0x2  }
0xbd: {  	s3 =	sand.u32 $0x4000, s31;
	s1 =	sadd.s32 s1, s30  }
0xbe: {  	s0 =	sor.u32 s3, s0;
	s1 =	sshll.u32 s1, $0x11  }
0xbf: {  	s0 =	sor.u32 s1, s0  }
0xc0: {  	s0 =	sadd.s32 $0x8F2B, s0  }
0xc1: {  	[sflag:s0] =	ssyncadd.remote.s32 $0x1  }
0xc2: {  	_ =	sfence.sel $0xFFFF  }
0xc3: {  	[dreg:$0x0] =	wrdreg $0xFFFFFFFF;
	(pc) =	sbr.abs _section_cstart, $3  }
0xc4: {  	[dreg:$0x1] =	wrdreg $0xFFFFFFFF  }
0xc5: {  	_ =	task.clear_ibuf [dreg:s9], $0x2FFFF;
	_ =	strace $0x9FFFFFFF  }
0xc6: {  	(tm) =	ssettm $0x7FFFFFFF  }
0xc7: {  	_ =	shalt  }
tec
execute0_lowered:
.L_overlay_start_1:
0x0: {  	(tag) =	ssettag $0x1  }
0x1: {  	s1 =	rddreg [dreg:$0x0]  }
0x2: {  	s2 =	rddreg [dreg:$0x1]  }
0x3: {  	s0 =	rddreg [dreg:$0x2]  }
0x4: {  	s3 =	rddreg [dreg:$0x3];
	s4 =	simm.s32 $0x0  }
0x5: {  	s5 =	srdreg.scid;
	s8 =	stileid.u32;
	s28 =	simm.s32 $0x8000  }
0x6: {  	s29 =	simm.s32 $0x80;
	s30 =	simm.s32 $0x2000;
	s31 =	simm.s32 $0x6000  }
0x7: {  	[smem:$0x7FF] =	sst s4;
	s5 =	sand.u32 $0x1, s5;
	s21 =	sadd.s32 $0x1E800, s0  }
0x8: {  	s22 =	sadd.s32 $0x1E800, s1;
	_ =	strace $0x80000047;
	[dreg:$0x7] =	wrdreg s21  }
0x9: {  	s6 =	sshll.u32 s8, $0x4;
	s23 =	sadd.s32 $0x1E800, s2;
	[dreg:$0x8] =	wrdreg s22  }
0xa: {  	s24 =	sadd.s32 $0x1E838, s1;
	s26 =	sadd.s32 $0x1E838, s2;
	[dreg:$0x9] =	wrdreg s23  }
0xb: {  	s7 =	sshll.u32 s5, $0x4;
	s6 =	sand.u32 $0x70, s6;
	[dreg:$0xb] =	wrdreg s24  }
0xc: {  	s5 =	ssub.s32 $0x2, s5;
	[dreg:$0xc] =	wrdreg s26;
	s26 =	simm.s32 $0x4000  }
0xd: {  	s22 =	simm.s32 $0x0;
	s14 =	sor.u32 s8, s7;
	s18 =	sshrl.u32 s5, $0x1  }
0xe: {  	s3 =	sadd.s32 s6, s3;
	s13 =	sshll.u32 s14, $0xA;
	s17 =	ssub.s32 s5, s18  }
0xf: {  	s18 =	sshll.u32 s14, $0x4;
	p0 =	sgt.u32 s14, $0x19;
	p1 =	sne.s32 s14, $0x1F  }
0x10: {  	s5 =	sadd.s32 s0, s13;
	s10 =	sor.u32 $0x8000, s13;
	s6 =	sadd.s32 s1, s13  }
0x11: {  	s7 =	sadd.s32 s2, s13;
	s15 =	sor.u32 $0x10000, s13;
	s16 =	sor.u32 $0x18000, s13  }
0x12: {  	s18 =	sand.u32 $0x180, s18;
	s24 =	smax.u32 s17, $0x1;
	s17 =	simm.s32 $0x3  }
0x13: {  	s8 =	sadd.s32 s0, s10;
	s9 =	sadd.s32 s1, s10;
	s10 =	sadd.s32 s2, s10  }
0x14: {  	s11 =	sadd.s32 s0, s15;
	s12 =	sadd.s32 s1, s15;
	s13 =	sadd.s32 s2, s15  }
.Ltmp0:
0x15: {  	s19 =	sadd.s32 s0, s16;
	s20 =	sadd.s32 s1, s16;
	(pc) =	sbr.rel .LBB2_1-.Ltmp0, $4  }
0x16: {  	s16 =	sadd.s32 s2, s16;
	s0 =	sadd.s32 $0x1E838, s0;
	[dreg:$0x5] =	wrdreg s19  }
0x17: {  	s25 =	sadd.s32 s18, s3;
	s3 =	simm.s32 $0x1;
	[dreg:$0x6] =	wrdreg s20  }
0x18: {  	s18 =	simm.s32 $0x2;
	[dreg:$0xa] =	wrdreg s0;
	s23 =	sadd.s32 $0x400, s25  }
0x19: {  	v0 =	vimm.f32 $0.0e+00;
	s25 =	simm.s32 $0x5;
	s0 =	simm.s32 $0xA000;
	s19 =	simm.s32 $0x4  }
.LBB2_23:
0x1a: {  	[tilespmem:$0x14000] =	vst v1  }
.LBB2_24:
0x1b: {  	s22 =	sadd.s32 $0x1, s22  }
0x1c: {  	p2 =	sne.s32 s22, s24  }
.Ltmp1:
0x1d: {  	s14 =	simm.s32 $0x14000;
	(pc) =	sbr.rel @!p2 .LBB2_25-.Ltmp1, $4  }
0x1e: {  	[hbm4b:s23+s4] =	stream.linear.scatter [tilespmem:s14], [sflag:$0x5], $0x80, $0x38;
	[tilespmem:$0x14080] =	vst v63  }
0x1f: {  	_ =	swait.ge [sflag:s25], $0x80  }
0x20: {  	[sflag:s25] =	ssyncset.done $0x0  }
0x21: {  	[sflag:s25] =	ssyncadd.s32 $0xFFFFFF80  }
.LBB2_1:
0x22: {  	[tilespmem:$0x14000] =	vst v0  }
0x23: {  	[tilespmem:s4], [sflag:$0x5] =	stream.linear.gather [hbm4b:s5+s4], $0x2000, $0x38;
	[tilespmem:$0x14080] =	vst v63  }
0x24: {  	_ =	swait.ge [sflag:s25], $0x2000  }
0x25: {  	[sflag:s25] =	ssyncset.done $0x0  }
0x26: {  	[sflag:s25] =	ssyncadd.s32 $0xFFFFE000  }
0x27: {  	[tilespmem:s26], [sflag:$0x1] =	stream.linear.gather [hbm4b:s6+s4], $0x2000, $0x38;
	[tilespmem:$0x14080] =	vst v63  }
0x28: {  	_ = 	snop  }
0x29: {  	[tilespmem:s28], [sflag:$0x1] =	stream.linear.gather [hbm4b:s7+s4], $0x2000, $0x38;
	[tilespmem:$0x14080] =	vst v63  }
0x2a: {  	s20 =	simm.s32 $0x0;
	s14 =	simm.s32 $0xC000  }
0x2b: {  	[tilespmem:s14], [sflag:$0x3] =	stream.indirect.gather [hbm4b:s1+s29], $0x1, s20, s29, $0xb8;
	[tilespmem:$0x14080] =	vst v63  }
0x2c: {  	s21 =	simm.s32 $0x200;
	s14 =	simm.s32 $0x10000  }
.LBB2_2:
0x2d: {  	[tilespmem:s14], [sflag:$0x3] =	stream.indirect.gather [hbm4b:s2+s29], $0x1, s20, s29, $0xb8;
	[tilespmem:$0x14080] =	vst v63  }
0x2e: {  	s14 =	smov.u32 s21;
	p2 =	sne.s32 s21, $0x7E00  }
.Ltmp2:
0x2f: {  	s21 =	sadd.s32 $0x200, s21;
	(pc) =	sbr.rel @p2 .LBB2_2-.Ltmp2, $4  }
0x30: {  	s20 =	sshra.s32 s14, $0x2  }
0x31: {  	s14 =	sadd.s32 $0xC000, s20  }
0x32: {  	[tilespmem:s14], [sflag:$0x3] =	stream.indirect.gather [hbm4b:s1+s29], $0x1, s20, s29, $0xb8;
	[tilespmem:$0x14080] =	vst v63  }
0x33: {  	s14 =	sadd.s32 $0x10000, s20  }
0x34: {  	[tilespmem:s14], [sflag:$0x3] =	stream.indirect.gather [hbm4b:s2+s29], $0x1, s20, s29, $0xb8;
	[tilespmem:$0x14080] =	vst v63  }
0x35: {  	s20 =	simm.s32 $0x0  }
0x36: {  	[tilespmem:s30], [sflag:$0x5] =	stream.linear.gather [hbm4b:s8+s20], $0x2000, $0x38;
	[tilespmem:$0x14080] =	vst v63  }
0x37: {  	_ =	swait.ge [sflag:s25], $0x2000  }
0x38: {  	[sflag:s25] =	ssyncset.done $0x0  }
0x39: {  	[sflag:s25] =	ssyncadd.s32 $0xFFFFE000  }
0x3a: {  	[tilespmem:s31], [sflag:$0x2] =	stream.linear.gather [hbm4b:s9+s20], $0x2000, $0x38;
	[tilespmem:$0x14080] =	vst v63  }
0x3b: {  	_ = 	snop  }
0x3c: {  	[tilespmem:s0], [sflag:$0x2] =	stream.linear.gather [hbm4b:s10+s20], $0x2000, $0x38;
	[tilespmem:$0x14080] =	vst v63  }
0x3d: {  	s21 =	simm.s32 $0xE000;
	s20 =	simm.s32 $0x2000  }
0x3e: {  	[tilespmem:s21], [sflag:$0x4] =	stream.indirect.gather [hbm4b:s1+s29], $0x1, s20, s29, $0xb8;
	[tilespmem:$0x14080] =	vst v63  }
0x3f: {  	s14 =	simm.s32 $0x12000;
	s21 =	simm.s32 $0x200  }
.LBB2_4:
0x40: {  	[tilespmem:s14], [sflag:$0x4] =	stream.indirect.gather [hbm4b:s2+s29], $0x1, s20, s29, $0xb8;
	[tilespmem:$0x14080] =	vst v63  }
0x41: {  	s14 =	smov.u32 s21;
	p2 =	sne.s32 s21, $0x7E00  }
.Ltmp3:
0x42: {  	s21 =	sadd.s32 $0x200, s21;
	(pc) =	sbr.rel @p2 .LBB2_4-.Ltmp3, $4  }
0x43: {  	s14 =	sshra.s32 s14, $0x2  }
0x44: {  	s15 =	sadd.s32 $0xE000, s14;
	s20 =	sadd.s32 $0x2000, s14  }
0x45: {  	[tilespmem:s15], [sflag:$0x4] =	stream.indirect.gather [hbm4b:s1+s29], $0x1, s20, s29, $0xb8;
	[tilespmem:$0x14080] =	vst v63  }
0x46: {  	s14 =	sadd.s32 $0x12000, s14  }
0x47: {  	[tilespmem:s14], [sflag:$0x4] =	stream.indirect.gather [hbm4b:s2+s29], $0x1, s20, s29, $0xb8;
	[tilespmem:$0x14080] =	vst v63  }
0x48: {  	_ =	swait.ge [sflag:s3], $0x2000  }
0x49: {  	[sflag:s3] =	ssyncset.done $0x0  }
0x4a: {  	[sflag:s3] =	ssyncadd.s32 $0xFFFFE000  }
0x4b: {  	_ =	swait.ge [sflag:s3], $0x2000  }
0x4c: {  	[sflag:s3] =	ssyncset.done $0x0  }
0x4d: {  	[sflag:s3] =	ssyncadd.s32 $0xFFFFE000  }
0x4e: {  	_ =	swait.ge [sflag:s17], $0x2000  }
0x4f: {  	[sflag:s17] =	ssyncset.done $0x0  }
0x50: {  	[sflag:s17] =	ssyncadd.s32 $0xFFFFE000  }
0x51: {  	_ =	swait.ge [sflag:s17], $0x2000  }
0x52: {  	[sflag:s17] =	ssyncset.done $0x0  }
0x53: {  	s15 =	simm.s32 $0x0;
	[sflag:s17] =	ssyncadd.s32 $0xFFFFE000  }
0x54: {  	v1 =	vld [tilespmem:s15+$0x8000]  }
0x55: {  	v2 =	vld [tilespmem:s15+$0x10000]  }
0x56: {  	v5 =	vld [tilespmem:s15+$0x4000]  }
0x57: {  	v6 =	vld [tilespmem:s15+$0xC000];
	_ =	sdelay $0x1  }
0x58: {  	s20 =	simm.s32 $0x10  }
0x59: {  	v4 =	vld [tilespmem:s20+$0x10000];
	v1 =	vsub.f32 v1, v2  }
0x5a: {  	v2 =	vld [tilespmem:s20+$0x8000]  }
0x5b: {  	v3 =	vld [tilespmem:s20+$0x4000];
	v7 =	vsub.f32 v5, v6;
	v8 =	vand.u32 $0x7FFFFFFF, v1  }
0x5c: {  	vm0 =	veq.f32 v5, v6;
	v5 =	vld [tilespmem:s20+$0xC000];
	v9 =	vxor.u32 $0x80000000, v8  }
0x5d: {  	s21 =	simm.s32 $0x80;
	v1 =	vimm.f32 $0.0e+00;
	v6 =	vand.u32 $0x7FFFFFFF, v7;
	v7 =	vsel vm0, v9, v8  }
.LBB2_6:
0x5e: {  	s14 =	sshra.s32 s21, $0x2;
	v6 =	vsub.f32 v6, v7;
	p2 =	sne.s32 s21, $0x7FC0  }
.Ltmp4:
0x5f: {  	s21 =	sadd.s32 $0x40, s21;
	v7 =	vsub.f32 v2, v4;
	v2 =	vld [tilespmem:s14+$0x8000];
	(pc) =	sbr.rel @p2 .LBB2_6-.Ltmp4, $4  }
0x60: {  	v4 =	vld [tilespmem:s14+$0x10000];
	v6 =	vmax.f32 v6, $0.0e+00;
	v8 =	vmov v3  }
0x61: {  	v3 =	vld [tilespmem:s14+$0x4000];
	v9 =	vsub.f32 v8, v5;
	v7 =	vand.u32 $0x7FFFFFFF, v7;
	v10 =	vmul.f32 v6, v6  }
0x62: {  	vm0 =	veq.f32 v8, v5;
	v5 =	vld [tilespmem:s14+$0xC000];
	v8 =	vxor.u32 $0x80000000, v7  }
0x63: {  	v6 =	vand.u32 $0x7FFFFFFF, v9;
	v7 =	vsel vm0, v8, v7;
	v1 =	vadd.f32 v10, v1  }
0x64: {  	_ = 	snop  }
0x65: {  	v2 =	vsub.f32 v2, v4;
	_ =	sdelay $0x1  }
0x66: {  	v62 =	vsub.f32 v3, v5;
	v2 =	vand.u32 $0x7FFFFFFF, v2  }
0x67: {  	v6 =	vsub.f32 v6, v7;
	vm0 =	veq.f32 v3, v5;
	v3 =	vxor.u32 $0x80000000, v2  }
0x68: {  	v4 =	vand.u32 $0x7FFFFFFF, v62;
	v2 =	vsel vm0, v3, v2  }
0x69: {  	v3 =	vmax.f32 v6, $0.0e+00;
	v2 =	vsub.f32 v4, v2  }
0x6a: {  	v3 =	vmul.f32 v3, v3  }
0x6b: {  	v63 =	vld [tilespmem:$0x14000];
	v2 =	vmax.f32 v2, $0.0e+00  }
0x6c: {  	v1 =	vadd.f32 v3, v1;
	v2 =	vmul.f32 v2, v2;
	_ =	sdelay $0x1  }
0x6d: {  	v1 =	vadd.f32 v2, v1;
	_ =	sdelay $0x1  }
0x6e: {  	v1 =	vadd.f32 v63, v1;
	_ =	sdelay $0x1  }
0x6f: {  	s14 =	simm.s32 $0x0;
	[tilespmem:$0x14000] =	vst v1  }
0x70: {  	[tilespmem:s14], [sflag:$0x5] =	stream.linear.gather [hbm4b:s11+s14], $0x2000, $0x38;
	[tilespmem:$0x14080] =	vst v63  }
0x71: {  	_ =	swait.ge [sflag:s25], $0x2000  }
0x72: {  	[sflag:s25] =	ssyncset.done $0x0  }
0x73: {  	[sflag:s25] =	ssyncadd.s32 $0xFFFFE000  }
0x74: {  	[tilespmem:s26], [sflag:$0x1] =	stream.linear.gather [hbm4b:s12+s14], $0x2000, $0x38;
	[tilespmem:$0x14080] =	vst v63  }
0x75: {  	_ = 	snop  }
0x76: {  	[tilespmem:s28], [sflag:$0x1] =	stream.linear.gather [hbm4b:s13+s14], $0x2000, $0x38;
	[tilespmem:$0x14080] =	vst v63  }
0x77: {  	s20 =	simm.s32 $0x0;
	s21 =	simm.s32 $0xC000  }
0x78: {  	[tilespmem:s21], [sflag:$0x3] =	stream.indirect.gather [hbm4b:s1+s29], $0x1, s20, s29, $0xb8;
	[tilespmem:$0x14080] =	vst v63  }
0x79: {  	s14 =	simm.s32 $0x10000;
	s21 =	simm.s32 $0x200  }
.LBB2_8:
0x7a: {  	[tilespmem:s14], [sflag:$0x3] =	stream.indirect.gather [hbm4b:s2+s29], $0x1, s20, s29, $0xb8;
	[tilespmem:$0x14080] =	vst v63  }
0x7b: {  	s14 =	smov.u32 s21;
	p2 =	sne.s32 s21, $0x7E00  }
.Ltmp5:
0x7c: {  	s21 =	sadd.s32 $0x200, s21;
	(pc) =	sbr.rel @p2 .LBB2_8-.Ltmp5, $4  }
0x7d: {  	s20 =	sshra.s32 s14, $0x2  }
0x7e: {  	s14 =	sadd.s32 $0xC000, s20  }
0x7f: {  	[tilespmem:s14], [sflag:$0x3] =	stream.indirect.gather [hbm4b:s1+s29], $0x1, s20, s29, $0xb8;
	[tilespmem:$0x14080] =	vst v63  }
0x80: {  	s14 =	sadd.s32 $0x10000, s20  }
0x81: {  	[tilespmem:s14], [sflag:$0x3] =	stream.indirect.gather [hbm4b:s2+s29], $0x1, s20, s29, $0xb8;
	[tilespmem:$0x14080] =	vst v63  }
0x82: {  	_ =	swait.ge [sflag:s18], $0x2000  }
0x83: {  	[sflag:s18] =	ssyncset.done $0x0  }
0x84: {  	[sflag:s18] =	ssyncadd.s32 $0xFFFFE000  }
0x85: {  	_ =	swait.ge [sflag:s18], $0x2000  }
0x86: {  	[sflag:s18] =	ssyncset.done $0x0  }
0x87: {  	[sflag:s18] =	ssyncadd.s32 $0xFFFFE000  }
0x88: {  	_ =	swait.ge [sflag:s19], $0x2000  }
0x89: {  	[sflag:s19] =	ssyncset.done $0x0  }
0x8a: {  	[sflag:s19] =	ssyncadd.s32 $0xFFFFE000  }
0x8b: {  	_ =	swait.ge [sflag:s19], $0x2000  }
0x8c: {  	[sflag:s19] =	ssyncset.done $0x0  }
0x8d: {  	s15 =	simm.s32 $0x0;
	[sflag:s19] =	ssyncadd.s32 $0xFFFFE000  }
0x8e: {  	v1 =	vld [tilespmem:s15+$0xA000]  }
0x8f: {  	v2 =	vld [tilespmem:s15+$0x12000]  }
0x90: {  	v5 =	vld [tilespmem:s15+$0x6000]  }
0x91: {  	v6 =	vld [tilespmem:s15+$0xE000];
	_ =	sdelay $0x1  }
0x92: {  	s20 =	simm.s32 $0x10  }
0x93: {  	v4 =	vld [tilespmem:s20+$0x12000];
	v1 =	vsub.f32 v1, v2  }
0x94: {  	v2 =	vld [tilespmem:s20+$0xA000]  }
0x95: {  	v3 =	vld [tilespmem:s20+$0x6000];
	v7 =	vsub.f32 v5, v6;
	v8 =	vand.u32 $0x7FFFFFFF, v1  }
0x96: {  	vm0 =	veq.f32 v5, v6;
	v5 =	vld [tilespmem:s20+$0xE000];
	v9 =	vxor.u32 $0x80000000, v8  }
0x97: {  	s21 =	simm.s32 $0x80;
	v1 =	vimm.f32 $0.0e+00;
	v6 =	vand.u32 $0x7FFFFFFF, v7;
	v7 =	vsel vm0, v9, v8  }
.LBB2_10:
0x98: {  	s14 =	sshra.s32 s21, $0x2;
	v6 =	vsub.f32 v6, v7;
	p2 =	sne.s32 s21, $0x7FC0  }
.Ltmp6:
0x99: {  	s21 =	sadd.s32 $0x40, s21;
	v7 =	vsub.f32 v2, v4;
	v2 =	vld [tilespmem:s14+$0xA000];
	(pc) =	sbr.rel @p2 .LBB2_10-.Ltmp6, $4  }
0x9a: {  	v4 =	vld [tilespmem:s14+$0x12000];
	v6 =	vmax.f32 v6, $0.0e+00;
	v8 =	vmov v3  }
0x9b: {  	v3 =	vld [tilespmem:s14+$0x6000];
	v9 =	vsub.f32 v8, v5;
	v7 =	vand.u32 $0x7FFFFFFF, v7;
	v10 =	vmul.f32 v6, v6  }
0x9c: {  	vm0 =	veq.f32 v8, v5;
	v5 =	vld [tilespmem:s14+$0xE000];
	v8 =	vxor.u32 $0x80000000, v7  }
0x9d: {  	v6 =	vand.u32 $0x7FFFFFFF, v9;
	v7 =	vsel vm0, v8, v7;
	v1 =	vadd.f32 v10, v1  }
0x9e: {  	_ = 	snop  }
0x9f: {  	v2 =	vsub.f32 v2, v4;
	_ =	sdelay $0x1  }
0xa0: {  	v62 =	vsub.f32 v3, v5;
	v2 =	vand.u32 $0x7FFFFFFF, v2  }
0xa1: {  	v6 =	vsub.f32 v6, v7;
	vm0 =	veq.f32 v3, v5;
	v3 =	vxor.u32 $0x80000000, v2  }
0xa2: {  	v4 =	vand.u32 $0x7FFFFFFF, v62;
	v2 =	vsel vm0, v3, v2  }
0xa3: {  	v3 =	vmax.f32 v6, $0.0e+00;
	v2 =	vsub.f32 v4, v2  }
0xa4: {  	v3 =	vmul.f32 v3, v3  }
0xa5: {  	v63 =	vld [tilespmem:$0x14000];
	v2 =	vmax.f32 v2, $0.0e+00  }
0xa6: {  	v1 =	vadd.f32 v3, v1;
	v2 =	vmul.f32 v2, v2;
	_ =	sdelay $0x1  }
.Ltmp7:
0xa7: {  	v1 =	vadd.f32 v2, v1;
	(pc) =	sbr.rel @p0 .LBB2_15-.Ltmp7, $3  }
0xa8: {  	_ = 	snop  }
0xa9: {  	v1 =	vadd.f32 v63, v1;
	_ =	sdelay $0x1  }
0xaa: {  	[tilespmem:$0x14000] =	vst v1  }
0xab: {  	s14 =	simm.s32 $0x0;
	s15 =	rddreg [dreg:$0x5]  }
0xac: {  	[tilespmem:s30], [sflag:$0x5] =	stream.linear.gather [hbm4b:s15+s14], $0x2000, $0x38;
	[tilespmem:$0x14080] =	vst v63  }
0xad: {  	_ =	swait.ge [sflag:s25], $0x2000  }
0xae: {  	[sflag:s25] =	ssyncset.done $0x0  }
0xaf: {  	s20 =	rddreg [dreg:$0x6];
	[sflag:s25] =	ssyncadd.s32 $0xFFFFE000  }
0xb0: {  	[tilespmem:s31], [sflag:$0x2] =	stream.linear.gather [hbm4b:s20+s14], $0x2000, $0x38;
	[tilespmem:$0x14080] =	vst v63  }
0xb1: {  	_ = 	snop  }
0xb2: {  	[tilespmem:s0], [sflag:$0x2] =	stream.linear.gather [hbm4b:s16+s14], $0x2000, $0x38;
	[tilespmem:$0x14080] =	vst v63  }
0xb3: {  	s21 =	simm.s32 $0xE000;
	s20 =	simm.s32 $0x2000  }
0xb4: {  	[tilespmem:s21], [sflag:$0x4] =	stream.indirect.gather [hbm4b:s1+s29], $0x1, s20, s29, $0xb8;
	[tilespmem:$0x14080] =	vst v63  }
0xb5: {  	s14 =	simm.s32 $0x12000;
	s21 =	simm.s32 $0x200  }
.LBB2_13:
0xb6: {  	[tilespmem:s14], [sflag:$0x4] =	stream.indirect.gather [hbm4b:s2+s29], $0x1, s20, s29, $0xb8;
	[tilespmem:$0x14080] =	vst v63  }
0xb7: {  	s14 =	smov.u32 s21;
	p2 =	sne.s32 s21, $0x7E00  }
.Ltmp8:
0xb8: {  	s21 =	sadd.s32 $0x200, s21;
	(pc) =	sbr.rel @p2 .LBB2_13-.Ltmp8, $4  }
0xb9: {  	s14 =	sshra.s32 s14, $0x2  }
0xba: {  	s15 =	sadd.s32 $0xE000, s14;
	s20 =	sadd.s32 $0x2000, s14  }
0xbb: {  	[tilespmem:s15], [sflag:$0x4] =	stream.indirect.gather [hbm4b:s1+s29], $0x1, s20, s29, $0xb8;
	[tilespmem:$0x14080] =	vst v63  }
0xbc: {  	s14 =	sadd.s32 $0x12000, s14  }
0xbd: {  	[tilespmem:s14], [sflag:$0x4] =	stream.indirect.gather [hbm4b:s2+s29], $0x1, s20, s29, $0xb8;
	[tilespmem:$0x14080] =	vst v63  }
.LBB2_15:
0xbe: {  	_ =	swait.ge [sflag:s3], $0x2000  }
0xbf: {  	[sflag:s3] =	ssyncset.done $0x0  }
0xc0: {  	[sflag:s3] =	ssyncadd.s32 $0xFFFFE000  }
0xc1: {  	_ =	swait.ge [sflag:s3], $0x2000  }
0xc2: {  	[sflag:s3] =	ssyncset.done $0x0  }
0xc3: {  	[sflag:s3] =	ssyncadd.s32 $0xFFFFE000  }
0xc4: {  	_ =	swait.ge [sflag:s17], $0x2000  }
0xc5: {  	[sflag:s17] =	ssyncset.done $0x0  }
0xc6: {  	[sflag:s17] =	ssyncadd.s32 $0xFFFFE000  }
0xc7: {  	_ =	swait.ge [sflag:s17], $0x2000  }
0xc8: {  	[sflag:s17] =	ssyncset.done $0x0  }
0xc9: {  	s14 =	simm.s32 $0x0;
	[sflag:s17] =	ssyncadd.s32 $0xFFFFE000  }
0xca: {  	v1 =	vld [tilespmem:s14+$0x8000]  }
0xcb: {  	v2 =	vld [tilespmem:s14+$0x10000]  }
0xcc: {  	v5 =	vld [tilespmem:s14+$0x4000]  }
0xcd: {  	v6 =	vld [tilespmem:s14+$0xC000];
	_ =	sdelay $0x1  }
0xce: {  	s20 =	simm.s32 $0x10  }
0xcf: {  	v4 =	vld [tilespmem:s20+$0x10000];
	v1 =	vsub.f32 v1, v2  }
0xd0: {  	v2 =	vld [tilespmem:s20+$0x8000]  }
0xd1: {  	v3 =	vld [tilespmem:s20+$0x4000];
	v7 =	vsub.f32 v5, v6;
	v8 =	vand.u32 $0x7FFFFFFF, v1  }
0xd2: {  	vm0 =	veq.f32 v5, v6;
	v5 =	vld [tilespmem:s20+$0xC000];
	v9 =	vxor.u32 $0x80000000, v8  }
0xd3: {  	s21 =	simm.s32 $0x80;
	v1 =	vimm.f32 $0.0e+00;
	v6 =	vand.u32 $0x7FFFFFFF, v7;
	v7 =	vsel vm0, v9, v8  }
.LBB2_16:
0xd4: {  	s14 =	sshra.s32 s21, $0x2;
	v6 =	vsub.f32 v6, v7;
	p2 =	sne.s32 s21, $0x7FC0  }
.Ltmp9:
0xd5: {  	s21 =	sadd.s32 $0x40, s21;
	v7 =	vsub.f32 v2, v4;
	v2 =	vld [tilespmem:s14+$0x8000];
	(pc) =	sbr.rel @p2 .LBB2_16-.Ltmp9, $4  }
0xd6: {  	v4 =	vld [tilespmem:s14+$0x10000];
	v6 =	vmax.f32 v6, $0.0e+00;
	v8 =	vmov v3  }
0xd7: {  	v3 =	vld [tilespmem:s14+$0x4000];
	v9 =	vsub.f32 v8, v5;
	v7 =	vand.u32 $0x7FFFFFFF, v7;
	v10 =	vmul.f32 v6, v6  }
0xd8: {  	vm0 =	veq.f32 v8, v5;
	v5 =	vld [tilespmem:s14+$0xC000];
	v8 =	vxor.u32 $0x80000000, v7  }
0xd9: {  	v6 =	vand.u32 $0x7FFFFFFF, v9;
	v7 =	vsel vm0, v8, v7;
	v1 =	vadd.f32 v10, v1  }
0xda: {  	_ = 	snop  }
0xdb: {  	v2 =	vsub.f32 v2, v4;
	_ =	sdelay $0x1  }
0xdc: {  	v62 =	vsub.f32 v3, v5;
	v2 =	vand.u32 $0x7FFFFFFF, v2  }
0xdd: {  	v6 =	vsub.f32 v6, v7;
	vm0 =	veq.f32 v3, v5;
	v3 =	vxor.u32 $0x80000000, v2  }
0xde: {  	v4 =	vand.u32 $0x7FFFFFFF, v62;
	v2 =	vsel vm0, v3, v2  }
0xdf: {  	v3 =	vmax.f32 v6, $0.0e+00;
	v2 =	vsub.f32 v4, v2  }
0xe0: {  	v3 =	vmul.f32 v3, v3  }
0xe1: {  	v63 =	vld [tilespmem:$0x14000];
	v2 =	vmax.f32 v2, $0.0e+00  }
0xe2: {  	v1 =	vadd.f32 v3, v1;
	v2 =	vmul.f32 v2, v2;
	_ =	sdelay $0x1  }
.Ltmp10:
0xe3: {  	v1 =	vadd.f32 v2, v1;
	(pc) =	sbr.rel @p0 .LBB2_21-.Ltmp10, $3  }
0xe4: {  	_ = 	snop  }
0xe5: {  	v1 =	vadd.f32 v63, v1;
	_ =	sdelay $0x1  }
0xe6: {  	[tilespmem:$0x14000] =	vst v1  }
0xe7: {  	_ =	swait.ge [sflag:s18], $0x2000  }
0xe8: {  	[sflag:s18] =	ssyncset.done $0x0  }
0xe9: {  	[sflag:s18] =	ssyncadd.s32 $0xFFFFE000  }
0xea: {  	_ =	swait.ge [sflag:s18], $0x2000  }
0xeb: {  	[sflag:s18] =	ssyncset.done $0x0  }
0xec: {  	[sflag:s18] =	ssyncadd.s32 $0xFFFFE000  }
0xed: {  	_ =	swait.ge [sflag:s19], $0x2000  }
0xee: {  	[sflag:s19] =	ssyncset.done $0x0  }
0xef: {  	[sflag:s19] =	ssyncadd.s32 $0xFFFFE000  }
0xf0: {  	_ =	swait.ge [sflag:s19], $0x2000  }
0xf1: {  	[sflag:s19] =	ssyncset.done $0x0  }
0xf2: {  	s14 =	simm.s32 $0x0;
	[sflag:s19] =	ssyncadd.s32 $0xFFFFE000  }
0xf3: {  	v2 =	vld [tilespmem:s14+$0xA000]  }
0xf4: {  	v3 =	vld [tilespmem:s14+$0x12000]  }
0xf5: {  	v6 =	vld [tilespmem:s14+$0x6000]  }
0xf6: {  	v7 =	vld [tilespmem:s14+$0xE000];
	_ =	sdelay $0x1  }
0xf7: {  	s20 =	simm.s32 $0x10  }
0xf8: {  	v5 =	vld [tilespmem:s20+$0x12000];
	v2 =	vsub.f32 v2, v3  }
0xf9: {  	v3 =	vld [tilespmem:s20+$0xA000]  }
0xfa: {  	v4 =	vld [tilespmem:s20+$0x6000];
	v8 =	vsub.f32 v6, v7;
	v9 =	vand.u32 $0x7FFFFFFF, v2  }
0xfb: {  	vm0 =	veq.f32 v6, v7;
	v6 =	vld [tilespmem:s20+$0xE000];
	v10 =	vxor.u32 $0x80000000, v9  }
0xfc: {  	s21 =	simm.s32 $0x80;
	v2 =	vimm.f32 $0.0e+00;
	v7 =	vand.u32 $0x7FFFFFFF, v8;
	v8 =	vsel vm0, v10, v9  }
.LBB2_19:
0xfd: {  	s14 =	sshra.s32 s21, $0x2;
	v7 =	vsub.f32 v7, v8;
	p2 =	sne.s32 s21, $0x7FC0  }
.Ltmp11:
0xfe: {  	s21 =	sadd.s32 $0x40, s21;
	v8 =	vsub.f32 v3, v5;
	v3 =	vld [tilespmem:s14+$0xA000];
	(pc) =	sbr.rel @p2 .LBB2_19-.Ltmp11, $4  }
0xff: {  	v5 =	vld [tilespmem:s14+$0x12000];
	v7 =	vmax.f32 v7, $0.0e+00;
	v9 =	vmov v4  }
0x100: {  	v4 =	vld [tilespmem:s14+$0x6000];
	v10 =	vsub.f32 v9, v6;
	v8 =	vand.u32 $0x7FFFFFFF, v8;
	v11 =	vmul.f32 v7, v7  }
0x101: {  	vm0 =	veq.f32 v9, v6;
	v6 =	vld [tilespmem:s14+$0xE000];
	v9 =	vxor.u32 $0x80000000, v8  }
0x102: {  	v7 =	vand.u32 $0x7FFFFFFF, v10;
	v8 =	vsel vm0, v9, v8;
	v2 =	vadd.f32 v11, v2  }
0x103: {  	_ = 	snop  }
0x104: {  	v3 =	vsub.f32 v3, v5;
	_ =	sdelay $0x1  }
0x105: {  	v61 =	vsub.f32 v4, v6;
	v3 =	vand.u32 $0x7FFFFFFF, v3  }
0x106: {  	v7 =	vsub.f32 v7, v8;
	vm0 =	veq.f32 v4, v6;
	v62 =	vxor.u32 $0x80000000, v3  }
0x107: {  	v5 =	vand.u32 $0x7FFFFFFF, v61;
	v3 =	vsel vm0, v62, v3  }
0x108: {  	v63 =	vmax.f32 v7, $0.0e+00;
	v3 =	vsub.f32 v5, v3  }
0x109: {  	v4 =	vmul.f32 v63, v63  }
0x10a: {  	v3 =	vmax.f32 v3, $0.0e+00  }
0x10b: {  	v2 =	vadd.f32 v4, v2;
	v3 =	vmul.f32 v3, v3  }
.Ltmp12:
0x10c: {  	_ = 	snop;
	(pc) =	sbr.rel .LBB2_23-.Ltmp12, $2  }
0x10d: {  	v2 =	vadd.f32 v3, v2;
	_ =	sdelay $0x1  }
0x10e: {  	v1 =	vadd.f32 v2, v1;
	_ =	sdelay $0x1  }
.LBB2_21:
.Ltmp13:
0x10f: {  	(pc) =	sbr.rel @p1 .LBB2_24-.Ltmp13, $1  }
0x110: {  	_ =	sdelay $0x3  }
0x111: {  	s14 =	rddreg [dreg:$0x7]  }
0x112: {  	[tilespmem:s4], [sflag:$0x5] =	stream.linear.gather [hbm4b:s14+s4], $0x200, $0x38;
	[tilespmem:$0x14080] =	vst v63  }
0x113: {  	_ =	swait.ge [sflag:s25], $0x200  }
0x114: {  	[sflag:s25] =	ssyncset.done $0x0  }
0x115: {  	s21 =	rddreg [dreg:$0x8];
	[sflag:s25] =	ssyncadd.s32 $0xFFFFFE00  }
0x116: {  	[tilespmem:s26], [sflag:$0x1] =	stream.linear.gather [hbm4b:s21+s4], $0x200, $0x38;
	[tilespmem:$0x14080] =	vst v63  }
0x117: {  	s15 =	rddreg [dreg:$0x9]  }
0x118: {  	[tilespmem:s28], [sflag:$0x1] =	stream.linear.gather [hbm4b:s15+s4], $0x200, $0x38;
	[tilespmem:$0x14080] =	vst v63  }
0x119: {  	s20 =	rddreg [dreg:$0xa];
	s15 =	simm.s32 $0x200  }
0x11a: {  	[tilespmem:s15], [sflag:$0x5] =	stream.linear.gather [hbm4b:s20+s4], $0x80, $0x38;
	[tilespmem:$0x14080] =	vst v63  }
0x11b: {  	_ =	swait.ge [sflag:s25], $0x80  }
0x11c: {  	[sflag:s25] =	ssyncset.done $0x0  }
0x11d: {  	s20 =	simm.s32 $0x4200;
	s21 =	rddreg [dreg:$0xb];
	[sflag:s25] =	ssyncadd.s32 $0xFFFFFF80  }
0x11e: {  	[tilespmem:s20], [sflag:$0x1] =	stream.linear.gather [hbm4b:s21+s4], $0x80, $0x38;
	[tilespmem:$0x14080] =	vst v63  }
0x11f: {  	s20 =	rddreg [dreg:$0xc];
	s21 =	simm.s32 $0x8200  }
0x120: {  	[tilespmem:s21], [sflag:$0x1] =	stream.linear.gather [hbm4b:s20+s4], $0x80, $0x38;
	[tilespmem:$0x14080] =	vst v63  }
0x121: {  	s21 =	simm.s32 $0xC000  }
0x122: {  	[tilespmem:s21], [sflag:$0x3] =	stream.indirect.gather [hbm4b:s1+s29], $0x1, s4, s29, $0xb8;
	[tilespmem:$0x14080] =	vst v63  }
0x123: {  	s20 =	simm.s32 $0x10000  }
0x124: {  	[tilespmem:s20], [sflag:$0x3] =	stream.indirect.gather [hbm4b:s2+s29], $0x1, s4, s29, $0xb8;
	[tilespmem:$0x14080] =	vst v63  }
0x125: {  	s21 =	simm.s32 $0xC080  }
0x126: {  	[tilespmem:s21], [sflag:$0x3] =	stream.indirect.gather [hbm4b:s1+s29], $0x1, s29, s29, $0xb8;
	[tilespmem:$0x14080] =	vst v63  }
0x127: {  	s20 =	simm.s32 $0x10080  }
0x128: {  	[tilespmem:s20], [sflag:$0x3] =	stream.indirect.gather [hbm4b:s2+s29], $0x1, s29, s29, $0xb8;
	[tilespmem:$0x14080] =	vst v63  }
0x129: {  	s14 =	simm.s32 $0x100;
	s21 =	simm.s32 $0xC100  }
0x12a: {  	[tilespmem:s21], [sflag:$0x3] =	stream.indirect.gather [hbm4b:s1+s29], $0x1, s14, s29, $0xb8;
	[tilespmem:$0x14080] =	vst v63  }
0x12b: {  	s21 =	simm.s32 $0x10100  }
0x12c: {  	[tilespmem:s21], [sflag:$0x3] =	stream.indirect.gather [hbm4b:s2+s29], $0x1, s14, s29, $0xb8;
	[tilespmem:$0x14080] =	vst v63  }
0x12d: {  	s14 =	simm.s32 $0x180;
	s21 =	simm.s32 $0xC180  }
0x12e: {  	[tilespmem:s21], [sflag:$0x3] =	stream.indirect.gather [hbm4b:s1+s29], $0x1, s14, s29, $0xb8;
	[tilespmem:$0x14080] =	vst v63  }
0x12f: {  	s21 =	simm.s32 $0x10180  }
0x130: {  	[tilespmem:s21], [sflag:$0x3] =	stream.indirect.gather [hbm4b:s2+s29], $0x1, s14, s29, $0xb8;
	[tilespmem:$0x14080] =	vst v63  }
0x131: {  	s20 =	simm.s32 $0xC200  }
0x132: {  	[tilespmem:s20], [sflag:$0x3] =	stream.indirect.gather [hbm4b:s1+s29], $0x1, s15, s29, $0xb8;
	[tilespmem:$0x14080] =	vst v63  }
0x133: {  	s21 =	simm.s32 $0x10200  }
0x134: {  	[tilespmem:s21], [sflag:$0x3] =	stream.indirect.gather [hbm4b:s2+s29], $0x1, s15, s29, $0xb8;
	[tilespmem:$0x14080] =	vst v63  }
0x135: {  	_ =	swait.ge [sflag:s3], $0x200  }
0x136: {  	[sflag:s3] =	ssyncset.done $0x0  }
0x137: {  	[sflag:s3] =	ssyncadd.s32 $0xFFFFFE00  }
0x138: {  	_ =	swait.ge [sflag:s3], $0x200  }
0x139: {  	[sflag:s3] =	ssyncset.done $0x0  }
0x13a: {  	[sflag:s3] =	ssyncadd.s32 $0xFFFFFE00  }
0x13b: {  	_ =	swait.ge [sflag:s3], $0x80  }
0x13c: {  	[sflag:s3] =	ssyncset.done $0x0  }
0x13d: {  	[sflag:s3] =	ssyncadd.s32 $0xFFFFFF80  }
0x13e: {  	_ =	swait.ge [sflag:s3], $0x80  }
0x13f: {  	[sflag:s3] =	ssyncset.done $0x0  }
0x140: {  	[sflag:s3] =	ssyncadd.s32 $0xFFFFFF80  }
0x141: {  	_ =	swait.ge [sflag:s17], $0x80  }
0x142: {  	[sflag:s17] =	ssyncset.done $0x0  }
0x143: {  	[sflag:s17] =	ssyncadd.s32 $0xFFFFFF80  }
0x144: {  	_ =	swait.ge [sflag:s17], $0x80  }
0x145: {  	[sflag:s17] =	ssyncset.done $0x0  }
0x146: {  	[sflag:s17] =	ssyncadd.s32 $0xFFFFFF80  }
0x147: {  	_ =	swait.ge [sflag:s17], $0x80  }
0x148: {  	[sflag:s17] =	ssyncset.done $0x0  }
0x149: {  	[sflag:s17] =	ssyncadd.s32 $0xFFFFFF80  }
0x14a: {  	_ =	swait.ge [sflag:s17], $0x80  }
0x14b: {  	[sflag:s17] =	ssyncset.done $0x0  }
0x14c: {  	[sflag:s17] =	ssyncadd.s32 $0xFFFFFF80  }
0x14d: {  	_ =	swait.ge [sflag:s17], $0x80  }
0x14e: {  	[sflag:s17] =	ssyncset.done $0x0  }
0x14f: {  	[sflag:s17] =	ssyncadd.s32 $0xFFFFFF80  }
0x150: {  	_ =	swait.ge [sflag:s17], $0x80  }
0x151: {  	[sflag:s17] =	ssyncset.done $0x0  }
0x152: {  	[sflag:s17] =	ssyncadd.s32 $0xFFFFFF80  }
0x153: {  	_ =	swait.ge [sflag:s17], $0x80  }
0x154: {  	[sflag:s17] =	ssyncset.done $0x0  }
0x155: {  	[sflag:s17] =	ssyncadd.s32 $0xFFFFFF80  }
0x156: {  	_ =	swait.ge [sflag:s17], $0x80  }
0x157: {  	[sflag:s17] =	ssyncset.done $0x0  }
0x158: {  	[sflag:s17] =	ssyncadd.s32 $0xFFFFFF80  }
0x159: {  	_ =	swait.ge [sflag:s17], $0x80  }
0x15a: {  	[sflag:s17] =	ssyncset.done $0x0  }
0x15b: {  	[sflag:s17] =	ssyncadd.s32 $0xFFFFFF80  }
0x15c: {  	_ =	swait.ge [sflag:s17], $0x80  }
0x15d: {  	[sflag:s17] =	ssyncset.done $0x0  }
0x15e: {  	[sflag:s17] =	ssyncadd.s32 $0xFFFFFF80  }
0x15f: {  	v1 =	vld [tilespmem:$0x4000]  }
0x160: {  	v2 =	vld [tilespmem:$0xC000]  }
0x161: {  	v3 =	vld [tilespmem:$0x8000]  }
0x162: {  	v4 =	vld [tilespmem:$0x10000]  }
0x163: {  	v5 =	vld [tilespmem:$0x8010]  }
0x164: {  	v6 =	vld [tilespmem:$0x10010]  }
0x165: {  	v7 =	vld [tilespmem:$0x4010]  }
0x166: {  	v8 =	vld [tilespmem:$0xC010]  }
0x167: {  	v9 =	vld [tilespmem:$0x8020];
	v3 =	vsub.f32 v3, v4  }
0x168: {  	v36 =	vld [tilespmem:$0x10020];
	v35 =	vsub.f32 v1, v2  }
0x169: {  	v37 =	vld [tilespmem:$0x4020];
	v5 =	vsub.f32 v5, v6;
	v3 =	vand.u32 $0x7FFFFFFF, v3  }
0x16a: {  	v10 =	vld [tilespmem:$0xC020];
	vm0 =	veq.f32 v1, v2;
	v1 =	vand.u32 $0x7FFFFFFF, v35;
	v2 =	vxor.u32 $0x80000000, v3  }
0x16b: {  	v38 =	vld [tilespmem:$0x8030];
	v5 =	vand.u32 $0x7FFFFFFF, v5;
	v2 =	vsel vm0, v2, v3;
	v3 =	vsub.f32 v7, v8  }
0x16c: {  	v39 =	vld [tilespmem:$0x10030];
	vm5 =	veq.f32 v7, v8;
	v1 =	vsub.f32 v1, v2;
	v2 =	vxor.u32 $0x80000000, v5  }
0x16d: {  	v3 =	vand.u32 $0x7FFFFFFF, v3;
	v2 =	vsel vm5, v2, v5  }
0x16e: {  	v40 =	vld [tilespmem:$0x4030];
	v2 =	vsub.f32 v3, v2;
	v3 =	vsub.f32 v9, v36  }
0x16f: {  	v41 =	vld [tilespmem:$0xC030]  }
0x170: {  	v44 =	vld [tilespmem:$0x8040];
	v42 =	vsub.f32 v37, v10;
	vm6 =	veq.f32 v37, v10;
	v3 =	vand.u32 $0x7FFFFFFF, v3  }
0x171: {  	v46 =	vld [tilespmem:$0x10040];
	v45 =	vsub.f32 v38, v39;
	v1 =	vmax.f32 v1, $0.0e+00;
	v43 =	vxor.u32 $0x80000000, v3  }
0x172: {  	v47 =	vld [tilespmem:$0x4040];
	v9 =	vand.u32 $0x7FFFFFFF, v42;
	v2 =	vmax.f32 v2, $0.0e+00;
	v3 =	vsel vm6, v43, v3  }
0x173: {  	v48 =	vld [tilespmem:$0xC040];
	v1 =	vmul.f32 v1, v1;
	v2 =	vmul.f32 v2, v2;
	v3 =	vsub.f32 v9, v3  }
0x174: {  	v50 =	vld [tilespmem:$0x8050];
	v4 =	vand.u32 $0x7FFFFFFF, v45  }
0x175: {  	v51 =	vld [tilespmem:$0x10050];
	v1 =	vadd.f32 v2, v1;
	v2 =	vsub.f32 v40, v41;
	v3 =	vmax.f32 v3, $0.0e+00  }
0x176: {  	vm7 =	veq.f32 v40, v41;
	v49 =	vxor.u32 $0x80000000, v4;
	v3 =	vmul.f32 v3, v3  }
0x177: {  	v53 =	vld [tilespmem:$0x4050];
	v4 =	vsel vm7, v49, v4;
	v2 =	vand.u32 $0x7FFFFFFF, v2  }
0x178: {  	v2 =	vsub.f32 v2, v4;
	v1 =	vadd.f32 v3, v1;
	v3 =	vld [tilespmem:$0xC050]  }
0x179: {  	v56 =	vld [tilespmem:$0x8060];
	v52 =	vsub.f32 v44, v46  }
0x17a: {  	v57 =	vld [tilespmem:$0x10060];
	v54 =	vsub.f32 v47, v48;
	v6 =	vsub.f32 v50, v51;
	v2 =	vmax.f32 v2, $0.0e+00  }
0x17b: {  	v58 =	vld [tilespmem:$0x4060];
	vm8 =	veq.f32 v47, v48;
	v2 =	vmul.f32 v2, v2  }
0x17c: {  	v59 =	vld [tilespmem:$0xC060];
	v10 =	vand.u32 $0x7FFFFFFF, v54;
	v6 =	vand.u32 $0x7FFFFFFF, v6;
	v4 =	vand.u32 $0x7FFFFFFF, v52  }
0x17d: {  	v60 =	vld [tilespmem:$0x8070];
	v55 =	vxor.u32 $0x80000000, v4;
	v1 =	vadd.f32 v2, v1;
	v2 =	vsub.f32 v53, v3  }
0x17e: {  	v61 =	vld [tilespmem:$0x10070];
	v4 =	vsel vm8, v55, v4;
	vm9 =	veq.f32 v53, v3;
	v3 =	vxor.u32 $0x80000000, v6  }
0x17f: {  	v4 =	vsub.f32 v10, v4;
	v3 =	vsel vm9, v3, v6;
	v2 =	vand.u32 $0x7FFFFFFF, v2  }
0x180: {  	v62 =	vld [tilespmem:$0x4070];
	v2 =	vsub.f32 v2, v3;
	v3 =	vsub.f32 v56, v57  }
0x181: {  	v63 =	vld [tilespmem:$0xC070];
	v12 =	vsub.f32 v58, v59  }
0x182: {  	v14 =	vld [tilespmem:$0x8080];
	vm10 =	veq.f32 v58, v59;
	v4 =	vmax.f32 v4, $0.0e+00;
	v3 =	vand.u32 $0x7FFFFFFF, v3  }
0x183: {  	v15 =	vld [tilespmem:$0x10080];
	v5 =	vsub.f32 v60, v61;
	v4 =	vmul.f32 v4, v4;
	v13 =	vxor.u32 $0x80000000, v3  }
0x184: {  	v16 =	vld [tilespmem:$0x4080];
	v9 =	vand.u32 $0x7FFFFFFF, v12;
	v2 =	vmax.f32 v2, $0.0e+00;
	v3 =	vsel vm10, v13, v3  }
0x185: {  	v17 =	vld [tilespmem:$0xC080];
	v1 =	vadd.f32 v4, v1;
	v2 =	vmul.f32 v2, v2;
	v3 =	vsub.f32 v9, v3  }
0x186: {  	v19 =	vld [tilespmem:$0x8090];
	v5 =	vand.u32 $0x7FFFFFFF, v5  }
0x187: {  	v20 =	vld [tilespmem:$0x10090];
	v1 =	vadd.f32 v2, v1;
	v2 =	vsub.f32 v62, v63;
	v3 =	vmax.f32 v3, $0.0e+00  }
0x188: {  	vm11 =	veq.f32 v62, v63;
	v18 =	vxor.u32 $0x80000000, v5;
	v3 =	vmul.f32 v3, v3  }
0x189: {  	v22 =	vld [tilespmem:$0x4090];
	v4 =	vsel vm11, v18, v5;
	v2 =	vand.u32 $0x7FFFFFFF, v2  }
0x18a: {  	v2 =	vsub.f32 v2, v4;
	v1 =	vadd.f32 v3, v1;
	v3 =	vld [tilespmem:$0xC090]  }
0x18b: {  	v25 =	vld [tilespmem:$0x80A0];
	v21 =	vsub.f32 v14, v15  }
0x18c: {  	v26 =	vld [tilespmem:$0x100A0];
	v23 =	vsub.f32 v16, v17;
	v5 =	vsub.f32 v19, v20;
	v2 =	vmax.f32 v2, $0.0e+00  }
0x18d: {  	v27 =	vld [tilespmem:$0x40A0];
	vm12 =	veq.f32 v16, v17;
	v2 =	vmul.f32 v2, v2  }
0x18e: {  	v28 =	vld [tilespmem:$0xC0A0];
	v10 =	vand.u32 $0x7FFFFFFF, v23;
	v5 =	vand.u32 $0x7FFFFFFF, v5;
	v4 =	vand.u32 $0x7FFFFFFF, v21  }
0x18f: {  	v24 =	vxor.u32 $0x80000000, v4;
	v1 =	vadd.f32 v2, v1;
	v2 =	vsub.f32 v22, v3  }
0x190: {  	v29 =	vld [tilespmem:$0x80B0];
	v4 =	vsel vm12, v24, v4;
	vm13 =	veq.f32 v22, v3;
	v3 =	vxor.u32 $0x80000000, v5  }
0x191: {  	v30 =	vld [tilespmem:$0x100B0];
	v4 =	vsub.f32 v10, v4;
	v3 =	vsel vm13, v3, v5;
	v2 =	vand.u32 $0x7FFFFFFF, v2  }
0x192: {  	v31 =	vld [tilespmem:$0x40B0];
	v2 =	vsub.f32 v2, v3;
	v3 =	vsub.f32 v25, v26  }
0x193: {  	v32 =	vld [tilespmem:$0xC0B0];
	v33 =	vsub.f32 v27, v28  }
0x194: {  	vm14 =	veq.f32 v27, v28;
	v37 =	vld [tilespmem:$0x40C0];
	v4 =	vmax.f32 v4, $0.0e+00;
	v3 =	vand.u32 $0x7FFFFFFF, v3  }
0x195: {  	v38 =	vld [tilespmem:$0xC0C0];
	v9 =	vand.u32 $0x7FFFFFFF, v33;
	v4 =	vmul.f32 v4, v4;
	v34 =	vxor.u32 $0x80000000, v3  }
0x196: {  	v35 =	vld [tilespmem:$0x80C0];
	v5 =	vsub.f32 v29, v30;
	v2 =	vmax.f32 v2, $0.0e+00;
	v3 =	vsel vm14, v34, v3  }
0x197: {  	v36 =	vld [tilespmem:$0x100C0];
	v1 =	vadd.f32 v4, v1;
	v2 =	vmul.f32 v2, v2;
	v3 =	vsub.f32 v9, v3  }
0x198: {  	v40 =	vld [tilespmem:$0x80D0];
	v5 =	vand.u32 $0x7FFFFFFF, v5  }
0x199: {  	v41 =	vld [tilespmem:$0x100D0];
	v1 =	vadd.f32 v2, v1;
	v2 =	vsub.f32 v31, v32;
	v3 =	vmax.f32 v3, $0.0e+00  }
0x19a: {  	v11 =	vld [tilespmem:$0x4180];
	vm15 =	veq.f32 v31, v32;
	v39 =	vxor.u32 $0x80000000, v5;
	v3 =	vmul.f32 v3, v3  }
0x19b: {  	v43 =	vld [tilespmem:$0x40D0];
	v4 =	vsel vm15, v39, v5;
	v2 =	vand.u32 $0x7FFFFFFF, v2  }
0x19c: {  	v2 =	vsub.f32 v2, v4;
	v1 =	vadd.f32 v3, v1;
	v3 =	vld [tilespmem:$0xC0D0]  }
0x19d: {  	v46 =	vld [tilespmem:$0x80E0];
	v44 =	vsub.f32 v37, v38  }
0x19e: {  	v47 =	vld [tilespmem:$0x100E0];
	v42 =	vsub.f32 v35, v36;
	v5 =	vsub.f32 v40, v41;
	v2 =	vmax.f32 v2, $0.0e+00  }
0x19f: {  	v48 =	vld [tilespmem:$0x40E0];
	vm4 =	veq.f32 v37, v38;
	v2 =	vmul.f32 v2, v2  }
0x1a0: {  	v49 =	vld [tilespmem:$0xC0E0];
	v10 =	vand.u32 $0x7FFFFFFF, v44;
	v5 =	vand.u32 $0x7FFFFFFF, v5;
	v4 =	vand.u32 $0x7FFFFFFF, v42  }
0x1a1: {  	v50 =	vld [tilespmem:$0x80F0];
	v45 =	vxor.u32 $0x80000000, v4;
	v1 =	vadd.f32 v2, v1;
	v2 =	vsub.f32 v43, v3  }
0x1a2: {  	v51 =	vld [tilespmem:$0x100F0];
	v4 =	vsel vm4, v45, v4;
	vm5 =	veq.f32 v43, v3;
	v3 =	vxor.u32 $0x80000000, v5  }
0x1a3: {  	v58 =	vld [tilespmem:$0x4100];
	v4 =	vsub.f32 v10, v4;
	v3 =	vsel vm5, v3, v5;
	v2 =	vand.u32 $0x7FFFFFFF, v2  }
0x1a4: {  	v59 =	vld [tilespmem:$0xC100];
	v2 =	vsub.f32 v2, v3;
	v3 =	vsub.f32 v46, v47  }
0x1a5: {  	v54 =	vsub.f32 v48, v49;
	v52 =	vld [tilespmem:$0x40F0]  }
0x1a6: {  	vm6 =	veq.f32 v48, v49;
	v53 =	vld [tilespmem:$0xC0F0];
	v4 =	vmax.f32 v4, $0.0e+00;
	v3 =	vand.u32 $0x7FFFFFFF, v3  }
0x1a7: {  	v15 =	vld [tilespmem:$0x8120];
	v9 =	vand.u32 $0x7FFFFFFF, v54;
	v4 =	vmul.f32 v4, v4;
	v55 =	vxor.u32 $0x80000000, v3  }
0x1a8: {  	v61 =	vld [tilespmem:$0x8110];
	v5 =	vsub.f32 v50, v51;
	v2 =	vmax.f32 v2, $0.0e+00;
	v3 =	vsel vm6, v55, v3  }
0x1a9: {  	v56 =	vld [tilespmem:$0x8100];
	v1 =	vadd.f32 v4, v1;
	v2 =	vmul.f32 v2, v2;
	v3 =	vsub.f32 v9, v3  }
0x1aa: {  	v57 =	vld [tilespmem:$0x10100];
	v5 =	vand.u32 $0x7FFFFFFF, v5  }
0x1ab: {  	v62 =	vld [tilespmem:$0x10110];
	v1 =	vadd.f32 v2, v1;
	v2 =	vsub.f32 v52, v53;
	v3 =	vmax.f32 v3, $0.0e+00  }
0x1ac: {  	v16 =	vld [tilespmem:$0x10120];
	vm7 =	veq.f32 v52, v53;
	v60 =	vxor.u32 $0x80000000, v5;
	v3 =	vmul.f32 v3, v3  }
0x1ad: {  	v12 =	vld [tilespmem:$0x4110];
	v4 =	vsel vm7, v60, v5;
	v2 =	vand.u32 $0x7FFFFFFF, v2  }
0x1ae: {  	v2 =	vsub.f32 v2, v4;
	v1 =	vadd.f32 v3, v1;
	v3 =	vld [tilespmem:$0xC110]  }
0x1af: {  	v17 =	vld [tilespmem:$0x4120];
	v13 =	vsub.f32 v58, v59  }
0x1b0: {  	v27 =	vld [tilespmem:$0x4140];
	v63 =	vsub.f32 v56, v57;
	v5 =	vsub.f32 v61, v62;
	v2 =	vmax.f32 v2, $0.0e+00  }
0x1b1: {  	v28 =	vld [tilespmem:$0xC140];
	vm8 =	veq.f32 v58, v59;
	v2 =	vmul.f32 v2, v2  }
0x1b2: {  	v18 =	vld [tilespmem:$0xC120];
	v10 =	vand.u32 $0x7FFFFFFF, v13;
	v5 =	vand.u32 $0x7FFFFFFF, v5;
	v4 =	vand.u32 $0x7FFFFFFF, v63  }
0x1b3: {  	v37 =	vld [tilespmem:$0x10160];
	v14 =	vxor.u32 $0x80000000, v4;
	v1 =	vadd.f32 v2, v1;
	v2 =	vsub.f32 v12, v3  }
0x1b4: {  	v19 =	vld [tilespmem:$0x8130];
	v4 =	vsel vm8, v14, v4;
	vm9 =	veq.f32 v12, v3;
	v3 =	vxor.u32 $0x80000000, v5  }
0x1b5: {  	v20 =	vld [tilespmem:$0x10130];
	v4 =	vsub.f32 v10, v4;
	v3 =	vsel vm9, v3, v5;
	v2 =	vand.u32 $0x7FFFFFFF, v2  }
0x1b6: {  	v38 =	vld [tilespmem:$0x4160];
	v2 =	vsub.f32 v2, v3;
	v3 =	vsub.f32 v15, v16  }
0x1b7: {  	v23 =	vsub.f32 v17, v18;
	v21 =	vld [tilespmem:$0x4130]  }
0x1b8: {  	vm10 =	veq.f32 v17, v18;
	v22 =	vld [tilespmem:$0xC130];
	v4 =	vmax.f32 v4, $0.0e+00;
	v3 =	vand.u32 $0x7FFFFFFF, v3  }
0x1b9: {  	v48 =	vld [tilespmem:$0xC180];
	v9 =	vand.u32 $0x7FFFFFFF, v23;
	v4 =	vmul.f32 v4, v4;
	v24 =	vxor.u32 $0x80000000, v3  }
0x1ba: {  	v30 =	vld [tilespmem:$0x8150];
	v5 =	vsub.f32 v19, v20;
	v2 =	vmax.f32 v2, $0.0e+00;
	v3 =	vsel vm10, v24, v3  }
0x1bb: {  	v25 =	vld [tilespmem:$0x8140];
	v1 =	vadd.f32 v4, v1;
	v2 =	vmul.f32 v2, v2;
	v3 =	vsub.f32 v9, v3  }
0x1bc: {  	v26 =	vld [tilespmem:$0x10140];
	v5 =	vand.u32 $0x7FFFFFFF, v5  }
0x1bd: {  	v31 =	vld [tilespmem:$0x10150];
	v1 =	vadd.f32 v2, v1;
	v2 =	vsub.f32 v21, v22;
	v3 =	vmax.f32 v3, $0.0e+00  }
0x1be: {  	v36 =	vld [tilespmem:$0x8160];
	vm11 =	veq.f32 v21, v22;
	v29 =	vxor.u32 $0x80000000, v5;
	v3 =	vmul.f32 v3, v3  }
0x1bf: {  	v33 =	vld [tilespmem:$0x4150];
	v4 =	vsel vm11, v29, v5;
	v2 =	vand.u32 $0x7FFFFFFF, v2  }
0x1c0: {  	v2 =	vsub.f32 v2, v4;
	v1 =	vadd.f32 v3, v1;
	v3 =	vld [tilespmem:$0xC150]  }
0x1c1: {  	v39 =	vld [tilespmem:$0xC160];
	v32 =	vsub.f32 v25, v26  }
0x1c2: {  	v40 =	vld [tilespmem:$0x8170];
	v34 =	vsub.f32 v27, v28;
	v5 =	vsub.f32 v30, v31;
	v2 =	vmax.f32 v2, $0.0e+00  }
0x1c3: {  	vm12 =	veq.f32 v27, v28;
	v41 =	vld [tilespmem:$0x10170];
	v4 =	vand.u32 $0x7FFFFFFF, v32;
	v2 =	vmul.f32 v2, v2  }
0x1c4: {  	v42 =	vld [tilespmem:$0x4170];
	v10 =	vand.u32 $0x7FFFFFFF, v34;
	v5 =	vand.u32 $0x7FFFFFFF, v5;
	v35 =	vxor.u32 $0x80000000, v4  }
0x1c5: {  	v43 =	vld [tilespmem:$0xC170];
	v4 =	vsel vm12, v35, v4;
	v1 =	vadd.f32 v2, v1;
	v2 =	vsub.f32 v33, v3  }
0x1c6: {  	v49 =	vld [tilespmem:$0x4190];
	v4 =	vsub.f32 v10, v4;
	vm13 =	veq.f32 v33, v3;
	v3 =	vxor.u32 $0x80000000, v5  }
0x1c7: {  	v58 =	vld [tilespmem:$0x101A0];
	v3 =	vsel vm13, v3, v5;
	v2 =	vand.u32 $0x7FFFFFFF, v2  }
0x1c8: {  	v59 =	vld [tilespmem:$0x41B0];
	v44 =	vsub.f32 v38, v39;
	v4 =	vmax.f32 v4, $0.0e+00;
	v2 =	vsub.f32 v2, v3  }
0x1c9: {  	vm14 =	veq.f32 v38, v39;
	v46 =	vld [tilespmem:$0x8180];
	v4 =	vmul.f32 v4, v4;
	v3 =	vsub.f32 v36, v37  }
0x1ca: {  	v47 =	vld [tilespmem:$0x10180];
	vm15 =	veq.f32 v42, v43;
	v5 =	vsub.f32 v40, v41;
	v2 =	vmax.f32 v2, $0.0e+00  }
0x1cb: {  	v17 =	vld [tilespmem:$0xC1C0];
	v1 =	vadd.f32 v4, v1;
	v3 =	vand.u32 $0x7FFFFFFF, v3;
	v2 =	vmul.f32 v2, v2  }
0x1cc: {  	v51 =	vld [tilespmem:$0x8190];
	v9 =	vand.u32 $0x7FFFFFFF, v44;
	v5 =	vand.u32 $0x7FFFFFFF, v5;
	v45 =	vxor.u32 $0x80000000, v3  }
0x1cd: {  	v52 =	vld [tilespmem:$0x10190];
	v3 =	vsel vm14, v45, v3;
	v1 =	vadd.f32 v2, v1;
	v2 =	vsub.f32 v42, v43  }
0x1ce: {  	v57 =	vld [tilespmem:$0x81A0];
	v55 =	vsub.f32 v11, v48;
	v50 =	vxor.u32 $0x80000000, v5;
	v3 =	vsub.f32 v9, v3  }
0x1cf: {  	v28 =	vld [tilespmem:$0xC1E0];
	v53 =	vsub.f32 v46, v47;
	v4 =	vsel vm15, v50, v5;
	v2 =	vand.u32 $0x7FFFFFFF, v2  }
0x1d0: {  	v54 =	vld [tilespmem:$0xC190];
	vm4 =	veq.f32 v11, v48;
	v3 =	vmax.f32 v3, $0.0e+00;
	v2 =	vsub.f32 v2, v4  }
0x1d1: {  	v62 =	vld [tilespmem:$0x81B0];
	v10 =	vand.u32 $0x7FFFFFFF, v55;
	v3 =	vmul.f32 v3, v3;
	v4 =	vand.u32 $0x7FFFFFFF, v53  }
0x1d2: {  	v63 =	vld [tilespmem:$0x101B0];
	v5 =	vsub.f32 v51, v52;
	v56 =	vxor.u32 $0x80000000, v4;
	v2 =	vmax.f32 v2, $0.0e+00  }
0x1d3: {  	v12 =	vld [tilespmem:$0xC1A0];
	v1 =	vadd.f32 v3, v1;
	v4 =	vsel vm4, v56, v4;
	v2 =	vmul.f32 v2, v2  }
0x1d4: {  	v3 =	vld [tilespmem:$0x41A0];
	v4 =	vsub.f32 v10, v4  }
0x1d5: {  	v25 =	vld [tilespmem:$0xC1D0];
	v5 =	vand.u32 $0x7FFFFFFF, v5;
	v1 =	vadd.f32 v2, v1;
	v2 =	vsub.f32 v49, v54  }
0x1d6: {  	v13 =	vld [tilespmem:$0x81C0];
	vm5 =	veq.f32 v49, v54;
	v15 =	vsub.f32 v57, v58;
	v61 =	vxor.u32 $0x80000000, v5  }
0x1d7: {  	v60 =	vld [tilespmem:$0xC1B0];
	v5 =	vsel vm5, v61, v5;
	v4 =	vmax.f32 v4, $0.0e+00;
	v2 =	vand.u32 $0x7FFFFFFF, v2  }
0x1d8: {  	v23 =	vld [tilespmem:$0x101D0];
	v20 =	vsub.f32 v62, v63;
	v4 =	vmul.f32 v4, v4;
	v2 =	vsub.f32 v2, v5  }
0x1d9: {  	v19 =	vld [tilespmem:$0x101C0];
	v18 =	vsub.f32 v3, v12;
	vm6 =	veq.f32 v3, v12;
	v5 =	vand.u32 $0x7FFFFFFF, v15  }
0x1da: {  	v16 =	vld [tilespmem:$0x41C0];
	v1 =	vadd.f32 v4, v1;
	v3 =	vxor.u32 $0x80000000, v5;
	v2 =	vmax.f32 v2, $0.0e+00  }
0x1db: {  	v22 =	vld [tilespmem:$0x81D0];
	v11 =	vand.u32 $0x7FFFFFFF, v18;
	v3 =	vsel vm6, v3, v5;
	v2 =	vmul.f32 v2, v2  }
0x1dc: {  	v26 =	vld [tilespmem:$0x41E0];
	vm7 =	veq.f32 v59, v60;
	v3 =	vsub.f32 v11, v3  }
0x1dd: {  	v21 =	vld [tilespmem:$0x41D0];
	v5 =	vand.u32 $0x7FFFFFFF, v20;
	v1 =	vadd.f32 v2, v1;
	v2 =	vsub.f32 v59, v60  }
0x1de: {  	v38 =	vld [tilespmem:$0x8240];
	v27 =	vsub.f32 v13, v19;
	v24 =	vxor.u32 $0x80000000, v5;
	v3 =	vmax.f32 v3, $0.0e+00  }
0x1df: {  	v39 =	vld [tilespmem:$0x10240];
	v5 =	vsel vm7, v24, v5;
	v3 =	vmul.f32 v3, v3;
	v2 =	vand.u32 $0x7FFFFFFF, v2  }
0x1e0: {  	v14 =	vld [tilespmem:$0xC1F0];
	vm8 =	veq.f32 v16, v17;
	v9 =	vsub.f32 v22, v23;
	v2 =	vsub.f32 v2, v5  }
0x1e1: {  	v29 =	vld [tilespmem:$0x81E0];
	v1 =	vadd.f32 v3, v1;
	v3 =	vsub.f32 v16, v17;
	v5 =	vand.u32 $0x7FFFFFFF, v27  }
0x1e2: {  	v30 =	vld [tilespmem:$0x101E0];
	vm9 =	veq.f32 v21, v25;
	v33 =	vsub.f32 v21, v25;
	v31 =	vxor.u32 $0x80000000, v5  }
0x1e3: {  	v32 =	vld [tilespmem:$0x41F0];
	v9 =	vand.u32 $0x7FFFFFFF, v9;
	v3 =	vand.u32 $0x7FFFFFFF, v3;
	v4 =	vsel vm8, v31, v5  }
0x1e4: {  	v35 =	vld [tilespmem:$0x81F0];
	v34 =	vxor.u32 $0x80000000, v9;
	v2 =	vmax.f32 v2, $0.0e+00;
	v3 =	vsub.f32 v3, v4  }
0x1e5: {  	v36 =	vld [tilespmem:$0x101F0];
	v5 =	vand.u32 $0x7FFFFFFF, v33;
	v2 =	vmul.f32 v2, v2;
	v4 =	vsel vm9, v34, v9  }
0x1e6: {  	v40 =	vld [tilespmem:$0xC240];
	v4 =	vsub.f32 v5, v4;
	v3 =	vmax.f32 v3, $0.0e+00  }
0x1e7: {  	v37 =	vld [tilespmem:$0x4240];
	v1 =	vadd.f32 v2, v1;
	v2 =	vmul.f32 v3, v3  }
0x1e8: {  	v46 =	vld [tilespmem:$0x10250];
	vm10 =	veq.f32 v26, v28;
	v4 =	vmax.f32 v4, $0.0e+00  }
0x1e9: {  	v47 =	vld [tilespmem:$0x4260];
	v3 =	vsub.f32 v29, v30;
	v1 =	vadd.f32 v2, v1;
	v2 =	vmul.f32 v4, v4  }
0x1ea: {  	v44 =	vld [tilespmem:$0x8250];
	vm11 =	veq.f32 v32, v14;
	v7 =	vsub.f32 v32, v14;
	v6 =	vsub.f32 v35, v36  }
0x1eb: {  	v51 =	vld [tilespmem:$0x8260];
	v3 =	vand.u32 $0x7FFFFFFF, v3;
	v1 =	vadd.f32 v2, v1;
	v2 =	vsub.f32 v26, v28  }
0x1ec: {  	v52 =	vld [tilespmem:$0x10260];
	v48 =	vsub.f32 v37, v40;
	v6 =	vand.u32 $0x7FFFFFFF, v6;
	v41 =	vxor.u32 $0x80000000, v3  }
0x1ed: {  	v42 =	vld [tilespmem:$0x4250];
	v10 =	vsub.f32 v38, v39;
	v3 =	vsel vm10, v41, v3;
	v2 =	vand.u32 $0x7FFFFFFF, v2  }
0x1ee: {  	v43 =	vld [tilespmem:$0xC250];
	vm12 =	veq.f32 v37, v40;
	v45 =	vxor.u32 $0x80000000, v6;
	v2 =	vsub.f32 v2, v3  }
0x1ef: {  	v53 =	vld [tilespmem:$0x4270];
	v6 =	vsel vm11, v45, v6;
	v10 =	vand.u32 $0x7FFFFFFF, v10;
	v3 =	vand.u32 $0x7FFFFFFF, v7  }
0x1f0: {  	v56 =	vld [tilespmem:$0xC270];
	v50 =	vxor.u32 $0x80000000, v10;
	v3 =	vsub.f32 v3, v6;
	v2 =	vmax.f32 v2, $0.0e+00  }
0x1f1: {  	v49 =	vld [tilespmem:$0xC260];
	v4 =	vsel vm12, v50, v10;
	v6 =	vand.u32 $0x7FFFFFFF, v48;
	v2 =	vmul.f32 v2, v2  }
0x1f2: {  	v55 =	vld [tilespmem:$0x10270];
	v4 =	vsub.f32 v6, v4;
	v3 =	vmax.f32 v3, $0.0e+00  }
0x1f3: {  	v54 =	vld [tilespmem:$0x8270];
	v1 =	vadd.f32 v2, v1;
	v2 =	vmul.f32 v3, v3  }
0x1f4: {  	vm13 =	veq.f32 v42, v43;
	v4 =	vmax.f32 v4, $0.0e+00  }
0x1f5: {  	v3 =	vsub.f32 v44, v46;
	v1 =	vadd.f32 v2, v1;
	v2 =	vmul.f32 v4, v4  }
0x1f6: {  	vm15 =	veq.f32 v53, v56;
	vm14 =	veq.f32 v47, v49;
	v5 =	vsub.f32 v51, v52  }
0x1f7: {  	v3 =	vand.u32 $0x7FFFFFFF, v3;
	v1 =	vadd.f32 v2, v1;
	v2 =	vsub.f32 v42, v43  }
0x1f8: {  	v58 =	vsub.f32 v54, v55;
	v5 =	vand.u32 $0x7FFFFFFF, v5;
	v57 =	vxor.u32 $0x80000000, v3  }
0x1f9: {  	v7 =	vsub.f32 v47, v49;
	v3 =	vsel vm13, v57, v3;
	v2 =	vand.u32 $0x7FFFFFFF, v2  }
0x1fa: {  	v61 =	vand.u32 $0x7FFFFFFF, v58;
	v59 =	vxor.u32 $0x80000000, v5;
	v2 =	vsub.f32 v2, v3  }
0x1fb: {  	v60 =	vand.u32 $0x7FFFFFFF, v7;
	v4 =	vsub.f32 v53, v56;
	v3 =	vsel vm14, v59, v5  }
0x1fc: {  	v62 =	vxor.u32 $0x80000000, v61;
	v3 =	vsub.f32 v60, v3;
	v2 =	vmax.f32 v2, $0.0e+00  }
0x1fd: {  	v4 =	vand.u32 $0x7FFFFFFF, v4;
	v5 =	vsel vm15, v62, v61;
	v2 =	vmul.f32 v2, v2  }
0x1fe: {  	v4 =	vsub.f32 v4, v5;
	v3 =	vmax.f32 v3, $0.0e+00  }
0x1ff: {  	v1 =	vadd.f32 v2, v1;
	v2 =	vmul.f32 v3, v3  }
0x200: {  	v63 =	vld [tilespmem:$0x14000];
	v3 =	vmax.f32 v4, $0.0e+00  }
0x201: {  	v1 =	vadd.f32 v2, v1;
	v2 =	vmul.f32 v3, v3  }
.Ltmp14:
0x202: {  	_ = 	snop;
	(pc) =	sbr.rel .LBB2_23-.Ltmp14, $2  }
0x203: {  	v1 =	vadd.f32 v2, v1;
	_ =	sdelay $0x1  }
0x204: {  	v1 =	vadd.f32 v1, v63;
	_ =	sdelay $0x1  }
.LBB2_25:
0x205: {  	_ =	sfence.sel $0x180000  }
0x206: {  	[bflag:$0x0] =	sbarrier.arrive $0xFFFF  }
0x207: {  	_ =	strace $0x90000047  }
0x208: {  	s0 =	stileid.u32;
	[bflag:$0x2] =	sbarrier.arrive $0xFFFF  }
0x209: {  	p0 =	sne.s32 s0, $0x0;
	s0 =	rddreg [dreg:$0x4]  }
0x20a: {  	s0 =	sadd.s32 @!p0 $0x100000, s0  }
0x20b: {  	[sflag:s0] =	ssyncadd.tile.s32 @!p0 $0x1;
	_ =	shalt  }
.Lfunc_end2:
_tile_overlayer_lowered:
.L_overlay_start_2:
0x20c: {  	(tag) =	ssettag $0x2  }
0x20d: {  	s0 =	rddreg [dreg:$0x0];
	s2 =	stileid.u32  }
0x20e: {  	s1 =	rddreg [dreg:$0x1];
	p0 =	sne.s32 s2, $0x0  }
0x20f: {  	s3 =	rddreg [dreg:$0x2];
	[bflag:$0x3] =	sbarrier.arrive $0xFFFF;
	s2 =	simm.s32 @!p0 $0x1C05  }
0x210: {  	[timem:s3], [sflag:s2] =	dma.local @!p0 [hbm:s0], s1  }
0x211: {  	s0 =	simm.s32 @!p0 $0x5  }
0x212: {  	_ =	swait.ge @!p0 [sflag:s0], s1  }
0x213: {  	s1 =	ssub.s32 @!p0 $0x0, s1;
	[sflag:s0] =	ssyncset.done @!p0 $0x0  }
0x214: {  	[sflag:s0] =	ssyncadd.s32 @!p0 s1  }
0x215: {  	[bflag:$0x3] =	sbarrier.arrive $0xFFFF  }
0x216: {  	_ =	shalt  }

</sc_bundles>
